<compile_context>
chip_gen: v7x
topology: tpu7x:2x2x1
jax: 0.10.2.dev20260603
libtpu: 0.0.44.dev20260713+nightly
codegen_flags: <defaults>
</compile_context>

<pallas_src>
import functools

import jax
import jax.numpy as jnp
from jax import lax
from jax.experimental import pallas as pl
from jax.experimental.pallas import tpu as pltpu
from jax.experimental.pallas import tpu_sc as plsc

BATCH = 16384
ROW = 2048
NSEG = 128
NBLK = ROW // NSEG
LANES = 16
VPB = NSEG // LANES

_info = plsc.get_sparse_core_info()
_NC, _NS = _info.num_cores, _info.num_subcores
NW = _NC * _NS
ROWS_PER_W = BATCH // NW
CHUNK = 8
NCHUNK = ROWS_PER_W // CHUNK


def _sort128_desc(keys, vals):

    def merge_bitonic(ks, vs):
        m = len(ks)
        if m == 1:
            k, v = plsc.sort_key_val(ks[0], vs[0], descending=True)
            return [k], [v]
        h = m // 2
        hi_k, hi_v, lo_k, lo_v = [], [], [], []
        for i in range(h):
            c = ks[i] >= ks[i + h]
            hi_k.append(jnp.where(c, ks[i], ks[i + h]))
            lo_k.append(jnp.where(c, ks[i + h], ks[i]))
            hi_v.append(jnp.where(c, vs[i], vs[i + h]))
            lo_v.append(jnp.where(c, vs[i + h], vs[i]))
        rk1, rv1 = merge_bitonic(hi_k, hi_v)
        rk2, rv2 = merge_bitonic(lo_k, lo_v)
        return rk1 + rk2, rv1 + rv2

    def merge_two(ka, va, kb, vb):
        ks = ka + [lax.rev(x, (0,)) for x in reversed(kb)]
        vs = va + [lax.rev(x, (0,)) for x in reversed(vb)]
        return merge_bitonic(ks, vs)

    runs = []
    for k, v in zip(keys, vals):
        sk, sv = plsc.sort_key_val(k, v, descending=True)
        runs.append(([sk], [sv]))
    while len(runs) > 1:
        nxt = []
        for i in range(0, len(runs), 2):
            (ka, va), (kb, vb) = runs[i], runs[i + 1]
            nxt.append(merge_two(ka, va, kb, vb))
        runs = nxt
    return runs[0]


_mesh = plsc.VectorSubcoreMesh(core_axis_name="c", subcore_axis_name="s")


@functools.partial(
    pl.kernel,
    mesh=_mesh,
    out_type=jax.ShapeDtypeStruct((BATCH, ROW), jnp.float32),
    scratch_types=[
        pltpu.VMEM((2 * CHUNK, ROW), jnp.float32),
        pltpu.VMEM((2 * CHUNK, ROW), jnp.float32),
        pltpu.SemaphoreType.DMA((2,)),
        pltpu.SemaphoreType.DMA((2,)),
    ],
    compiler_params=pltpu.CompilerParams(needs_layout_passes=False),
)
def _perm_canon(in_hbm, out_hbm, in_buf, out_buf, sem_in, sem_out):
    wid = lax.axis_index("s") * _NC + lax.axis_index("c")
    base_row = wid * ROWS_PER_W
    iota = lax.iota(jnp.int32, LANES)

    def load(ci, slot):
        row0 = base_row + ci * CHUNK
        return pltpu.make_async_copy(
            in_hbm.at[pl.ds(row0, CHUNK)],
            in_buf.at[pl.ds(slot * CHUNK, CHUNK)], sem_in.at[slot])

    def store(ci, slot):
        row0 = base_row + ci * CHUNK
        return pltpu.make_async_copy(
            out_buf.at[pl.ds(slot * CHUNK, CHUNK)],
            out_hbm.at[pl.ds(row0, CHUNK)], sem_out.at[slot])

    load(0, 0).start()

    def chunk_body(ci, carry):
        slot = lax.rem(ci, 2)

        @pl.when(ci + 1 < NCHUNK)
        def _prefetch():
            load(ci + 1, 1 - slot).start()

        load(ci, slot).wait()

        @pl.when(ci >= 2)
        def _drain():
            store(ci - 2, slot).wait()

        rbase = slot * CHUNK

        @plsc.parallel_loop(0, CHUNK, unroll=2)
        def row_body(r):
            rr = rbase + r
            keys, vals = [], []
            for v in range(VPB):
                re = in_buf[rr, pl.ds(v * LANES, LANES)]
                im = in_buf[rr, pl.ds(ROW // 2 + v * LANES, LANES)]
                keys.append(re * re + im * im)
                vals.append(iota + (v * LANES))
            _, sv = _sort128_desc(keys, vals)
            r_vec = jnp.zeros((LANES,), jnp.int32) + rr
            for b in range(NBLK):
                for v in range(VPB):
                    idxv = sv[v] + (b * NSEG)
                    g = plsc.load_gather(in_buf, [r_vec, idxv])
                    out_buf[rr, pl.ds(b * NSEG + v * LANES, LANES)] = g

        store(ci, slot).start()
        return carry

    lax.fori_loop(0, NCHUNK, chunk_body, 0)
    store(NCHUNK - 2, lax.rem(NCHUNK - 2, 2)).wait()
    store(NCHUNK - 1, lax.rem(NCHUNK - 1, 2)).wait()


def kernel(inputs):
    return _perm_canon(inputs)

# --- scband reference (transcript-rebuilt; emitter-appended) ---
"""Pipeline reference for scband-perm-canonicalization-84232898609721 (READ-ONLY COPY).

The authoritative reference and input builder live on the scoring server;
editing this copy changes nothing except your own understanding.
"""

import jax, jax.numpy as jnp
import numpy as np

AMBIENT = [127, 127, 127, 127, 127, 127, 127, 127]
BATCH = 16384
N_COORDS = sum(a + 1 for a in AMBIENT)  # 1024


def setup_inputs(seed: int = 0) -> dict:
    key = jax.random.key(seed)
    inputs = jax.random.normal(key, (BATCH, 2 * N_COORDS), dtype=jnp.float32)
    return {"inputs": inputs}


def reference(inputs):
    # real_to_complex: split [B, 2n] -> real [B, n], imag [B, n]
    real, imag = jnp.split(inputs, 2, axis=-1)
    sizes = [a + 1 for a in AMBIENT]
    offs = np.cumsum([0] + sizes)
    real_splits = [real[:, offs[i]:offs[i + 1]] for i in range(len(sizes))]
    imag_splits = [imag[:, offs[i]:offs[i + 1]] for i in range(len(sizes))]
    # |z| of the first ambient factor; real arithmetic equivalent of tf.math.abs(complex)
    norms = jnp.sqrt(real_splits[0] ** 2 + imag_splits[0] ** 2)
    # descending argsort (matches tf.argsort direction='DESCENDING')
    idx_sort = jnp.argsort(-norms, axis=-1)
    real_outs = []
    imag_outs = []
    for i in range(len(sizes)):
        # tf.gather(..., batch_dims=1) == take_along_axis with per-batch indices
        real_outs.append(jnp.take_along_axis(real_splits[i], idx_sort, axis=-1))
        imag_outs.append(jnp.take_along_axis(imag_splits[i], idx_sort, axis=-1))
    real_out = jnp.concatenate(real_outs, axis=-1)
    imag_out = jnp.concatenate(imag_outs, axis=-1)
    outputs = jnp.concatenate([real_out, imag_out], axis=-1)
    return outputs

if __name__ == "__main__":
    import jax
    _d = setup_inputs()
    print(jax.jit(kernel)(*tuple(_d.values())))

</pallas_src>

<mosaic_0001>
#map = affine_map<(d0, d1) -> (0, 0)>
module attributes {stable_mosaic.version = 14 : i64} {
  func.func @_perm_canon(%arg0: i32, %arg1: i32, %arg2: memref<16384x2048xf32, #tpu.memory_space<hbm>>, %arg3: memref<16384x2048xf32, #tpu.memory_space<hbm>>, %arg4: memref<16x2048xf32, #tpu.memory_space<vmem>>, %arg5: memref<16x2048xf32, #tpu.memory_space<vmem>>, %arg6: memref<2x!tpu.dma_semaphore, #tpu.memory_space<semaphore_mem>>, %arg7: memref<2x!tpu.dma_semaphore, #tpu.memory_space<semaphore_mem>>) attributes {dimension_semantics = [#tpu.dimension_semantics<core_parallel>, #tpu.dimension_semantics<subcore_parallel>], iteration_bounds = array<i64: 2, 16>, scalar_prefetch = 0 : i64, scratch_operands = 4 : i64, tpu.core_type = #tpu.core_type<sc_vector_subcore>, window_params = [{transform_indices = #map}, {transform_indices = #map}]} {
    %mul3A = arith.constant 2 : i32
    %mul3A_0 = arith.muli %arg1, %mul3A : i32
    %add3A = arith.addi %mul3A_0, %arg0 : i32
    %mul3A_1 = arith.constant 512 : i32
    %mul3A_2 = arith.muli %add3A, %mul3A_1 : i32
    %iota3A = tpu.iota {dimensions = array<i32: 0>} : vector<16xi32>
    %add3A_3 = arith.constant 0 : i32
    %add3A_4 = arith.addi %mul3A_2, %add3A_3 : i32
    %dma_start3A = arith.constant 0 : i32
    %dma_start3A_5 = arith.constant 0 : i32
    %dma_start3A_6 = arith.constant 0 : i32
    %dma_start3A_7 = tpu.memref_slice %arg4[%dma_start3A_5, %dma_start3A_6] : memref<16x2048xf32, #tpu.memory_space<vmem>> -> memref<8x2048xf32, #tpu.memory_space<vmem>>
    %dma_start3A_8 = arith.constant 0 : i32
    %dma_start3A_9 = tpu.memref_slice %arg2[%add3A_4, %dma_start3A_8] : memref<16384x2048xf32, #tpu.memory_space<hbm>> -> memref<8x2048xf32, #tpu.memory_space<hbm>>
    %dma_start3A_10 = tpu.memref_slice %arg6[%dma_start3A] : memref<2x!tpu.dma_semaphore, #tpu.memory_space<semaphore_mem>> -> memref<1x!tpu.dma_semaphore, #tpu.memory_space<semaphore_mem>>
    %dma_start3A_11 = tpu.memref_squeeze %dma_start3A_10 : memref<1x!tpu.dma_semaphore, #tpu.memory_space<semaphore_mem>> -> memref<!tpu.dma_semaphore, #tpu.memory_space<semaphore_mem>>
    %dma_start3A_12 = arith.constant 0 : i32
    %dma_start3A_13 = arith.constant 0 : i32
    %dma_start3A_14 = tpu.memref_slice %arg4[%dma_start3A_12, %dma_start3A_13] : memref<16x2048xf32, #tpu.memory_space<vmem>> -> memref<8x2048xf32, #tpu.memory_space<vmem>>
    %dma_start3A_15 = arith.constant 0 : i32
    %dma_start3A_16 = tpu.memref_slice %arg2[%add3A_4, %dma_start3A_15] : memref<16384x2048xf32, #tpu.memory_space<hbm>> -> memref<8x2048xf32, #tpu.memory_space<hbm>>
    tpu.enqueue_dma source(%dma_start3A_16 : memref<8x2048xf32, #tpu.memory_space<hbm>>) target(%dma_start3A_14 : memref<8x2048xf32, #tpu.memory_space<vmem>>) target_semaphore(%dma_start3A_11 : memref<!tpu.dma_semaphore, #tpu.memory_space<semaphore_mem>>)
    %scan3A = arith.constant 0 : i32
    %scan3A_17 = arith.constant 0 : i32
    %scan3A_18 = arith.constant 64 : i32
    %scan3A_19 = arith.addi %scan3A_17, %scan3A_18 : i32
    %scan3A_20 = arith.constant 1 : i32
    scf.for %scan3A_54 = %scan3A_17 to %scan3A_19 step %scan3A_20  : i32 {
      %rem3A_55 = arith.constant 2 : i32
      %rem3A_56 = arith.remsi %scan3A_54, %rem3A_55 : i32
      %add3A_57 = arith.constant 1 : i32
      %add3A_58 = arith.addi %scan3A_54, %add3A_57 : i32
      %lt3A = arith.constant 64 : i32
      %lt3A_59 = arith.cmpi slt, %add3A_58, %lt3A : i32
      %convert_element_type3A = arith.extui %lt3A_59 : i1 to i32
      %cond3A = arith.constant 0 : i32
      %cond3A_60 = arith.cmpi ne, %convert_element_type3A, %cond3A : i32
      scf.if %cond3A_60 {
        %add3A_99 = arith.constant 1 : i32
        %add3A_100 = arith.addi %scan3A_54, %add3A_99 : i32
        %sub3A = arith.constant 1 : i32
        %sub3A_101 = arith.subi %sub3A, %rem3A_56 : i32
        %mul3A_102 = arith.constant 8 : i32
        %mul3A_103 = arith.muli %add3A_100, %mul3A_102 : i32
        %add3A_104 = arith.addi %mul3A_2, %mul3A_103 : i32
        %mul3A_105 = arith.constant 8 : i32
        %mul3A_106 = arith.muli %sub3A_101, %mul3A_105 : i32
        %dma_start3A_107 = arith.constant 0 : i32
        %dma_start3A_108 = tpu.memref_slice %arg4[%mul3A_106, %dma_start3A_107] : memref<16x2048xf32, #tpu.memory_space<vmem>> -> memref<8x2048xf32, #tpu.memory_space<vmem>>
        %dma_start3A_109 = arith.constant 0 : i32
        %dma_start3A_110 = tpu.memref_slice %arg2[%add3A_104, %dma_start3A_109] : memref<16384x2048xf32, #tpu.memory_space<hbm>> -> memref<8x2048xf32, #tpu.memory_space<hbm>>
        %dma_start3A_111 = tpu.memref_slice %arg6[%sub3A_101] : memref<2x!tpu.dma_semaphore, #tpu.memory_space<semaphore_mem>> -> memref<1x!tpu.dma_semaphore, #tpu.memory_space<semaphore_mem>>
        %dma_start3A_112 = tpu.memref_squeeze %dma_start3A_111 : memref<1x!tpu.dma_semaphore, #tpu.memory_space<semaphore_mem>> -> memref<!tpu.dma_semaphore, #tpu.memory_space<semaphore_mem>>
        %dma_start3A_113 = arith.constant 0 : i32
        %dma_start3A_114 = tpu.memref_slice %arg4[%mul3A_106, %dma_start3A_113] : memref<16x2048xf32, #tpu.memory_space<vmem>> -> memref<8x2048xf32, #tpu.memory_space<vmem>>
        %dma_start3A_115 = arith.constant 0 : i32
        %dma_start3A_116 = tpu.memref_slice %arg2[%add3A_104, %dma_start3A_115] : memref<16384x2048xf32, #tpu.memory_space<hbm>> -> memref<8x2048xf32, #tpu.memory_space<hbm>>
        tpu.enqueue_dma source(%dma_start3A_116 : memref<8x2048xf32, #tpu.memory_space<hbm>>) target(%dma_start3A_114 : memref<8x2048xf32, #tpu.memory_space<vmem>>) target_semaphore(%dma_start3A_112 : memref<!tpu.dma_semaphore, #tpu.memory_space<semaphore_mem>>)
      } else {
      }
      %mul3A_61 = arith.constant 8 : i32
      %mul3A_62 = arith.muli %scan3A_54, %mul3A_61 : i32
      %add3A_63 = arith.addi %mul3A_2, %mul3A_62 : i32
      %mul3A_64 = arith.constant 8 : i32
      %mul3A_65 = arith.muli %rem3A_56, %mul3A_64 : i32
      %dma_wait3A_66 = arith.constant 0 : i32
      %dma_wait3A_67 = tpu.memref_slice %arg4[%mul3A_65, %dma_wait3A_66] : memref<16x2048xf32, #tpu.memory_space<vmem>> -> memref<8x2048xf32, #tpu.memory_space<vmem>>
      %dma_wait3A_68 = arith.constant 0 : i32
      %dma_wait3A_69 = tpu.memref_slice %arg2[%add3A_63, %dma_wait3A_68] : memref<16384x2048xf32, #tpu.memory_space<hbm>> -> memref<8x2048xf32, #tpu.memory_space<hbm>>
      %dma_wait3A_70 = tpu.memref_slice %arg6[%rem3A_56] : memref<2x!tpu.dma_semaphore, #tpu.memory_space<semaphore_mem>> -> memref<1x!tpu.dma_semaphore, #tpu.memory_space<semaphore_mem>>
      %dma_wait3A_71 = tpu.memref_squeeze %dma_wait3A_70 : memref<1x!tpu.dma_semaphore, #tpu.memory_space<semaphore_mem>> -> memref<!tpu.dma_semaphore, #tpu.memory_space<semaphore_mem>>
      %dma_wait3A_72 = arith.constant 0 : i32
      %dma_wait3A_73 = tpu.memref_slice %arg4[%mul3A_65, %dma_wait3A_72] : memref<16x2048xf32, #tpu.memory_space<vmem>> -> memref<8x2048xf32, #tpu.memory_space<vmem>>
      %dma_wait3A_74 = arith.constant 0 : i32
      %dma_wait3A_75 = tpu.memref_slice %arg2[%add3A_63, %dma_wait3A_74] : memref<16384x2048xf32, #tpu.memory_space<hbm>> -> memref<8x2048xf32, #tpu.memory_space<hbm>>
      tpu.wait_dma2 semaphore(%dma_wait3A_71 : memref<!tpu.dma_semaphore, #tpu.memory_space<semaphore_mem>>) src(%dma_wait3A_75 : memref<8x2048xf32, #tpu.memory_space<hbm>>) dst(%dma_wait3A_73 : memref<8x2048xf32, #tpu.memory_space<vmem>>)
      %ge3A = arith.constant 2 : i32
      %ge3A_76 = arith.cmpi sge, %scan3A_54, %ge3A : i32
      %convert_element_type3A_77 = arith.extui %ge3A_76 : i1 to i32
      %cond3A_78 = arith.constant 0 : i32
      %cond3A_79 = arith.cmpi ne, %convert_element_type3A_77, %cond3A_78 : i32
      scf.if %cond3A_79 {
        %sub3A = arith.constant 2 : i32
        %sub3A_99 = arith.subi %scan3A_54, %sub3A : i32
        %mul3A_100 = arith.constant 8 : i32
        %mul3A_101 = arith.muli %sub3A_99, %mul3A_100 : i32
        %add3A_102 = arith.addi %mul3A_2, %mul3A_101 : i32
        %mul3A_103 = arith.constant 8 : i32
        %mul3A_104 = arith.muli %rem3A_56, %mul3A_103 : i32
        %dma_wait3A_105 = arith.constant 0 : i32
        %dma_wait3A_106 = tpu.memref_slice %arg5[%mul3A_104, %dma_wait3A_105] : memref<16x2048xf32, #tpu.memory_space<vmem>> -> memref<8x2048xf32, #tpu.memory_space<vmem>>
        %dma_wait3A_107 = arith.constant 0 : i32
        %dma_wait3A_108 = tpu.memref_slice %arg3[%add3A_102, %dma_wait3A_107] : memref<16384x2048xf32, #tpu.memory_space<hbm>> -> memref<8x2048xf32, #tpu.memory_space<hbm>>
        %dma_wait3A_109 = tpu.memref_slice %arg7[%rem3A_56] : memref<2x!tpu.dma_semaphore, #tpu.memory_space<semaphore_mem>> -> memref<1x!tpu.dma_semaphore, #tpu.memory_space<semaphore_mem>>
        %dma_wait3A_110 = tpu.memref_squeeze %dma_wait3A_109 : memref<1x!tpu.dma_semaphore, #tpu.memory_space<semaphore_mem>> -> memref<!tpu.dma_semaphore, #tpu.memory_space<semaphore_mem>>
        %dma_wait3A_111 = arith.constant 0 : i32
        %dma_wait3A_112 = tpu.memref_slice %arg3[%add3A_102, %dma_wait3A_111] : memref<16384x2048xf32, #tpu.memory_space<hbm>> -> memref<8x2048xf32, #tpu.memory_space<hbm>>
        %dma_wait3A_113 = arith.constant 0 : i32
        %dma_wait3A_114 = tpu.memref_slice %arg5[%mul3A_104, %dma_wait3A_113] : memref<16x2048xf32, #tpu.memory_space<vmem>> -> memref<8x2048xf32, #tpu.memory_space<vmem>>
        tpu.wait_dma2 semaphore(%dma_wait3A_110 : memref<!tpu.dma_semaphore, #tpu.memory_space<semaphore_mem>>) src(%dma_wait3A_114 : memref<8x2048xf32, #tpu.memory_space<vmem>>) dst(%dma_wait3A_112 : memref<8x2048xf32, #tpu.memory_space<hbm>>)
      } else {
      }
      %mul3A_80 = arith.constant 8 : i32
      %mul3A_81 = arith.muli %rem3A_56, %mul3A_80 : i32
      %parallel_loop3A = arith.constant 0 : i32
      %parallel_loop3A_82 = arith.constant 8 : i32
      %parallel_loop3A_83 = arith.constant 1 : i32
      scf.for %parallel_loop3A_99 = %parallel_loop3A to %parallel_loop3A_82 step %parallel_loop3A_83  : i32 {
        %parallel_loop3A_100 = arith.addi %mul3A_81, %parallel_loop3A_99 : i32
        %parallel_loop3A_101 = arith.index_cast %parallel_loop3A_100 : i32 to index
        %parallel_loop3A_102 = arith.constant 0 : index
        %parallel_loop3A_103 = tpu.vector_load %arg4[%parallel_loop3A_101, %parallel_loop3A_102] {strides = array<i32>} : memref<16x2048xf32, #tpu.memory_space<vmem>>, vector<16xf32>,
        %parallel_loop3A_104 = arith.index_cast %parallel_loop3A_100 : i32 to index
        %parallel_loop3A_105 = arith.constant 1024 : index
        %parallel_loop3A_106 = tpu.vector_load %arg4[%parallel_loop3A_104, %parallel_loop3A_105] {strides = array<i32>} : memref<16x2048xf32, #tpu.memory_space<vmem>>, vector<16xf32>,
        %parallel_loop3A_107 = arith.mulf %parallel_loop3A_103, %parallel_loop3A_103 : vector<16xf32>
        %parallel_loop3A_108 = arith.mulf %parallel_loop3A_106, %parallel_loop3A_106 : vector<16xf32>
        %parallel_loop3A_109 = arith.addf %parallel_loop3A_107, %parallel_loop3A_108 : vector<16xf32>
        %parallel_loop3A_110 = arith.constant 0 : i32
        %parallel_loop3A_111 = vector.broadcast %parallel_loop3A_110 : i32 to vector<16xi32>
        %parallel_loop3A_112 = arith.addi %iota3A, %parallel_loop3A_111 : vector<16xi32>
        %parallel_loop3A_113 = arith.index_cast %parallel_loop3A_100 : i32 to index
        %parallel_loop3A_114 = arith.constant 16 : index
        %parallel_loop3A_115 = tpu.vector_load %arg4[%parallel_loop3A_113, %parallel_loop3A_114] {strides = array<i32>} : memref<16x2048xf32, #tpu.memory_space<vmem>>, vector<16xf32>,
        %parallel_loop3A_116 = arith.index_cast %parallel_loop3A_100 : i32 to index
        %parallel_loop3A_117 = arith.constant 1040 : index
        %parallel_loop3A_118 = tpu.vector_load %arg4[%parallel_loop3A_116, %parallel_loop3A_117] {strides = array<i32>} : memref<16x2048xf32, #tpu.memory_space<vmem>>, vector<16xf32>,
        %parallel_loop3A_119 = arith.mulf %parallel_loop3A_115, %parallel_loop3A_115 : vector<16xf32>
        %parallel_loop3A_120 = arith.mulf %parallel_loop3A_118, %parallel_loop3A_118 : vector<16xf32>
        %parallel_loop3A_121 = arith.addf %parallel_loop3A_119, %parallel_loop3A_120 : vector<16xf32>
        %parallel_loop3A_122 = arith.constant 16 : i32
        %parallel_loop3A_123 = vector.broadcast %parallel_loop3A_122 : i32 to vector<16xi32>
        %parallel_loop3A_124 = arith.addi %iota3A, %parallel_loop3A_123 : vector<16xi32>
        %parallel_loop3A_125 = arith.index_cast %parallel_loop3A_100 : i32 to index
        %parallel_loop3A_126 = arith.constant 32 : index
        %parallel_loop3A_127 = tpu.vector_load %arg4[%parallel_loop3A_125, %parallel_loop3A_126] {strides = array<i32>} : memref<16x2048xf32, #tpu.memory_space<vmem>>, vector<16xf32>,
        %parallel_loop3A_128 = arith.index_cast %parallel_loop3A_100 : i32 to index
        %parallel_loop3A_129 = arith.constant 1056 : index
        %parallel_loop3A_130 = tpu.vector_load %arg4[%parallel_loop3A_128, %parallel_loop3A_129] {strides = array<i32>} : memref<16x2048xf32, #tpu.memory_space<vmem>>, vector<16xf32>,
        %parallel_loop3A_131 = arith.mulf %parallel_loop3A_127, %parallel_loop3A_127 : vector<16xf32>
        %parallel_loop3A_132 = arith.mulf %parallel_loop3A_130, %parallel_loop3A_130 : vector<16xf32>
        %parallel_loop3A_133 = arith.addf %parallel_loop3A_131, %parallel_loop3A_132 : vector<16xf32>
        %parallel_loop3A_134 = arith.constant 32 : i32
        %parallel_loop3A_135 = vector.broadcast %parallel_loop3A_134 : i32 to vector<16xi32>
        %parallel_loop3A_136 = arith.addi %iota3A, %parallel_loop3A_135 : vector<16xi32>
        %parallel_loop3A_137 = arith.index_cast %parallel_loop3A_100 : i32 to index
        %parallel_loop3A_138 = arith.constant 48 : index
        %parallel_loop3A_139 = tpu.vector_load %arg4[%parallel_loop3A_137, %parallel_loop3A_138] {strides = array<i32>} : memref<16x2048xf32, #tpu.memory_space<vmem>>, vector<16xf32>,
        %parallel_loop3A_140 = arith.index_cast %parallel_loop3A_100 : i32 to index
        %parallel_loop3A_141 = arith.constant 1072 : index
        %parallel_loop3A_142 = tpu.vector_load %arg4[%parallel_loop3A_140, %parallel_loop3A_141] {strides = array<i32>} : memref<16x2048xf32, #tpu.memory_space<vmem>>, vector<16xf32>,
        %parallel_loop3A_143 = arith.mulf %parallel_loop3A_139, %parallel_loop3A_139 : vector<16xf32>
        %parallel_loop3A_144 = arith.mulf %parallel_loop3A_142, %parallel_loop3A_142 : vector<16xf32>
        %parallel_loop3A_145 = arith.addf %parallel_loop3A_143, %parallel_loop3A_144 : vector<16xf32>
        %parallel_loop3A_146 = arith.constant 48 : i32
        %parallel_loop3A_147 = vector.broadcast %parallel_loop3A_146 : i32 to vector<16xi32>
        %parallel_loop3A_148 = arith.addi %iota3A, %parallel_loop3A_147 : vector<16xi32>
        %parallel_loop3A_149 = arith.index_cast %parallel_loop3A_100 : i32 to index
        %parallel_loop3A_150 = arith.constant 64 : index
        %parallel_loop3A_151 = tpu.vector_load %arg4[%parallel_loop3A_149, %parallel_loop3A_150] {strides = array<i32>} : memref<16x2048xf32, #tpu.memory_space<vmem>>, vector<16xf32>,
        %parallel_loop3A_152 = arith.index_cast %parallel_loop3A_100 : i32 to index
        %parallel_loop3A_153 = arith.constant 1088 : index
        %parallel_loop3A_154 = tpu.vector_load %arg4[%parallel_loop3A_152, %parallel_loop3A_153] {strides = array<i32>} : memref<16x2048xf32, #tpu.memory_space<vmem>>, vector<16xf32>,
        %parallel_loop3A_155 = arith.mulf %parallel_loop3A_151, %parallel_loop3A_151 : vector<16xf32>
        %parallel_loop3A_156 = arith.mulf %parallel_loop3A_154, %parallel_loop3A_154 : vector<16xf32>
        %parallel_loop3A_157 = arith.addf %parallel_loop3A_155, %parallel_loop3A_156 : vector<16xf32>
        %parallel_loop3A_158 = arith.constant 64 : i32
        %parallel_loop3A_159 = vector.broadcast %parallel_loop3A_158 : i32 to vector<16xi32>
        %parallel_loop3A_160 = arith.addi %iota3A, %parallel_loop3A_159 : vector<16xi32>
        %parallel_loop3A_161 = arith.index_cast %parallel_loop3A_100 : i32 to index
        %parallel_loop3A_162 = arith.constant 80 : index
        %parallel_loop3A_163 = tpu.vector_load %arg4[%parallel_loop3A_161, %parallel_loop3A_162] {strides = array<i32>} : memref<16x2048xf32, #tpu.memory_space<vmem>>, vector<16xf32>,
        %parallel_loop3A_164 = arith.index_cast %parallel_loop3A_100 : i32 to index
        %parallel_loop3A_165 = arith.constant 1104 : index
        %parallel_loop3A_166 = tpu.vector_load %arg4[%parallel_loop3A_164, %parallel_loop3A_165] {strides = array<i32>} : memref<16x2048xf32, #tpu.memory_space<vmem>>, vector<16xf32>,
        %parallel_loop3A_167 = arith.mulf %parallel_loop3A_163, %parallel_loop3A_163 : vector<16xf32>
        %parallel_loop3A_168 = arith.mulf %parallel_loop3A_166, %parallel_loop3A_166 : vector<16xf32>
        %parallel_loop3A_169 = arith.addf %parallel_loop3A_167, %parallel_loop3A_168 : vector<16xf32>
        %parallel_loop3A_170 = arith.constant 80 : i32
        %parallel_loop3A_171 = vector.broadcast %parallel_loop3A_170 : i32 to vector<16xi32>
        %parallel_loop3A_172 = arith.addi %iota3A, %parallel_loop3A_171 : vector<16xi32>
        %parallel_loop3A_173 = arith.index_cast %parallel_loop3A_100 : i32 to index
        %parallel_loop3A_174 = arith.constant 96 : index
        %parallel_loop3A_175 = tpu.vector_load %arg4[%parallel_loop3A_173, %parallel_loop3A_174] {strides = array<i32>} : memref<16x2048xf32, #tpu.memory_space<vmem>>, vector<16xf32>,
        %parallel_loop3A_176 = arith.index_cast %parallel_loop3A_100 : i32 to index
        %parallel_loop3A_177 = arith.constant 1120 : index
        %parallel_loop3A_178 = tpu.vector_load %arg4[%parallel_loop3A_176, %parallel_loop3A_177] {strides = array<i32>} : memref<16x2048xf32, #tpu.memory_space<vmem>>, vector<16xf32>,
        %parallel_loop3A_179 = arith.mulf %parallel_loop3A_175, %parallel_loop3A_175 : vector<16xf32>
        %parallel_loop3A_180 = arith.mulf %parallel_loop3A_178, %parallel_loop3A_178 : vector<16xf32>
        %parallel_loop3A_181 = arith.addf %parallel_loop3A_179, %parallel_loop3A_180 : vector<16xf32>
        %parallel_loop3A_182 = arith.constant 96 : i32
        %parallel_loop3A_183 = vector.broadcast %parallel_loop3A_182 : i32 to vector<16xi32>
        %parallel_loop3A_184 = arith.addi %iota3A, %parallel_loop3A_183 : vector<16xi32>
        %parallel_loop3A_185 = arith.index_cast %parallel_loop3A_100 : i32 to index
        %parallel_loop3A_186 = arith.constant 112 : index
        %parallel_loop3A_187 = tpu.vector_load %arg4[%parallel_loop3A_185, %parallel_loop3A_186] {strides = array<i32>} : memref<16x2048xf32, #tpu.memory_space<vmem>>, vector<16xf32>,
        %parallel_loop3A_188 = arith.index_cast %parallel_loop3A_100 : i32 to index
        %parallel_loop3A_189 = arith.constant 1136 : index
        %parallel_loop3A_190 = tpu.vector_load %arg4[%parallel_loop3A_188, %parallel_loop3A_189] {strides = array<i32>} : memref<16x2048xf32, #tpu.memory_space<vmem>>, vector<16xf32>,
        %parallel_loop3A_191 = arith.mulf %parallel_loop3A_187, %parallel_loop3A_187 : vector<16xf32>
        %parallel_loop3A_192 = arith.mulf %parallel_loop3A_190, %parallel_loop3A_190 : vector<16xf32>
        %parallel_loop3A_193 = arith.addf %parallel_loop3A_191, %parallel_loop3A_192 : vector<16xf32>
        %parallel_loop3A_194 = arith.constant 112 : i32
        %parallel_loop3A_195 = vector.broadcast %parallel_loop3A_194 : i32 to vector<16xi32>
        %parallel_loop3A_196 = arith.addi %iota3A, %parallel_loop3A_195 : vector<16xi32>
        %parallel_loop3A_197 = arith.constant dense<true> : vector<16xi1>
        %parallel_loop3A_198, %parallel_loop3A_199, %parallel_loop3A_200 = tpu.sort %parallel_loop3A_109, %parallel_loop3A_112 masked %parallel_loop3A_197 {descending = true} : (vector<16xf32>, vector<16xi32>, vector<16xi1>) -> (vector<16xi1>, vector<16xf32>, vector<16xi32>)
        %parallel_loop3A_201 = arith.constant dense<true> : vector<16xi1>
        %parallel_loop3A_202, %parallel_loop3A_203, %parallel_loop3A_204 = tpu.sort %parallel_loop3A_121, %parallel_loop3A_124 masked %parallel_loop3A_201 {descending = true} : (vector<16xf32>, vector<16xi32>, vector<16xi1>) -> (vector<16xi1>, vector<16xf32>, vector<16xi32>)
        %parallel_loop3A_205 = arith.constant dense<true> : vector<16xi1>
        %parallel_loop3A_206, %parallel_loop3A_207, %parallel_loop3A_208 = tpu.sort %parallel_loop3A_133, %parallel_loop3A_136 masked %parallel_loop3A_205 {descending = true} : (vector<16xf32>, vector<16xi32>, vector<16xi1>) -> (vector<16xi1>, vector<16xf32>, vector<16xi32>)
        %parallel_loop3A_209 = arith.constant dense<true> : vector<16xi1>
        %parallel_loop3A_210, %parallel_loop3A_211, %parallel_loop3A_212 = tpu.sort %parallel_loop3A_145, %parallel_loop3A_148 masked %parallel_loop3A_209 {descending = true} : (vector<16xf32>, vector<16xi32>, vector<16xi1>) -> (vector<16xi1>, vector<16xf32>, vector<16xi32>)
        %parallel_loop3A_213 = arith.constant dense<true> : vector<16xi1>
        %parallel_loop3A_214, %parallel_loop3A_215, %parallel_loop3A_216 = tpu.sort %parallel_loop3A_157, %parallel_loop3A_160 masked %parallel_loop3A_213 {descending = true} : (vector<16xf32>, vector<16xi32>, vector<16xi1>) -> (vector<16xi1>, vector<16xf32>, vector<16xi32>)
        %parallel_loop3A_217 = arith.constant dense<true> : vector<16xi1>
        %parallel_loop3A_218, %parallel_loop3A_219, %parallel_loop3A_220 = tpu.sort %parallel_loop3A_169, %parallel_loop3A_172 masked %parallel_loop3A_217 {descending = true} : (vector<16xf32>, vector<16xi32>, vector<16xi1>) -> (vector<16xi1>, vector<16xf32>, vector<16xi32>)
        %parallel_loop3A_221 = arith.constant dense<true> : vector<16xi1>
        %parallel_loop3A_222, %parallel_loop3A_223, %parallel_loop3A_224 = tpu.sort %parallel_loop3A_181, %parallel_loop3A_184 masked %parallel_loop3A_221 {descending = true} : (vector<16xf32>, vector<16xi32>, vector<16xi1>) -> (vector<16xi1>, vector<16xf32>, vector<16xi32>)
        %parallel_loop3A_225 = arith.constant dense<true> : vector<16xi1>
        %parallel_loop3A_226, %parallel_loop3A_227, %parallel_loop3A_228 = tpu.sort %parallel_loop3A_193, %parallel_loop3A_196 masked %parallel_loop3A_225 {descending = true} : (vector<16xf32>, vector<16xi32>, vector<16xi1>) -> (vector<16xi1>, vector<16xf32>, vector<16xi32>)
        %parallel_loop3A_229 = arith.constant 15 : i32
        %parallel_loop3A_230 = vector.broadcast %parallel_loop3A_229 : i32 to vector<16xi32>
        %parallel_loop3A_231 = tpu.iota {dimensions = array<i32: 0>} : vector<16xi32>
        %parallel_loop3A_232 = arith.subi %parallel_loop3A_230, %parallel_loop3A_231 : vector<16xi32>
        %parallel_loop3A_233 = tpu.dynamic_gather %parallel_loop3A_203[%parallel_loop3A_232] in [0] : vector<16xf32>, vector<16xi32> -> vector<16xf32>
        %parallel_loop3A_234 = arith.constant 15 : i32
        %parallel_loop3A_235 = vector.broadcast %parallel_loop3A_234 : i32 to vector<16xi32>
        %parallel_loop3A_236 = tpu.iota {dimensions = array<i32: 0>} : vector<16xi32>
        %parallel_loop3A_237 = arith.subi %parallel_loop3A_235, %parallel_loop3A_236 : vector<16xi32>
        %parallel_loop3A_238 = tpu.dynamic_gather %parallel_loop3A_204[%parallel_loop3A_237] in [0] : vector<16xi32>, vector<16xi32> -> vector<16xi32>
        %parallel_loop3A_239 = arith.cmpf oge, %parallel_loop3A_199, %parallel_loop3A_233 : vector<16xf32>
        %parallel_loop3A_240 = arith.select %parallel_loop3A_239, %parallel_loop3A_199, %parallel_loop3A_233 : vector<16xi1>, vector<16xf32>
        %parallel_loop3A_241 = arith.select %parallel_loop3A_239, %parallel_loop3A_233, %parallel_loop3A_199 : vector<16xi1>, vector<16xf32>
        %parallel_loop3A_242 = arith.select %parallel_loop3A_239, %parallel_loop3A_200, %parallel_loop3A_238 : vector<16xi1>, vector<16xi32>
        %parallel_loop3A_243 = arith.select %parallel_loop3A_239, %parallel_loop3A_238, %parallel_loop3A_200 : vector<16xi1>, vector<16xi32>
        %parallel_loop3A_244 = arith.constant dense<true> : vector<16xi1>
        %parallel_loop3A_245, %parallel_loop3A_246, %parallel_loop3A_247 = tpu.sort %parallel_loop3A_240, %parallel_loop3A_242 masked %parallel_loop3A_244 {descending = true} : (vector<16xf32>, vector<16xi32>, vector<16xi1>) -> (vector<16xi1>, vector<16xf32>, vector<16xi32>)
        %parallel_loop3A_248 = arith.constant dense<true> : vector<16xi1>
        %parallel_loop3A_249, %parallel_loop3A_250, %parallel_loop3A_251 = tpu.sort %parallel_loop3A_241, %parallel_loop3A_243 masked %parallel_loop3A_248 {descending = true} : (vector<16xf32>, vector<16xi32>, vector<16xi1>) -> (vector<16xi1>, vector<16xf32>, vector<16xi32>)
        %parallel_loop3A_252 = arith.constant 15 : i32
        %parallel_loop3A_253 = vector.broadcast %parallel_loop3A_252 : i32 to vector<16xi32>
        %parallel_loop3A_254 = tpu.iota {dimensions = array<i32: 0>} : vector<16xi32>
        %parallel_loop3A_255 = arith.subi %parallel_loop3A_253, %parallel_loop3A_254 : vector<16xi32>
        %parallel_loop3A_256 = tpu.dynamic_gather %parallel_loop3A_211[%parallel_loop3A_255] in [0] : vector<16xf32>, vector<16xi32> -> vector<16xf32>
        %parallel_loop3A_257 = arith.constant 15 : i32
        %parallel_loop3A_258 = vector.broadcast %parallel_loop3A_257 : i32 to vector<16xi32>
        %parallel_loop3A_259 = tpu.iota {dimensions = array<i32: 0>} : vector<16xi32>
        %parallel_loop3A_260 = arith.subi %parallel_loop3A_258, %parallel_loop3A_259 : vector<16xi32>
        %parallel_loop3A_261 = tpu.dynamic_gather %parallel_loop3A_212[%parallel_loop3A_260] in [0] : vector<16xi32>, vector<16xi32> -> vector<16xi32>
        %parallel_loop3A_262 = arith.cmpf oge, %parallel_loop3A_207, %parallel_loop3A_256 : vector<16xf32>
        %parallel_loop3A_263 = arith.select %parallel_loop3A_262, %parallel_loop3A_207, %parallel_loop3A_256 : vector<16xi1>, vector<16xf32>
        %parallel_loop3A_264 = arith.select %parallel_loop3A_262, %parallel_loop3A_256, %parallel_loop3A_207 : vector<16xi1>, vector<16xf32>
        %parallel_loop3A_265 = arith.select %parallel_loop3A_262, %parallel_loop3A_208, %parallel_loop3A_261 : vector<16xi1>, vector<16xi32>
        %parallel_loop3A_266 = arith.select %parallel_loop3A_262, %parallel_loop3A_261, %parallel_loop3A_208 : vector<16xi1>, vector<16xi32>
        %parallel_loop3A_267 = arith.constant dense<true> : vector<16xi1>
        %parallel_loop3A_268, %parallel_loop3A_269, %parallel_loop3A_270 = tpu.sort %parallel_loop3A_263, %parallel_loop3A_265 masked %parallel_loop3A_267 {descending = true} : (vector<16xf32>, vector<16xi32>, vector<16xi1>) -> (vector<16xi1>, vector<16xf32>, vector<16xi32>)
        %parallel_loop3A_271 = arith.constant dense<true> : vector<16xi1>
        %parallel_loop3A_272, %parallel_loop3A_273, %parallel_loop3A_274 = tpu.sort %parallel_loop3A_264, %parallel_loop3A_266 masked %parallel_loop3A_271 {descending = true} : (vector<16xf32>, vector<16xi32>, vector<16xi1>) -> (vector<16xi1>, vector<16xf32>, vector<16xi32>)
        %parallel_loop3A_275 = arith.constant 15 : i32
        %parallel_loop3A_276 = vector.broadcast %parallel_loop3A_275 : i32 to vector<16xi32>
        %parallel_loop3A_277 = tpu.iota {dimensions = array<i32: 0>} : vector<16xi32>
        %parallel_loop3A_278 = arith.subi %parallel_loop3A_276, %parallel_loop3A_277 : vector<16xi32>
        %parallel_loop3A_279 = tpu.dynamic_gather %parallel_loop3A_219[%parallel_loop3A_278] in [0] : vector<16xf32>, vector<16xi32> -> vector<16xf32>
        %parallel_loop3A_280 = arith.constant 15 : i32
        %parallel_loop3A_281 = vector.broadcast %parallel_loop3A_280 : i32 to vector<16xi32>
        %parallel_loop3A_282 = tpu.iota {dimensions = array<i32: 0>} : vector<16xi32>
        %parallel_loop3A_283 = arith.subi %parallel_loop3A_281, %parallel_loop3A_282 : vector<16xi32>
        %parallel_loop3A_284 = tpu.dynamic_gather %parallel_loop3A_220[%parallel_loop3A_283] in [0] : vector<16xi32>, vector<16xi32> -> vector<16xi32>
        %parallel_loop3A_285 = arith.cmpf oge, %parallel_loop3A_215, %parallel_loop3A_279 : vector<16xf32>
        %parallel_loop3A_286 = arith.select %parallel_loop3A_285, %parallel_loop3A_215, %parallel_loop3A_279 : vector<16xi1>, vector<16xf32>
        %parallel_loop3A_287 = arith.select %parallel_loop3A_285, %parallel_loop3A_279, %parallel_loop3A_215 : vector<16xi1>, vector<16xf32>
        %parallel_loop3A_288 = arith.select %parallel_loop3A_285, %parallel_loop3A_216, %parallel_loop3A_284 : vector<16xi1>, vector<16xi32>
        %parallel_loop3A_289 = arith.select %parallel_loop3A_285, %parallel_loop3A_284, %parallel_loop3A_216 : vector<16xi1>, vector<16xi32>
        %parallel_loop3A_290 = arith.constant dense<true> : vector<16xi1>
        %parallel_loop3A_291, %parallel_loop3A_292, %parallel_loop3A_293 = tpu.sort %parallel_loop3A_286, %parallel_loop3A_288 masked %parallel_loop3A_290 {descending = true} : (vector<16xf32>, vector<16xi32>, vector<16xi1>) -> (vector<16xi1>, vector<16xf32>, vector<16xi32>)
        %parallel_loop3A_294 = arith.constant dense<true> : vector<16xi1>
        %parallel_loop3A_295, %parallel_loop3A_296, %parallel_loop3A_297 = tpu.sort %parallel_loop3A_287, %parallel_loop3A_289 masked %parallel_loop3A_294 {descending = true} : (vector<16xf32>, vector<16xi32>, vector<16xi1>) -> (vector<16xi1>, vector<16xf32>, vector<16xi32>)
        %parallel_loop3A_298 = arith.constant 15 : i32
        %parallel_loop3A_299 = vector.broadcast %parallel_loop3A_298 : i32 to vector<16xi32>
        %parallel_loop3A_300 = tpu.iota {dimensions = array<i32: 0>} : vector<16xi32>
        %parallel_loop3A_301 = arith.subi %parallel_loop3A_299, %parallel_loop3A_300 : vector<16xi32>
        %parallel_loop3A_302 = tpu.dynamic_gather %parallel_loop3A_227[%parallel_loop3A_301] in [0] : vector<16xf32>, vector<16xi32> -> vector<16xf32>
        %parallel_loop3A_303 = arith.constant 15 : i32
        %parallel_loop3A_304 = vector.broadcast %parallel_loop3A_303 : i32 to vector<16xi32>
        %parallel_loop3A_305 = tpu.iota {dimensions = array<i32: 0>} : vector<16xi32>
        %parallel_loop3A_306 = arith.subi %parallel_loop3A_304, %parallel_loop3A_305 : vector<16xi32>
        %parallel_loop3A_307 = tpu.dynamic_gather %parallel_loop3A_228[%parallel_loop3A_306] in [0] : vector<16xi32>, vector<16xi32> -> vector<16xi32>
        %parallel_loop3A_308 = arith.cmpf oge, %parallel_loop3A_223, %parallel_loop3A_302 : vector<16xf32>
        %parallel_loop3A_309 = arith.select %parallel_loop3A_308, %parallel_loop3A_223, %parallel_loop3A_302 : vector<16xi1>, vector<16xf32>
        %parallel_loop3A_310 = arith.select %parallel_loop3A_308, %parallel_loop3A_302, %parallel_loop3A_223 : vector<16xi1>, vector<16xf32>
        %parallel_loop3A_311 = arith.select %parallel_loop3A_308, %parallel_loop3A_224, %parallel_loop3A_307 : vector<16xi1>, vector<16xi32>
        %parallel_loop3A_312 = arith.select %parallel_loop3A_308, %parallel_loop3A_307, %parallel_loop3A_224 : vector<16xi1>, vector<16xi32>
        %parallel_loop3A_313 = arith.constant dense<true> : vector<16xi1>
        %parallel_loop3A_314, %parallel_loop3A_315, %parallel_loop3A_316 = tpu.sort %parallel_loop3A_309, %parallel_loop3A_311 masked %parallel_loop3A_313 {descending = true} : (vector<16xf32>, vector<16xi32>, vector<16xi1>) -> (vector<16xi1>, vector<16xf32>, vector<16xi32>)
        %parallel_loop3A_317 = arith.constant dense<true> : vector<16xi1>
        %parallel_loop3A_318, %parallel_loop3A_319, %parallel_loop3A_320 = tpu.sort %parallel_loop3A_310, %parallel_loop3A_312 masked %parallel_loop3A_317 {descending = true} : (vector<16xf32>, vector<16xi32>, vector<16xi1>) -> (vector<16xi1>, vector<16xf32>, vector<16xi32>)
        %parallel_loop3A_321 = arith.constant 15 : i32
        %parallel_loop3A_322 = vector.broadcast %parallel_loop3A_321 : i32 to vector<16xi32>
        %parallel_loop3A_323 = tpu.iota {dimensions = array<i32: 0>} : vector<16xi32>
        %parallel_loop3A_324 = arith.subi %parallel_loop3A_322, %parallel_loop3A_323 : vector<16xi32>
        %parallel_loop3A_325 = tpu.dynamic_gather %parallel_loop3A_273[%parallel_loop3A_324] in [0] : vector<16xf32>, vector<16xi32> -> vector<16xf32>
        %parallel_loop3A_326 = arith.constant 15 : i32
        %parallel_loop3A_327 = vector.broadcast %parallel_loop3A_326 : i32 to vector<16xi32>
        %parallel_loop3A_328 = tpu.iota {dimensions = array<i32: 0>} : vector<16xi32>
        %parallel_loop3A_329 = arith.subi %parallel_loop3A_327, %parallel_loop3A_328 : vector<16xi32>
        %parallel_loop3A_330 = tpu.dynamic_gather %parallel_loop3A_269[%parallel_loop3A_329] in [0] : vector<16xf32>, vector<16xi32> -> vector<16xf32>
        %parallel_loop3A_331 = arith.constant 15 : i32
        %parallel_loop3A_332 = vector.broadcast %parallel_loop3A_331 : i32 to vector<16xi32>
        %parallel_loop3A_333 = tpu.iota {dimensions = array<i32: 0>} : vector<16xi32>
        %parallel_loop3A_334 = arith.subi %parallel_loop3A_332, %parallel_loop3A_333 : vector<16xi32>
        %parallel_loop3A_335 = tpu.dynamic_gather %parallel_loop3A_274[%parallel_loop3A_334] in [0] : vector<16xi32>, vector<16xi32> -> vector<16xi32>
        %parallel_loop3A_336 = arith.constant 15 : i32
        %parallel_loop3A_337 = vector.broadcast %parallel_loop3A_336 : i32 to vector<16xi32>
        %parallel_loop3A_338 = tpu.iota {dimensions = array<i32: 0>} : vector<16xi32>
        %parallel_loop3A_339 = arith.subi %parallel_loop3A_337, %parallel_loop3A_338 : vector<16xi32>
        %parallel_loop3A_340 = tpu.dynamic_gather %parallel_loop3A_270[%parallel_loop3A_339] in [0] : vector<16xi32>, vector<16xi32> -> vector<16xi32>
        %parallel_loop3A_341 = arith.cmpf oge, %parallel_loop3A_246, %parallel_loop3A_325 : vector<16xf32>
        %parallel_loop3A_342 = arith.select %parallel_loop3A_341, %parallel_loop3A_246, %parallel_loop3A_325 : vector<16xi1>, vector<16xf32>
        %parallel_loop3A_343 = arith.select %parallel_loop3A_341, %parallel_loop3A_325, %parallel_loop3A_246 : vector<16xi1>, vector<16xf32>
        %parallel_loop3A_344 = arith.select %parallel_loop3A_341, %parallel_loop3A_247, %parallel_loop3A_335 : vector<16xi1>, vector<16xi32>
        %parallel_loop3A_345 = arith.select %parallel_loop3A_341, %parallel_loop3A_335, %parallel_loop3A_247 : vector<16xi1>, vector<16xi32>
        %parallel_loop3A_346 = arith.cmpf oge, %parallel_loop3A_250, %parallel_loop3A_330 : vector<16xf32>
        %parallel_loop3A_347 = arith.select %parallel_loop3A_346, %parallel_loop3A_250, %parallel_loop3A_330 : vector<16xi1>, vector<16xf32>
        %parallel_loop3A_348 = arith.select %parallel_loop3A_346, %parallel_loop3A_330, %parallel_loop3A_250 : vector<16xi1>, vector<16xf32>
        %parallel_loop3A_349 = arith.select %parallel_loop3A_346, %parallel_loop3A_251, %parallel_loop3A_340 : vector<16xi1>, vector<16xi32>
        %parallel_loop3A_350 = arith.select %parallel_loop3A_346, %parallel_loop3A_340, %parallel_loop3A_251 : vector<16xi1>, vector<16xi32>
        %parallel_loop3A_351 = arith.cmpf oge, %parallel_loop3A_342, %parallel_loop3A_347 : vector<16xf32>
        %parallel_loop3A_352 = arith.select %parallel_loop3A_351, %parallel_loop3A_342, %parallel_loop3A_347 : vector<16xi1>, vector<16xf32>
        %parallel_loop3A_353 = arith.select %parallel_loop3A_351, %parallel_loop3A_347, %parallel_loop3A_342 : vector<16xi1>, vector<16xf32>
        %parallel_loop3A_354 = arith.select %parallel_loop3A_351, %parallel_loop3A_344, %parallel_loop3A_349 : vector<16xi1>, vector<16xi32>
        %parallel_loop3A_355 = arith.select %parallel_loop3A_351, %parallel_loop3A_349, %parallel_loop3A_344 : vector<16xi1>, vector<16xi32>
        %parallel_loop3A_356 = arith.constant dense<true> : vector<16xi1>
        %parallel_loop3A_357, %parallel_loop3A_358, %parallel_loop3A_359 = tpu.sort %parallel_loop3A_352, %parallel_loop3A_354 masked %parallel_loop3A_356 {descending = true} : (vector<16xf32>, vector<16xi32>, vector<16xi1>) -> (vector<16xi1>, vector<16xf32>, vector<16xi32>)
        %parallel_loop3A_360 = arith.constant dense<true> : vector<16xi1>
        %parallel_loop3A_361, %parallel_loop3A_362, %parallel_loop3A_363 = tpu.sort %parallel_loop3A_353, %parallel_loop3A_355 masked %parallel_loop3A_360 {descending = true} : (vector<16xf32>, vector<16xi32>, vector<16xi1>) -> (vector<16xi1>, vector<16xf32>, vector<16xi32>)
        %parallel_loop3A_364 = arith.cmpf oge, %parallel_loop3A_343, %parallel_loop3A_348 : vector<16xf32>
        %parallel_loop3A_365 = arith.select %parallel_loop3A_364, %parallel_loop3A_343, %parallel_loop3A_348 : vector<16xi1>, vector<16xf32>
        %parallel_loop3A_366 = arith.select %parallel_loop3A_364, %parallel_loop3A_348, %parallel_loop3A_343 : vector<16xi1>, vector<16xf32>
        %parallel_loop3A_367 = arith.select %parallel_loop3A_364, %parallel_loop3A_345, %parallel_loop3A_350 : vector<16xi1>, vector<16xi32>
        %parallel_loop3A_368 = arith.select %parallel_loop3A_364, %parallel_loop3A_350, %parallel_loop3A_345 : vector<16xi1>, vector<16xi32>
        %parallel_loop3A_369 = arith.constant dense<true> : vector<16xi1>
        %parallel_loop3A_370, %parallel_loop3A_371, %parallel_loop3A_372 = tpu.sort %parallel_loop3A_365, %parallel_loop3A_367 masked %parallel_loop3A_369 {descending = true} : (vector<16xf32>, vector<16xi32>, vector<16xi1>) -> (vector<16xi1>, vector<16xf32>, vector<16xi32>)
        %parallel_loop3A_373 = arith.constant dense<true> : vector<16xi1>
        %parallel_loop3A_374, %parallel_loop3A_375, %parallel_loop3A_376 = tpu.sort %parallel_loop3A_366, %parallel_loop3A_368 masked %parallel_loop3A_373 {descending = true} : (vector<16xf32>, vector<16xi32>, vector<16xi1>) -> (vector<16xi1>, vector<16xf32>, vector<16xi32>)
        %parallel_loop3A_377 = arith.constant 15 : i32
        %parallel_loop3A_378 = vector.broadcast %parallel_loop3A_377 : i32 to vector<16xi32>
        %parallel_loop3A_379 = tpu.iota {dimensions = array<i32: 0>} : vector<16xi32>
        %parallel_loop3A_380 = arith.subi %parallel_loop3A_378, %parallel_loop3A_379 : vector<16xi32>
        %parallel_loop3A_381 = tpu.dynamic_gather %parallel_loop3A_319[%parallel_loop3A_380] in [0] : vector<16xf32>, vector<16xi32> -> vector<16xf32>
        %parallel_loop3A_382 = arith.constant 15 : i32
        %parallel_loop3A_383 = vector.broadcast %parallel_loop3A_382 : i32 to vector<16xi32>
        %parallel_loop3A_384 = tpu.iota {dimensions = array<i32: 0>} : vector<16xi32>
        %parallel_loop3A_385 = arith.subi %parallel_loop3A_383, %parallel_loop3A_384 : vector<16xi32>
        %parallel_loop3A_386 = tpu.dynamic_gather %parallel_loop3A_315[%parallel_loop3A_385] in [0] : vector<16xf32>, vector<16xi32> -> vector<16xf32>
        %parallel_loop3A_387 = arith.constant 15 : i32
        %parallel_loop3A_388 = vector.broadcast %parallel_loop3A_387 : i32 to vector<16xi32>
        %parallel_loop3A_389 = tpu.iota {dimensions = array<i32: 0>} : vector<16xi32>
        %parallel_loop3A_390 = arith.subi %parallel_loop3A_388, %parallel_loop3A_389 : vector<16xi32>
        %parallel_loop3A_391 = tpu.dynamic_gather %parallel_loop3A_320[%parallel_loop3A_390] in [0] : vector<16xi32>, vector<16xi32> -> vector<16xi32>
        %parallel_loop3A_392 = arith.constant 15 : i32
        %parallel_loop3A_393 = vector.broadcast %parallel_loop3A_392 : i32 to vector<16xi32>
        %parallel_loop3A_394 = tpu.iota {dimensions = array<i32: 0>} : vector<16xi32>
        %parallel_loop3A_395 = arith.subi %parallel_loop3A_393, %parallel_loop3A_394 : vector<16xi32>
        %parallel_loop3A_396 = tpu.dynamic_gather %parallel_loop3A_316[%parallel_loop3A_395] in [0] : vector<16xi32>, vector<16xi32> -> vector<16xi32>
        %parallel_loop3A_397 = arith.cmpf oge, %parallel_loop3A_292, %parallel_loop3A_381 : vector<16xf32>
        %parallel_loop3A_398 = arith.select %parallel_loop3A_397, %parallel_loop3A_292, %parallel_loop3A_381 : vector<16xi1>, vector<16xf32>
        %parallel_loop3A_399 = arith.select %parallel_loop3A_397, %parallel_loop3A_381, %parallel_loop3A_292 : vector<16xi1>, vector<16xf32>
        %parallel_loop3A_400 = arith.select %parallel_loop3A_397, %parallel_loop3A_293, %parallel_loop3A_391 : vector<16xi1>, vector<16xi32>
        %parallel_loop3A_401 = arith.select %parallel_loop3A_397, %parallel_loop3A_391, %parallel_loop3A_293 : vector<16xi1>, vector<16xi32>
        %parallel_loop3A_402 = arith.cmpf oge, %parallel_loop3A_296, %parallel_loop3A_386 : vector<16xf32>
        %parallel_loop3A_403 = arith.select %parallel_loop3A_402, %parallel_loop3A_296, %parallel_loop3A_386 : vector<16xi1>, vector<16xf32>
        %parallel_loop3A_404 = arith.select %parallel_loop3A_402, %parallel_loop3A_386, %parallel_loop3A_296 : vector<16xi1>, vector<16xf32>
        %parallel_loop3A_405 = arith.select %parallel_loop3A_402, %parallel_loop3A_297, %parallel_loop3A_396 : vector<16xi1>, vector<16xi32>
        %parallel_loop3A_406 = arith.select %parallel_loop3A_402, %parallel_loop3A_396, %parallel_loop3A_297 : vector<16xi1>, vector<16xi32>
        %parallel_loop3A_407 = arith.cmpf oge, %parallel_loop3A_398, %parallel_loop3A_403 : vector<16xf32>
        %parallel_loop3A_408 = arith.select %parallel_loop3A_407, %parallel_loop3A_398, %parallel_loop3A_403 : vector<16xi1>, vector<16xf32>
        %parallel_loop3A_409 = arith.select %parallel_loop3A_407, %parallel_loop3A_403, %parallel_loop3A_398 : vector<16xi1>, vector<16xf32>
        %parallel_loop3A_410 = arith.select %parallel_loop3A_407, %parallel_loop3A_400, %parallel_loop3A_405 : vector<16xi1>, vector<16xi32>
        %parallel_loop3A_411 = arith.select %parallel_loop3A_407, %parallel_loop3A_405, %parallel_loop3A_400 : vector<16xi1>, vector<16xi32>
        %parallel_loop3A_412 = arith.constant dense<true> : vector<16xi1>
        %parallel_loop3A_413, %parallel_loop3A_414, %parallel_loop3A_415 = tpu.sort %parallel_loop3A_408, %parallel_loop3A_410 masked %parallel_loop3A_412 {descending = true} : (vector<16xf32>, vector<16xi32>, vector<16xi1>) -> (vector<16xi1>, vector<16xf32>, vector<16xi32>)
        %parallel_loop3A_416 = arith.constant dense<true> : vector<16xi1>
        %parallel_loop3A_417, %parallel_loop3A_418, %parallel_loop3A_419 = tpu.sort %parallel_loop3A_409, %parallel_loop3A_411 masked %parallel_loop3A_416 {descending = true} : (vector<16xf32>, vector<16xi32>, vector<16xi1>) -> (vector<16xi1>, vector<16xf32>, vector<16xi32>)
        %parallel_loop3A_420 = arith.cmpf oge, %parallel_loop3A_399, %parallel_loop3A_404 : vector<16xf32>
        %parallel_loop3A_421 = arith.select %parallel_loop3A_420, %parallel_loop3A_399, %parallel_loop3A_404 : vector<16xi1>, vector<16xf32>
        %parallel_loop3A_422 = arith.select %parallel_loop3A_420, %parallel_loop3A_404, %parallel_loop3A_399 : vector<16xi1>, vector<16xf32>
        %parallel_loop3A_423 = arith.select %parallel_loop3A_420, %parallel_loop3A_401, %parallel_loop3A_406 : vector<16xi1>, vector<16xi32>
        %parallel_loop3A_424 = arith.select %parallel_loop3A_420, %parallel_loop3A_406, %parallel_loop3A_401 : vector<16xi1>, vector<16xi32>
        %parallel_loop3A_425 = arith.constant dense<true> : vector<16xi1>
        %parallel_loop3A_426, %parallel_loop3A_427, %parallel_loop3A_428 = tpu.sort %parallel_loop3A_421, %parallel_loop3A_423 masked %parallel_loop3A_425 {descending = true} : (vector<16xf32>, vector<16xi32>, vector<16xi1>) -> (vector<16xi1>, vector<16xf32>, vector<16xi32>)
        %parallel_loop3A_429 = arith.constant dense<true> : vector<16xi1>
        %parallel_loop3A_430, %parallel_loop3A_431, %parallel_loop3A_432 = tpu.sort %parallel_loop3A_422, %parallel_loop3A_424 masked %parallel_loop3A_429 {descending = true} : (vector<16xf32>, vector<16xi32>, vector<16xi1>) -> (vector<16xi1>, vector<16xf32>, vector<16xi32>)
        %parallel_loop3A_433 = arith.constant 15 : i32
        %parallel_loop3A_434 = vector.broadcast %parallel_loop3A_433 : i32 to vector<16xi32>
        %parallel_loop3A_435 = tpu.iota {dimensions = array<i32: 0>} : vector<16xi32>
        %parallel_loop3A_436 = arith.subi %parallel_loop3A_434, %parallel_loop3A_435 : vector<16xi32>
        %parallel_loop3A_437 = tpu.dynamic_gather %parallel_loop3A_431[%parallel_loop3A_436] in [0] : vector<16xf32>, vector<16xi32> -> vector<16xf32>
        %parallel_loop3A_438 = arith.constant 15 : i32
        %parallel_loop3A_439 = vector.broadcast %parallel_loop3A_438 : i32 to vector<16xi32>
        %parallel_loop3A_440 = tpu.iota {dimensions = array<i32: 0>} : vector<16xi32>
        %parallel_loop3A_441 = arith.subi %parallel_loop3A_439, %parallel_loop3A_440 : vector<16xi32>
        %parallel_loop3A_442 = tpu.dynamic_gather %parallel_loop3A_427[%parallel_loop3A_441] in [0] : vector<16xf32>, vector<16xi32> -> vector<16xf32>
        %parallel_loop3A_443 = arith.constant 15 : i32
        %parallel_loop3A_444 = vector.broadcast %parallel_loop3A_443 : i32 to vector<16xi32>
        %parallel_loop3A_445 = tpu.iota {dimensions = array<i32: 0>} : vector<16xi32>
        %parallel_loop3A_446 = arith.subi %parallel_loop3A_444, %parallel_loop3A_445 : vector<16xi32>
        %parallel_loop3A_447 = tpu.dynamic_gather %parallel_loop3A_418[%parallel_loop3A_446] in [0] : vector<16xf32>, vector<16xi32> -> vector<16xf32>
        %parallel_loop3A_448 = arith.constant 15 : i32
        %parallel_loop3A_449 = vector.broadcast %parallel_loop3A_448 : i32 to vector<16xi32>
        %parallel_loop3A_450 = tpu.iota {dimensions = array<i32: 0>} : vector<16xi32>
        %parallel_loop3A_451 = arith.subi %parallel_loop3A_449, %parallel_loop3A_450 : vector<16xi32>
        %parallel_loop3A_452 = tpu.dynamic_gather %parallel_loop3A_414[%parallel_loop3A_451] in [0] : vector<16xf32>, vector<16xi32> -> vector<16xf32>
        %parallel_loop3A_453 = arith.constant 15 : i32
        %parallel_loop3A_454 = vector.broadcast %parallel_loop3A_453 : i32 to vector<16xi32>
        %parallel_loop3A_455 = tpu.iota {dimensions = array<i32: 0>} : vector<16xi32>
        %parallel_loop3A_456 = arith.subi %parallel_loop3A_454, %parallel_loop3A_455 : vector<16xi32>
        %parallel_loop3A_457 = tpu.dynamic_gather %parallel_loop3A_432[%parallel_loop3A_456] in [0] : vector<16xi32>, vector<16xi32> -> vector<16xi32>
        %parallel_loop3A_458 = arith.constant 15 : i32
        %parallel_loop3A_459 = vector.broadcast %parallel_loop3A_458 : i32 to vector<16xi32>
        %parallel_loop3A_460 = tpu.iota {dimensions = array<i32: 0>} : vector<16xi32>
        %parallel_loop3A_461 = arith.subi %parallel_loop3A_459, %parallel_loop3A_460 : vector<16xi32>
        %parallel_loop3A_462 = tpu.dynamic_gather %parallel_loop3A_428[%parallel_loop3A_461] in [0] : vector<16xi32>, vector<16xi32> -> vector<16xi32>
        %parallel_loop3A_463 = arith.constant 15 : i32
        %parallel_loop3A_464 = vector.broadcast %parallel_loop3A_463 : i32 to vector<16xi32>
        %parallel_loop3A_465 = tpu.iota {dimensions = array<i32: 0>} : vector<16xi32>
        %parallel_loop3A_466 = arith.subi %parallel_loop3A_464, %parallel_loop3A_465 : vector<16xi32>
        %parallel_loop3A_467 = tpu.dynamic_gather %parallel_loop3A_419[%parallel_loop3A_466] in [0] : vector<16xi32>, vector<16xi32> -> vector<16xi32>
        %parallel_loop3A_468 = arith.constant 15 : i32
        %parallel_loop3A_469 = vector.broadcast %parallel_loop3A_468 : i32 to vector<16xi32>
        %parallel_loop3A_470 = tpu.iota {dimensions = array<i32: 0>} : vector<16xi32>
        %parallel_loop3A_471 = arith.subi %parallel_loop3A_469, %parallel_loop3A_470 : vector<16xi32>
        %parallel_loop3A_472 = tpu.dynamic_gather %parallel_loop3A_415[%parallel_loop3A_471] in [0] : vector<16xi32>, vector<16xi32> -> vector<16xi32>
        %parallel_loop3A_473 = arith.cmpf oge, %parallel_loop3A_358, %parallel_loop3A_437 : vector<16xf32>
        %parallel_loop3A_474 = arith.select %parallel_loop3A_473, %parallel_loop3A_358, %parallel_loop3A_437 : vector<16xi1>, vector<16xf32>
        %parallel_loop3A_475 = arith.select %parallel_loop3A_473, %parallel_loop3A_437, %parallel_loop3A_358 : vector<16xi1>, vector<16xf32>
        %parallel_loop3A_476 = arith.select %parallel_loop3A_473, %parallel_loop3A_359, %parallel_loop3A_457 : vector<16xi1>, vector<16xi32>
        %parallel_loop3A_477 = arith.select %parallel_loop3A_473, %parallel_loop3A_457, %parallel_loop3A_359 : vector<16xi1>, vector<16xi32>
        %parallel_loop3A_478 = arith.cmpf oge, %parallel_loop3A_362, %parallel_loop3A_442 : vector<16xf32>
        %parallel_loop3A_479 = arith.select %parallel_loop3A_478, %parallel_loop3A_362, %parallel_loop3A_442 : vector<16xi1>, vector<16xf32>
        %parallel_loop3A_480 = arith.select %parallel_loop3A_478, %parallel_loop3A_442, %parallel_loop3A_362 : vector<16xi1>, vector<16xf32>
        %parallel_loop3A_481 = arith.select %parallel_loop3A_478, %parallel_loop3A_363, %parallel_loop3A_462 : vector<16xi1>, vector<16xi32>
        %parallel_loop3A_482 = arith.select %parallel_loop3A_478, %parallel_loop3A_462, %parallel_loop3A_363 : vector<16xi1>, vector<16xi32>
        %parallel_loop3A_483 = arith.cmpf oge, %parallel_loop3A_371, %parallel_loop3A_447 : vector<16xf32>
        %parallel_loop3A_484 = arith.select %parallel_loop3A_483, %parallel_loop3A_371, %parallel_loop3A_447 : vector<16xi1>, vector<16xf32>
        %parallel_loop3A_485 = arith.select %parallel_loop3A_483, %parallel_loop3A_447, %parallel_loop3A_371 : vector<16xi1>, vector<16xf32>
        %parallel_loop3A_486 = arith.select %parallel_loop3A_483, %parallel_loop3A_372, %parallel_loop3A_467 : vector<16xi1>, vector<16xi32>
        %parallel_loop3A_487 = arith.select %parallel_loop3A_483, %parallel_loop3A_467, %parallel_loop3A_372 : vector<16xi1>, vector<16xi32>
        %parallel_loop3A_488 = arith.cmpf oge, %parallel_loop3A_375, %parallel_loop3A_452 : vector<16xf32>
        %parallel_loop3A_489 = arith.select %parallel_loop3A_488, %parallel_loop3A_375, %parallel_loop3A_452 : vector<16xi1>, vector<16xf32>
        %parallel_loop3A_490 = arith.select %parallel_loop3A_488, %parallel_loop3A_452, %parallel_loop3A_375 : vector<16xi1>, vector<16xf32>
        %parallel_loop3A_491 = arith.select %parallel_loop3A_488, %parallel_loop3A_376, %parallel_loop3A_472 : vector<16xi1>, vector<16xi32>
        %parallel_loop3A_492 = arith.select %parallel_loop3A_488, %parallel_loop3A_472, %parallel_loop3A_376 : vector<16xi1>, vector<16xi32>
        %parallel_loop3A_493 = arith.cmpf oge, %parallel_loop3A_474, %parallel_loop3A_484 : vector<16xf32>
        %parallel_loop3A_494 = arith.select %parallel_loop3A_493, %parallel_loop3A_474, %parallel_loop3A_484 : vector<16xi1>, vector<16xf32>
        %parallel_loop3A_495 = arith.select %parallel_loop3A_493, %parallel_loop3A_484, %parallel_loop3A_474 : vector<16xi1>, vector<16xf32>
        %parallel_loop3A_496 = arith.select %parallel_loop3A_493, %parallel_loop3A_476, %parallel_loop3A_486 : vector<16xi1>, vector<16xi32>
        %parallel_loop3A_497 = arith.select %parallel_loop3A_493, %parallel_loop3A_486, %parallel_loop3A_476 : vector<16xi1>, vector<16xi32>
        %parallel_loop3A_498 = arith.cmpf oge, %parallel_loop3A_479, %parallel_loop3A_489 : vector<16xf32>
        %parallel_loop3A_499 = arith.select %parallel_loop3A_498, %parallel_loop3A_479, %parallel_loop3A_489 : vector<16xi1>, vector<16xf32>
        %parallel_loop3A_500 = arith.select %parallel_loop3A_498, %parallel_loop3A_489, %parallel_loop3A_479 : vector<16xi1>, vector<16xf32>
        %parallel_loop3A_501 = arith.select %parallel_loop3A_498, %parallel_loop3A_481, %parallel_loop3A_491 : vector<16xi1>, vector<16xi32>
        %parallel_loop3A_502 = arith.select %parallel_loop3A_498, %parallel_loop3A_491, %parallel_loop3A_481 : vector<16xi1>, vector<16xi32>
        %parallel_loop3A_503 = arith.cmpf oge, %parallel_loop3A_494, %parallel_loop3A_499 : vector<16xf32>
        %parallel_loop3A_504 = arith.select %parallel_loop3A_503, %parallel_loop3A_494, %parallel_loop3A_499 : vector<16xi1>, vector<16xf32>
        %parallel_loop3A_505 = arith.select %parallel_loop3A_503, %parallel_loop3A_499, %parallel_loop3A_494 : vector<16xi1>, vector<16xf32>
        %parallel_loop3A_506 = arith.select %parallel_loop3A_503, %parallel_loop3A_496, %parallel_loop3A_501 : vector<16xi1>, vector<16xi32>
        %parallel_loop3A_507 = arith.select %parallel_loop3A_503, %parallel_loop3A_501, %parallel_loop3A_496 : vector<16xi1>, vector<16xi32>
        %parallel_loop3A_508 = arith.constant dense<true> : vector<16xi1>
        %parallel_loop3A_509, %parallel_loop3A_510, %parallel_loop3A_511 = tpu.sort %parallel_loop3A_504, %parallel_loop3A_506 masked %parallel_loop3A_508 {descending = true} : (vector<16xf32>, vector<16xi32>, vector<16xi1>) -> (vector<16xi1>, vector<16xf32>, vector<16xi32>)
        %parallel_loop3A_512 = arith.constant dense<true> : vector<16xi1>
        %parallel_loop3A_513, %parallel_loop3A_514, %parallel_loop3A_515 = tpu.sort %parallel_loop3A_505, %parallel_loop3A_507 masked %parallel_loop3A_512 {descending = true} : (vector<16xf32>, vector<16xi32>, vector<16xi1>) -> (vector<16xi1>, vector<16xf32>, vector<16xi32>)
        %parallel_loop3A_516 = arith.cmpf oge, %parallel_loop3A_495, %parallel_loop3A_500 : vector<16xf32>
        %parallel_loop3A_517 = arith.select %parallel_loop3A_516, %parallel_loop3A_495, %parallel_loop3A_500 : vector<16xi1>, vector<16xf32>
        %parallel_loop3A_518 = arith.select %parallel_loop3A_516, %parallel_loop3A_500, %parallel_loop3A_495 : vector<16xi1>, vector<16xf32>
        %parallel_loop3A_519 = arith.select %parallel_loop3A_516, %parallel_loop3A_497, %parallel_loop3A_502 : vector<16xi1>, vector<16xi32>
        %parallel_loop3A_520 = arith.select %parallel_loop3A_516, %parallel_loop3A_502, %parallel_loop3A_497 : vector<16xi1>, vector<16xi32>
        %parallel_loop3A_521 = arith.constant dense<true> : vector<16xi1>
        %parallel_loop3A_522, %parallel_loop3A_523, %parallel_loop3A_524 = tpu.sort %parallel_loop3A_517, %parallel_loop3A_519 masked %parallel_loop3A_521 {descending = true} : (vector<16xf32>, vector<16xi32>, vector<16xi1>) -> (vector<16xi1>, vector<16xf32>, vector<16xi32>)
        %parallel_loop3A_525 = arith.constant dense<true> : vector<16xi1>
        %parallel_loop3A_526, %parallel_loop3A_527, %parallel_loop3A_528 = tpu.sort %parallel_loop3A_518, %parallel_loop3A_520 masked %parallel_loop3A_525 {descending = true} : (vector<16xf32>, vector<16xi32>, vector<16xi1>) -> (vector<16xi1>, vector<16xf32>, vector<16xi32>)
        %parallel_loop3A_529 = arith.cmpf oge, %parallel_loop3A_475, %parallel_loop3A_485 : vector<16xf32>
        %parallel_loop3A_530 = arith.select %parallel_loop3A_529, %parallel_loop3A_475, %parallel_loop3A_485 : vector<16xi1>, vector<16xf32>
        %parallel_loop3A_531 = arith.select %parallel_loop3A_529, %parallel_loop3A_485, %parallel_loop3A_475 : vector<16xi1>, vector<16xf32>
        %parallel_loop3A_532 = arith.select %parallel_loop3A_529, %parallel_loop3A_477, %parallel_loop3A_487 : vector<16xi1>, vector<16xi32>
        %parallel_loop3A_533 = arith.select %parallel_loop3A_529, %parallel_loop3A_487, %parallel_loop3A_477 : vector<16xi1>, vector<16xi32>
        %parallel_loop3A_534 = arith.cmpf oge, %parallel_loop3A_480, %parallel_loop3A_490 : vector<16xf32>
        %parallel_loop3A_535 = arith.select %parallel_loop3A_534, %parallel_loop3A_480, %parallel_loop3A_490 : vector<16xi1>, vector<16xf32>
        %parallel_loop3A_536 = arith.select %parallel_loop3A_534, %parallel_loop3A_490, %parallel_loop3A_480 : vector<16xi1>, vector<16xf32>
        %parallel_loop3A_537 = arith.select %parallel_loop3A_534, %parallel_loop3A_482, %parallel_loop3A_492 : vector<16xi1>, vector<16xi32>
        %parallel_loop3A_538 = arith.select %parallel_loop3A_534, %parallel_loop3A_492, %parallel_loop3A_482 : vector<16xi1>, vector<16xi32>
        %parallel_loop3A_539 = arith.cmpf oge, %parallel_loop3A_530, %parallel_loop3A_535 : vector<16xf32>
        %parallel_loop3A_540 = arith.select %parallel_loop3A_539, %parallel_loop3A_530, %parallel_loop3A_535 : vector<16xi1>, vector<16xf32>
        %parallel_loop3A_541 = arith.select %parallel_loop3A_539, %parallel_loop3A_535, %parallel_loop3A_530 : vector<16xi1>, vector<16xf32>
        %parallel_loop3A_542 = arith.select %parallel_loop3A_539, %parallel_loop3A_532, %parallel_loop3A_537 : vector<16xi1>, vector<16xi32>
        %parallel_loop3A_543 = arith.select %parallel_loop3A_539, %parallel_loop3A_537, %parallel_loop3A_532 : vector<16xi1>, vector<16xi32>
        %parallel_loop3A_544 = arith.constant dense<true> : vector<16xi1>
        %parallel_loop3A_545, %parallel_loop3A_546, %parallel_loop3A_547 = tpu.sort %parallel_loop3A_540, %parallel_loop3A_542 masked %parallel_loop3A_544 {descending = true} : (vector<16xf32>, vector<16xi32>, vector<16xi1>) -> (vector<16xi1>, vector<16xf32>, vector<16xi32>)
        %parallel_loop3A_548 = arith.constant dense<true> : vector<16xi1>
        %parallel_loop3A_549, %parallel_loop3A_550, %parallel_loop3A_551 = tpu.sort %parallel_loop3A_541, %parallel_loop3A_543 masked %parallel_loop3A_548 {descending = true} : (vector<16xf32>, vector<16xi32>, vector<16xi1>) -> (vector<16xi1>, vector<16xf32>, vector<16xi32>)
        %parallel_loop3A_552 = arith.cmpf oge, %parallel_loop3A_531, %parallel_loop3A_536 : vector<16xf32>
        %parallel_loop3A_553 = arith.select %parallel_loop3A_552, %parallel_loop3A_531, %parallel_loop3A_536 : vector<16xi1>, vector<16xf32>
        %parallel_loop3A_554 = arith.select %parallel_loop3A_552, %parallel_loop3A_536, %parallel_loop3A_531 : vector<16xi1>, vector<16xf32>
        %parallel_loop3A_555 = arith.select %parallel_loop3A_552, %parallel_loop3A_533, %parallel_loop3A_538 : vector<16xi1>, vector<16xi32>
        %parallel_loop3A_556 = arith.select %parallel_loop3A_552, %parallel_loop3A_538, %parallel_loop3A_533 : vector<16xi1>, vector<16xi32>
        %parallel_loop3A_557 = arith.constant dense<true> : vector<16xi1>
        %parallel_loop3A_558, %parallel_loop3A_559, %parallel_loop3A_560 = tpu.sort %parallel_loop3A_553, %parallel_loop3A_555 masked %parallel_loop3A_557 {descending = true} : (vector<16xf32>, vector<16xi32>, vector<16xi1>) -> (vector<16xi1>, vector<16xf32>, vector<16xi32>)
        %parallel_loop3A_561 = arith.constant dense<true> : vector<16xi1>
        %parallel_loop3A_562, %parallel_loop3A_563, %parallel_loop3A_564 = tpu.sort %parallel_loop3A_554, %parallel_loop3A_556 masked %parallel_loop3A_561 {descending = true} : (vector<16xf32>, vector<16xi32>, vector<16xi1>) -> (vector<16xi1>, vector<16xf32>, vector<16xi32>)
        %parallel_loop3A_565 = arith.constant 0 : i32
        %parallel_loop3A_566 = vector.broadcast %parallel_loop3A_565 : i32 to vector<16xi32>
        %parallel_loop3A_567 = vector.broadcast %parallel_loop3A_100 : i32 to vector<16xi32>
        %parallel_loop3A_568 = arith.addi %parallel_loop3A_566, %parallel_loop3A_567 : vector<16xi32>
        %parallel_loop3A_569 = arith.constant 0 : i32
        %parallel_loop3A_570 = vector.broadcast %parallel_loop3A_569 : i32 to vector<16xi32>
        %parallel_loop3A_571 = arith.addi %parallel_loop3A_511, %parallel_loop3A_570 : vector<16xi32>
        %parallel_loop3A_572 = tpu.vector_load_idx %arg4[%parallel_loop3A_568, %parallel_loop3A_571] : memref<16x2048xf32, #tpu.memory_space<vmem>>[vector<16xi32>, vector<16xi32>], vector<16xf32>,
        %parallel_loop3A_573 = arith.index_cast %parallel_loop3A_100 : i32 to index
        %parallel_loop3A_574 = arith.constant 0 : index
        %parallel_loop3A_575 = tpu.vector_load %arg5[%parallel_loop3A_573, %parallel_loop3A_574] {strides = array<i32>} : memref<16x2048xf32, #tpu.memory_space<vmem>>, vector<16xf32>,
        tpu.vector_store %arg5[%parallel_loop3A_573, %parallel_loop3A_574], %parallel_loop3A_572 {strides = array<i32>} : memref<16x2048xf32, #tpu.memory_space<vmem>>, vector<16xf32>,
        %parallel_loop3A_576 = arith.constant 0 : i32
        %parallel_loop3A_577 = vector.broadcast %parallel_loop3A_576 : i32 to vector<16xi32>
        %parallel_loop3A_578 = arith.addi %parallel_loop3A_515, %parallel_loop3A_577 : vector<16xi32>
        %parallel_loop3A_579 = tpu.vector_load_idx %arg4[%parallel_loop3A_568, %parallel_loop3A_578] : memref<16x2048xf32, #tpu.memory_space<vmem>>[vector<16xi32>, vector<16xi32>], vector<16xf32>,
        %parallel_loop3A_580 = arith.index_cast %parallel_loop3A_100 : i32 to index
        %parallel_loop3A_581 = arith.constant 16 : index
        %parallel_loop3A_582 = tpu.vector_load %arg5[%parallel_loop3A_580, %parallel_loop3A_581] {strides = array<i32>} : memref<16x2048xf32, #tpu.memory_space<vmem>>, vector<16xf32>,
        tpu.vector_store %arg5[%parallel_loop3A_580, %parallel_loop3A_581], %parallel_loop3A_579 {strides = array<i32>} : memref<16x2048xf32, #tpu.memory_space<vmem>>, vector<16xf32>,
        %parallel_loop3A_583 = arith.constant 0 : i32
        %parallel_loop3A_584 = vector.broadcast %parallel_loop3A_583 : i32 to vector<16xi32>
        %parallel_loop3A_585 = arith.addi %parallel_loop3A_524, %parallel_loop3A_584 : vector<16xi32>
        %parallel_loop3A_586 = tpu.vector_load_idx %arg4[%parallel_loop3A_568, %parallel_loop3A_585] : memref<16x2048xf32, #tpu.memory_space<vmem>>[vector<16xi32>, vector<16xi32>], vector<16xf32>,
        %parallel_loop3A_587 = arith.index_cast %parallel_loop3A_100 : i32 to index
        %parallel_loop3A_588 = arith.constant 32 : index
        %parallel_loop3A_589 = tpu.vector_load %arg5[%parallel_loop3A_587, %parallel_loop3A_588] {strides = array<i32>} : memref<16x2048xf32, #tpu.memory_space<vmem>>, vector<16xf32>,
        tpu.vector_store %arg5[%parallel_loop3A_587, %parallel_loop3A_588], %parallel_loop3A_586 {strides = array<i32>} : memref<16x2048xf32, #tpu.memory_space<vmem>>, vector<16xf32>,
        %parallel_loop3A_590 = arith.constant 0 : i32
        %parallel_loop3A_591 = vector.broadcast %parallel_loop3A_590 : i32 to vector<16xi32>
        %parallel_loop3A_592 = arith.addi %parallel_loop3A_528, %parallel_loop3A_591 : vector<16xi32>
        %parallel_loop3A_593 = tpu.vector_load_idx %arg4[%parallel_loop3A_568, %parallel_loop3A_592] : memref<16x2048xf32, #tpu.memory_space<vmem>>[vector<16xi32>, vector<16xi32>], vector<16xf32>,
        %parallel_loop3A_594 = arith.index_cast %parallel_loop3A_100 : i32 to index
        %parallel_loop3A_595 = arith.constant 48 : index
        %parallel_loop3A_596 = tpu.vector_load %arg5[%parallel_loop3A_594, %parallel_loop3A_595] {strides = array<i32>} : memref<16x2048xf32, #tpu.memory_space<vmem>>, vector<16xf32>,
        tpu.vector_store %arg5[%parallel_loop3A_594, %parallel_loop3A_595], %parallel_loop3A_593 {strides = array<i32>} : memref<16x2048xf32, #tpu.memory_space<vmem>>, vector<16xf32>,
        %parallel_loop3A_597 = arith.constant 0 : i32
        %parallel_loop3A_598 = vector.broadcast %parallel_loop3A_597 : i32 to vector<16xi32>
        %parallel_loop3A_599 = arith.addi %parallel_loop3A_547, %parallel_loop3A_598 : vector<16xi32>
        %parallel_loop3A_600 = tpu.vector_load_idx %arg4[%parallel_loop3A_568, %parallel_loop3A_599] : memref<16x2048xf32, #tpu.memory_space<vmem>>[vector<16xi32>, vector<16xi32>], vector<16xf32>,
        %parallel_loop3A_601 = arith.index_cast %parallel_loop3A_100 : i32 to index
        %parallel_loop3A_602 = arith.constant 64 : index
        %parallel_loop3A_603 = tpu.vector_load %arg5[%parallel_loop3A_601, %parallel_loop3A_602] {strides = array<i32>} : memref<16x2048xf32, #tpu.memory_space<vmem>>, vector<16xf32>,
        tpu.vector_store %arg5[%parallel_loop3A_601, %parallel_loop3A_602], %parallel_loop3A_600 {strides = array<i32>} : memref<16x2048xf32, #tpu.memory_space<vmem>>, vector<16xf32>,
        %parallel_loop3A_604 = arith.constant 0 : i32
        %parallel_loop3A_605 = vector.broadcast %parallel_loop3A_604 : i32 to vector<16xi32>
        %parallel_loop3A_606 = arith.addi %parallel_loop3A_551, %parallel_loop3A_605 : vector<16xi32>
        %parallel_loop3A_607 = tpu.vector_load_idx %arg4[%parallel_loop3A_568, %parallel_loop3A_606] : memref<16x2048xf32, #tpu.memory_space<vmem>>[vector<16xi32>, vector<16xi32>], vector<16xf32>,
        %parallel_loop3A_608 = arith.index_cast %parallel_loop3A_100 : i32 to index
        %parallel_loop3A_609 = arith.constant 80 : index
        %parallel_loop3A_610 = tpu.vector_load %arg5[%parallel_loop3A_608, %parallel_loop3A_609] {strides = array<i32>} : memref<16x2048xf32, #tpu.memory_space<vmem>>, vector<16xf32>,
        tpu.vector_store %arg5[%parallel_loop3A_608, %parallel_loop3A_609], %parallel_loop3A_607 {strides = array<i32>} : memref<16x2048xf32, #tpu.memory_space<vmem>>, vector<16xf32>,
        %parallel_loop3A_611 = arith.constant 0 : i32
        %parallel_loop3A_612 = vector.broadcast %parallel_loop3A_611 : i32 to vector<16xi32>
        %parallel_loop3A_613 = arith.addi %parallel_loop3A_560, %parallel_loop3A_612 : vector<16xi32>
        %parallel_loop3A_614 = tpu.vector_load_idx %arg4[%parallel_loop3A_568, %parallel_loop3A_613] : memref<16x2048xf32, #tpu.memory_space<vmem>>[vector<16xi32>, vector<16xi32>], vector<16xf32>,
        %parallel_loop3A_615 = arith.index_cast %parallel_loop3A_100 : i32 to index
        %parallel_loop3A_616 = arith.constant 96 : index
        %parallel_loop3A_617 = tpu.vector_load %arg5[%parallel_loop3A_615, %parallel_loop3A_616] {strides = array<i32>} : memref<16x2048xf32, #tpu.memory_space<vmem>>, vector<16xf32>,
        tpu.vector_store %arg5[%parallel_loop3A_615, %parallel_loop3A_616], %parallel_loop3A_614 {strides = array<i32>} : memref<16x2048xf32, #tpu.memory_space<vmem>>, vector<16xf32>,
        %parallel_loop3A_618 = arith.constant 0 : i32
        %parallel_loop3A_619 = vector.broadcast %parallel_loop3A_618 : i32 to vector<16xi32>
        %parallel_loop3A_620 = arith.addi %parallel_loop3A_564, %parallel_loop3A_619 : vector<16xi32>
        %parallel_loop3A_621 = tpu.vector_load_idx %arg4[%parallel_loop3A_568, %parallel_loop3A_620] : memref<16x2048xf32, #tpu.memory_space<vmem>>[vector<16xi32>, vector<16xi32>], vector<16xf32>,
        %parallel_loop3A_622 = arith.index_cast %parallel_loop3A_100 : i32 to index
        %parallel_loop3A_623 = arith.constant 112 : index
        %parallel_loop3A_624 = tpu.vector_load %arg5[%parallel_loop3A_622, %parallel_loop3A_623] {strides = array<i32>} : memref<16x2048xf32, #tpu.memory_space<vmem>>, vector<16xf32>,
        tpu.vector_store %arg5[%parallel_loop3A_622, %parallel_loop3A_623], %parallel_loop3A_621 {strides = array<i32>} : memref<16x2048xf32, #tpu.memory_space<vmem>>, vector<16xf32>,
        %parallel_loop3A_625 = arith.constant 128 : i32
        %parallel_loop3A_626 = vector.broadcast %parallel_loop3A_625 : i32 to vector<16xi32>
        %parallel_loop3A_627 = arith.addi %parallel_loop3A_511, %parallel_loop3A_626 : vector<16xi32>
        %parallel_loop3A_628 = tpu.vector_load_idx %arg4[%parallel_loop3A_568, %parallel_loop3A_627] : memref<16x2048xf32, #tpu.memory_space<vmem>>[vector<16xi32>, vector<16xi32>], vector<16xf32>,
        %parallel_loop3A_629 = arith.index_cast %parallel_loop3A_100 : i32 to index
        %parallel_loop3A_630 = arith.constant 128 : index
        %parallel_loop3A_631 = tpu.vector_load %arg5[%parallel_loop3A_629, %parallel_loop3A_630] {strides = array<i32>} : memref<16x2048xf32, #tpu.memory_space<vmem>>, vector<16xf32>,
        tpu.vector_store %arg5[%parallel_loop3A_629, %parallel_loop3A_630], %parallel_loop3A_628 {strides = array<i32>} : memref<16x2048xf32, #tpu.memory_space<vmem>>, vector<16xf32>,
        %parallel_loop3A_632 = arith.constant 128 : i32
        %parallel_loop3A_633 = vector.broadcast %parallel_loop3A_632 : i32 to vector<16xi32>
        %parallel_loop3A_634 = arith.addi %parallel_loop3A_515, %parallel_loop3A_633 : vector<16xi32>
        %parallel_loop3A_635 = tpu.vector_load_idx %arg4[%parallel_loop3A_568, %parallel_loop3A_634] : memref<16x2048xf32, #tpu.memory_space<vmem>>[vector<16xi32>, vector<16xi32>], vector<16xf32>,
        %parallel_loop3A_636 = arith.index_cast %parallel_loop3A_100 : i32 to index
        %parallel_loop3A_637 = arith.constant 144 : index
        %parallel_loop3A_638 = tpu.vector_load %arg5[%parallel_loop3A_636, %parallel_loop3A_637] {strides = array<i32>} : memref<16x2048xf32, #tpu.memory_space<vmem>>, vector<16xf32>,
        tpu.vector_store %arg5[%parallel_loop3A_636, %parallel_loop3A_637], %parallel_loop3A_635 {strides = array<i32>} : memref<16x2048xf32, #tpu.memory_space<vmem>>, vector<16xf32>,
        %parallel_loop3A_639 = arith.constant 128 : i32
        %parallel_loop3A_640 = vector.broadcast %parallel_loop3A_639 : i32 to vector<16xi32>
        %parallel_loop3A_641 = arith.addi %parallel_loop3A_524, %parallel_loop3A_640 : vector<16xi32>
        %parallel_loop3A_642 = tpu.vector_load_idx %arg4[%parallel_loop3A_568, %parallel_loop3A_641] : memref<16x2048xf32, #tpu.memory_space<vmem>>[vector<16xi32>, vector<16xi32>], vector<16xf32>,
        %parallel_loop3A_643 = arith.index_cast %parallel_loop3A_100 : i32 to index
        %parallel_loop3A_644 = arith.constant 160 : index
        %parallel_loop3A_645 = tpu.vector_load %arg5[%parallel_loop3A_643, %parallel_loop3A_644] {strides = array<i32>} : memref<16x2048xf32, #tpu.memory_space<vmem>>, vector<16xf32>,
        tpu.vector_store %arg5[%parallel_loop3A_643, %parallel_loop3A_644], %parallel_loop3A_642 {strides = array<i32>} : memref<16x2048xf32, #tpu.memory_space<vmem>>, vector<16xf32>,
        %parallel_loop3A_646 = arith.constant 128 : i32
        %parallel_loop3A_647 = vector.broadcast %parallel_loop3A_646 : i32 to vector<16xi32>
        %parallel_loop3A_648 = arith.addi %parallel_loop3A_528, %parallel_loop3A_647 : vector<16xi32>
        %parallel_loop3A_649 = tpu.vector_load_idx %arg4[%parallel_loop3A_568, %parallel_loop3A_648] : memref<16x2048xf32, #tpu.memory_space<vmem>>[vector<16xi32>, vector<16xi32>], vector<16xf32>,
        %parallel_loop3A_650 = arith.index_cast %parallel_loop3A_100 : i32 to index
        %parallel_loop3A_651 = arith.constant 176 : index
        %parallel_loop3A_652 = tpu.vector_load %arg5[%parallel_loop3A_650, %parallel_loop3A_651] {strides = array<i32>} : memref<16x2048xf32, #tpu.memory_space<vmem>>, vector<16xf32>,
        tpu.vector_store %arg5[%parallel_loop3A_650, %parallel_loop3A_651], %parallel_loop3A_649 {strides = array<i32>} : memref<16x2048xf32, #tpu.memory_space<vmem>>, vector<16xf32>,
        %parallel_loop3A_653 = arith.constant 128 : i32
        %parallel_loop3A_654 = vector.broadcast %parallel_loop3A_653 : i32 to vector<16xi32>
        %parallel_loop3A_655 = arith.addi %parallel_loop3A_547, %parallel_loop3A_654 : vector<16xi32>
        %parallel_loop3A_656 = tpu.vector_load_idx %arg4[%parallel_loop3A_568, %parallel_loop3A_655] : memref<16x2048xf32, #tpu.memory_space<vmem>>[vector<16xi32>, vector<16xi32>], vector<16xf32>,
        %parallel_loop3A_657 = arith.index_cast %parallel_loop3A_100 : i32 to index
        %parallel_loop3A_658 = arith.constant 192 : index
        %parallel_loop3A_659 = tpu.vector_load %arg5[%parallel_loop3A_657, %parallel_loop3A_658] {strides = array<i32>} : memref<16x2048xf32, #tpu.memory_space<vmem>>, vector<16xf32>,
        tpu.vector_store %arg5[%parallel_loop3A_657, %parallel_loop3A_658], %parallel_loop3A_656 {strides = array<i32>} : memref<16x2048xf32, #tpu.memory_space<vmem>>, vector<16xf32>,
        %parallel_loop3A_660 = arith.constant 128 : i32
        %parallel_loop3A_661 = vector.broadcast %parallel_loop3A_660 : i32 to vector<16xi32>
        %parallel_loop3A_662 = arith.addi %parallel_loop3A_551, %parallel_loop3A_661 : vector<16xi32>
        %parallel_loop3A_663 = tpu.vector_load_idx %arg4[%parallel_loop3A_568, %parallel_loop3A_662] : memref<16x2048xf32, #tpu.memory_space<vmem>>[vector<16xi32>, vector<16xi32>], vector<16xf32>,
        %parallel_loop3A_664 = arith.index_cast %parallel_loop3A_100 : i32 to index
        %parallel_loop3A_665 = arith.constant 208 : index
        %parallel_loop3A_666 = tpu.vector_load %arg5[%parallel_loop3A_664, %parallel_loop3A_665] {strides = array<i32>} : memref<16x2048xf32, #tpu.memory_space<vmem>>, vector<16xf32>,
        tpu.vector_store %arg5[%parallel_loop3A_664, %parallel_loop3A_665], %parallel_loop3A_663 {strides = array<i32>} : memref<16x2048xf32, #tpu.memory_space<vmem>>, vector<16xf32>,
        %parallel_loop3A_667 = arith.constant 128 : i32
        %parallel_loop3A_668 = vector.broadcast %parallel_loop3A_667 : i32 to vector<16xi32>
        %parallel_loop3A_669 = arith.addi %parallel_loop3A_560, %parallel_loop3A_668 : vector<16xi32>
        %parallel_loop3A_670 = tpu.vector_load_idx %arg4[%parallel_loop3A_568, %parallel_loop3A_669] : memref<16x2048xf32, #tpu.memory_space<vmem>>[vector<16xi32>, vector<16xi32>], vector<16xf32>,
        %parallel_loop3A_671 = arith.index_cast %parallel_loop3A_100 : i32 to index
        %parallel_loop3A_672 = arith.constant 224 : index
        %parallel_loop3A_673 = tpu.vector_load %arg5[%parallel_loop3A_671, %parallel_loop3A_672] {strides = array<i32>} : memref<16x2048xf32, #tpu.memory_space<vmem>>, vector<16xf32>,
        tpu.vector_store %arg5[%parallel_loop3A_671, %parallel_loop3A_672], %parallel_loop3A_670 {strides = array<i32>} : memref<16x2048xf32, #tpu.memory_space<vmem>>, vector<16xf32>,
        %parallel_loop3A_674 = arith.constant 128 : i32
        %parallel_loop3A_675 = vector.broadcast %parallel_loop3A_674 : i32 to vector<16xi32>
        %parallel_loop3A_676 = arith.addi %parallel_loop3A_564, %parallel_loop3A_675 : vector<16xi32>
        %parallel_loop3A_677 = tpu.vector_load_idx %arg4[%parallel_loop3A_568, %parallel_loop3A_676] : memref<16x2048xf32, #tpu.memory_space<vmem>>[vector<16xi32>, vector<16xi32>], vector<16xf32>,
        %parallel_loop3A_678 = arith.index_cast %parallel_loop3A_100 : i32 to index
        %parallel_loop3A_679 = arith.constant 240 : index
        %parallel_loop3A_680 = tpu.vector_load %arg5[%parallel_loop3A_678, %parallel_loop3A_679] {strides = array<i32>} : memref<16x2048xf32, #tpu.memory_space<vmem>>, vector<16xf32>,
        tpu.vector_store %arg5[%parallel_loop3A_678, %parallel_loop3A_679], %parallel_loop3A_677 {strides = array<i32>} : memref<16x2048xf32, #tpu.memory_space<vmem>>, vector<16xf32>,
        %parallel_loop3A_681 = arith.constant 256 : i32
        %parallel_loop3A_682 = vector.broadcast %parallel_loop3A_681 : i32 to vector<16xi32>
        %parallel_loop3A_683 = arith.addi %parallel_loop3A_511, %parallel_loop3A_682 : vector<16xi32>
        %parallel_loop3A_684 = tpu.vector_load_idx %arg4[%parallel_loop3A_568, %parallel_loop3A_683] : memref<16x2048xf32, #tpu.memory_space<vmem>>[vector<16xi32>, vector<16xi32>], vector<16xf32>,
        %parallel_loop3A_685 = arith.index_cast %parallel_loop3A_100 : i32 to index
        %parallel_loop3A_686 = arith.constant 256 : index
        %parallel_loop3A_687 = tpu.vector_load %arg5[%parallel_loop3A_685, %parallel_loop3A_686] {strides = array<i32>} : memref<16x2048xf32, #tpu.memory_space<vmem>>, vector<16xf32>,
        tpu.vector_store %arg5[%parallel_loop3A_685, %parallel_loop3A_686], %parallel_loop3A_684 {strides = array<i32>} : memref<16x2048xf32, #tpu.memory_space<vmem>>, vector<16xf32>,
        %parallel_loop3A_688 = arith.constant 256 : i32
        %parallel_loop3A_689 = vector.broadcast %parallel_loop3A_688 : i32 to vector<16xi32>
        %parallel_loop3A_690 = arith.addi %parallel_loop3A_515, %parallel_loop3A_689 : vector<16xi32>
        %parallel_loop3A_691 = tpu.vector_load_idx %arg4[%parallel_loop3A_568, %parallel_loop3A_690] : memref<16x2048xf32, #tpu.memory_space<vmem>>[vector<16xi32>, vector<16xi32>], vector<16xf32>,
        %parallel_loop3A_692 = arith.index_cast %parallel_loop3A_100 : i32 to index
        %parallel_loop3A_693 = arith.constant 272 : index
        %parallel_loop3A_694 = tpu.vector_load %arg5[%parallel_loop3A_692, %parallel_loop3A_693] {strides = array<i32>} : memref<16x2048xf32, #tpu.memory_space<vmem>>, vector<16xf32>,
        tpu.vector_store %arg5[%parallel_loop3A_692, %parallel_loop3A_693], %parallel_loop3A_691 {strides = array<i32>} : memref<16x2048xf32, #tpu.memory_space<vmem>>, vector<16xf32>,
        %parallel_loop3A_695 = arith.constant 256 : i32
        %parallel_loop3A_696 = vector.broadcast %parallel_loop3A_695 : i32 to vector<16xi32>
        %parallel_loop3A_697 = arith.addi %parallel_loop3A_524, %parallel_loop3A_696 : vector<16xi32>
        %parallel_loop3A_698 = tpu.vector_load_idx %arg4[%parallel_loop3A_568, %parallel_loop3A_697] : memref<16x2048xf32, #tpu.memory_space<vmem>>[vector<16xi32>, vector<16xi32>], vector<16xf32>,
        %parallel_loop3A_699 = arith.index_cast %parallel_loop3A_100 : i32 to index
        %parallel_loop3A_700 = arith.constant 288 : index
        %parallel_loop3A_701 = tpu.vector_load %arg5[%parallel_loop3A_699, %parallel_loop3A_700] {strides = array<i32>} : memref<16x2048xf32, #tpu.memory_space<vmem>>, vector<16xf32>,
        tpu.vector_store %arg5[%parallel_loop3A_699, %parallel_loop3A_700], %parallel_loop3A_698 {strides = array<i32>} : memref<16x2048xf32, #tpu.memory_space<vmem>>, vector<16xf32>,
        %parallel_loop3A_702 = arith.constant 256 : i32
        %parallel_loop3A_703 = vector.broadcast %parallel_loop3A_702 : i32 to vector<16xi32>
        %parallel_loop3A_704 = arith.addi %parallel_loop3A_528, %parallel_loop3A_703 : vector<16xi32>
        %parallel_loop3A_705 = tpu.vector_load_idx %arg4[%parallel_loop3A_568, %parallel_loop3A_704] : memref<16x2048xf32, #tpu.memory_space<vmem>>[vector<16xi32>, vector<16xi32>], vector<16xf32>,
        %parallel_loop3A_706 = arith.index_cast %parallel_loop3A_100 : i32 to index
        %parallel_loop3A_707 = arith.constant 304 : index
        %parallel_loop3A_708 = tpu.vector_load %arg5[%parallel_loop3A_706, %parallel_loop3A_707] {strides = array<i32>} : memref<16x2048xf32, #tpu.memory_space<vmem>>, vector<16xf32>,
        tpu.vector_store %arg5[%parallel_loop3A_706, %parallel_loop3A_707], %parallel_loop3A_705 {strides = array<i32>} : memref<16x2048xf32, #tpu.memory_space<vmem>>, vector<16xf32>,
        %parallel_loop3A_709 = arith.constant 256 : i32
        %parallel_loop3A_710 = vector.broadcast %parallel_loop3A_709 : i32 to vector<16xi32>
        %parallel_loop3A_711 = arith.addi %parallel_loop3A_547, %parallel_loop3A_710 : vector<16xi32>
        %parallel_loop3A_712 = tpu.vector_load_idx %arg4[%parallel_loop3A_568, %parallel_loop3A_711] : memref<16x2048xf32, #tpu.memory_space<vmem>>[vector<16xi32>, vector<16xi32>], vector<16xf32>,
        %parallel_loop3A_713 = arith.index_cast %parallel_loop3A_100 : i32 to index
        %parallel_loop3A_714 = arith.constant 320 : index
        %parallel_loop3A_715 = tpu.vector_load %arg5[%parallel_loop3A_713, %parallel_loop3A_714] {strides = array<i32>} : memref<16x2048xf32, #tpu.memory_space<vmem>>, vector<16xf32>,
        tpu.vector_store %arg5[%parallel_loop3A_713, %parallel_loop3A_714], %parallel_loop3A_712 {strides = array<i32>} : memref<16x2048xf32, #tpu.memory_space<vmem>>, vector<16xf32>,
        %parallel_loop3A_716 = arith.constant 256 : i32
        %parallel_loop3A_717 = vector.broadcast %parallel_loop3A_716 : i32 to vector<16xi32>
        %parallel_loop3A_718 = arith.addi %parallel_loop3A_551, %parallel_loop3A_717 : vector<16xi32>
        %parallel_loop3A_719 = tpu.vector_load_idx %arg4[%parallel_loop3A_568, %parallel_loop3A_718] : memref<16x2048xf32, #tpu.memory_space<vmem>>[vector<16xi32>, vector<16xi32>], vector<16xf32>,
        %parallel_loop3A_720 = arith.index_cast %parallel_loop3A_100 : i32 to index
        %parallel_loop3A_721 = arith.constant 336 : index
        %parallel_loop3A_722 = tpu.vector_load %arg5[%parallel_loop3A_720, %parallel_loop3A_721] {strides = array<i32>} : memref<16x2048xf32, #tpu.memory_space<vmem>>, vector<16xf32>,
        tpu.vector_store %arg5[%parallel_loop3A_720, %parallel_loop3A_721], %parallel_loop3A_719 {strides = array<i32>} : memref<16x2048xf32, #tpu.memory_space<vmem>>, vector<16xf32>,
        %parallel_loop3A_723 = arith.constant 256 : i32
        %parallel_loop3A_724 = vector.broadcast %parallel_loop3A_723 : i32 to vector<16xi32>
        %parallel_loop3A_725 = arith.addi %parallel_loop3A_560, %parallel_loop3A_724 : vector<16xi32>
        %parallel_loop3A_726 = tpu.vector_load_idx %arg4[%parallel_loop3A_568, %parallel_loop3A_725] : memref<16x2048xf32, #tpu.memory_space<vmem>>[vector<16xi32>, vector<16xi32>], vector<16xf32>,
        %parallel_loop3A_727 = arith.index_cast %parallel_loop3A_100 : i32 to index
        %parallel_loop3A_728 = arith.constant 352 : index
        %parallel_loop3A_729 = tpu.vector_load %arg5[%parallel_loop3A_727, %parallel_loop3A_728] {strides = array<i32>} : memref<16x2048xf32, #tpu.memory_space<vmem>>, vector<16xf32>,
        tpu.vector_store %arg5[%parallel_loop3A_727, %parallel_loop3A_728], %parallel_loop3A_726 {strides = array<i32>} : memref<16x2048xf32, #tpu.memory_space<vmem>>, vector<16xf32>,
        %parallel_loop3A_730 = arith.constant 256 : i32
        %parallel_loop3A_731 = vector.broadcast %parallel_loop3A_730 : i32 to vector<16xi32>
        %parallel_loop3A_732 = arith.addi %parallel_loop3A_564, %parallel_loop3A_731 : vector<16xi32>
        %parallel_loop3A_733 = tpu.vector_load_idx %arg4[%parallel_loop3A_568, %parallel_loop3A_732] : memref<16x2048xf32, #tpu.memory_space<vmem>>[vector<16xi32>, vector<16xi32>], vector<16xf32>,
        %parallel_loop3A_734 = arith.index_cast %parallel_loop3A_100 : i32 to index
        %parallel_loop3A_735 = arith.constant 368 : index
        %parallel_loop3A_736 = tpu.vector_load %arg5[%parallel_loop3A_734, %parallel_loop3A_735] {strides = array<i32>} : memref<16x2048xf32, #tpu.memory_space<vmem>>, vector<16xf32>,
        tpu.vector_store %arg5[%parallel_loop3A_734, %parallel_loop3A_735], %parallel_loop3A_733 {strides = array<i32>} : memref<16x2048xf32, #tpu.memory_space<vmem>>, vector<16xf32>,
        %parallel_loop3A_737 = arith.constant 384 : i32
        %parallel_loop3A_738 = vector.broadcast %parallel_loop3A_737 : i32 to vector<16xi32>
        %parallel_loop3A_739 = arith.addi %parallel_loop3A_511, %parallel_loop3A_738 : vector<16xi32>
        %parallel_loop3A_740 = tpu.vector_load_idx %arg4[%parallel_loop3A_568, %parallel_loop3A_739] : memref<16x2048xf32, #tpu.memory_space<vmem>>[vector<16xi32>, vector<16xi32>], vector<16xf32>,
        %parallel_loop3A_741 = arith.index_cast %parallel_loop3A_100 : i32 to index
        %parallel_loop3A_742 = arith.constant 384 : index
        %parallel_loop3A_743 = tpu.vector_load %arg5[%parallel_loop3A_741, %parallel_loop3A_742] {strides = array<i32>} : memref<16x2048xf32, #tpu.memory_space<vmem>>, vector<16xf32>,
        tpu.vector_store %arg5[%parallel_loop3A_741, %parallel_loop3A_742], %parallel_loop3A_740 {strides = array<i32>} : memref<16x2048xf32, #tpu.memory_space<vmem>>, vector<16xf32>,
        %parallel_loop3A_744 = arith.constant 384 : i32
        %parallel_loop3A_745 = vector.broadcast %parallel_loop3A_744 : i32 to vector<16xi32>
        %parallel_loop3A_746 = arith.addi %parallel_loop3A_515, %parallel_loop3A_745 : vector<16xi32>
        %parallel_loop3A_747 = tpu.vector_load_idx %arg4[%parallel_loop3A_568, %parallel_loop3A_746] : memref<16x2048xf32, #tpu.memory_space<vmem>>[vector<16xi32>, vector<16xi32>], vector<16xf32>,
        %parallel_loop3A_748 = arith.index_cast %parallel_loop3A_100 : i32 to index
        %parallel_loop3A_749 = arith.constant 400 : index
        %parallel_loop3A_750 = tpu.vector_load %arg5[%parallel_loop3A_748, %parallel_loop3A_749] {strides = array<i32>} : memref<16x2048xf32, #tpu.memory_space<vmem>>, vector<16xf32>,
        tpu.vector_store %arg5[%parallel_loop3A_748, %parallel_loop3A_749], %parallel_loop3A_747 {strides = array<i32>} : memref<16x2048xf32, #tpu.memory_space<vmem>>, vector<16xf32>,
        %parallel_loop3A_751 = arith.constant 384 : i32
        %parallel_loop3A_752 = vector.broadcast %parallel_loop3A_751 : i32 to vector<16xi32>
        %parallel_loop3A_753 = arith.addi %parallel_loop3A_524, %parallel_loop3A_752 : vector<16xi32>
        %parallel_loop3A_754 = tpu.vector_load_idx %arg4[%parallel_loop3A_568, %parallel_loop3A_753] : memref<16x2048xf32, #tpu.memory_space<vmem>>[vector<16xi32>, vector<16xi32>], vector<16xf32>,
        %parallel_loop3A_755 = arith.index_cast %parallel_loop3A_100 : i32 to index
        %parallel_loop3A_756 = arith.constant 416 : index
        %parallel_loop3A_757 = tpu.vector_load %arg5[%parallel_loop3A_755, %parallel_loop3A_756] {strides = array<i32>} : memref<16x2048xf32, #tpu.memory_space<vmem>>, vector<16xf32>,
        tpu.vector_store %arg5[%parallel_loop3A_755, %parallel_loop3A_756], %parallel_loop3A_754 {strides = array<i32>} : memref<16x2048xf32, #tpu.memory_space<vmem>>, vector<16xf32>,
        %parallel_loop3A_758 = arith.constant 384 : i32
        %parallel_loop3A_759 = vector.broadcast %parallel_loop3A_758 : i32 to vector<16xi32>
        %parallel_loop3A_760 = arith.addi %parallel_loop3A_528, %parallel_loop3A_759 : vector<16xi32>
        %parallel_loop3A_761 = tpu.vector_load_idx %arg4[%parallel_loop3A_568, %parallel_loop3A_760] : memref<16x2048xf32, #tpu.memory_space<vmem>>[vector<16xi32>, vector<16xi32>], vector<16xf32>,
        %parallel_loop3A_762 = arith.index_cast %parallel_loop3A_100 : i32 to index
        %parallel_loop3A_763 = arith.constant 432 : index
        %parallel_loop3A_764 = tpu.vector_load %arg5[%parallel_loop3A_762, %parallel_loop3A_763] {strides = array<i32>} : memref<16x2048xf32, #tpu.memory_space<vmem>>, vector<16xf32>,
        tpu.vector_store %arg5[%parallel_loop3A_762, %parallel_loop3A_763], %parallel_loop3A_761 {strides = array<i32>} : memref<16x2048xf32, #tpu.memory_space<vmem>>, vector<16xf32>,
        %parallel_loop3A_765 = arith.constant 384 : i32
        %parallel_loop3A_766 = vector.broadcast %parallel_loop3A_765 : i32 to vector<16xi32>
        %parallel_loop3A_767 = arith.addi %parallel_loop3A_547, %parallel_loop3A_766 : vector<16xi32>
        %parallel_loop3A_768 = tpu.vector_load_idx %arg4[%parallel_loop3A_568, %parallel_loop3A_767] : memref<16x2048xf32, #tpu.memory_space<vmem>>[vector<16xi32>, vector<16xi32>], vector<16xf32>,
        %parallel_loop3A_769 = arith.index_cast %parallel_loop3A_100 : i32 to index
        %parallel_loop3A_770 = arith.constant 448 : index
        %parallel_loop3A_771 = tpu.vector_load %arg5[%parallel_loop3A_769, %parallel_loop3A_770] {strides = array<i32>} : memref<16x2048xf32, #tpu.memory_space<vmem>>, vector<16xf32>,
        tpu.vector_store %arg5[%parallel_loop3A_769, %parallel_loop3A_770], %parallel_loop3A_768 {strides = array<i32>} : memref<16x2048xf32, #tpu.memory_space<vmem>>, vector<16xf32>,
        %parallel_loop3A_772 = arith.constant 384 : i32
        %parallel_loop3A_773 = vector.broadcast %parallel_loop3A_772 : i32 to vector<16xi32>
        %parallel_loop3A_774 = arith.addi %parallel_loop3A_551, %parallel_loop3A_773 : vector<16xi32>
        %parallel_loop3A_775 = tpu.vector_load_idx %arg4[%parallel_loop3A_568, %parallel_loop3A_774] : memref<16x2048xf32, #tpu.memory_space<vmem>>[vector<16xi32>, vector<16xi32>], vector<16xf32>,
        %parallel_loop3A_776 = arith.index_cast %parallel_loop3A_100 : i32 to index
        %parallel_loop3A_777 = arith.constant 464 : index
        %parallel_loop3A_778 = tpu.vector_load %arg5[%parallel_loop3A_776, %parallel_loop3A_777] {strides = array<i32>} : memref<16x2048xf32, #tpu.memory_space<vmem>>, vector<16xf32>,
        tpu.vector_store %arg5[%parallel_loop3A_776, %parallel_loop3A_777], %parallel_loop3A_775 {strides = array<i32>} : memref<16x2048xf32, #tpu.memory_space<vmem>>, vector<16xf32>,
        %parallel_loop3A_779 = arith.constant 384 : i32
        %parallel_loop3A_780 = vector.broadcast %parallel_loop3A_779 : i32 to vector<16xi32>
        %parallel_loop3A_781 = arith.addi %parallel_loop3A_560, %parallel_loop3A_780 : vector<16xi32>
        %parallel_loop3A_782 = tpu.vector_load_idx %arg4[%parallel_loop3A_568, %parallel_loop3A_781] : memref<16x2048xf32, #tpu.memory_space<vmem>>[vector<16xi32>, vector<16xi32>], vector<16xf32>,
        %parallel_loop3A_783 = arith.index_cast %parallel_loop3A_100 : i32 to index
        %parallel_loop3A_784 = arith.constant 480 : index
        %parallel_loop3A_785 = tpu.vector_load %arg5[%parallel_loop3A_783, %parallel_loop3A_784] {strides = array<i32>} : memref<16x2048xf32, #tpu.memory_space<vmem>>, vector<16xf32>,
        tpu.vector_store %arg5[%parallel_loop3A_783, %parallel_loop3A_784], %parallel_loop3A_782 {strides = array<i32>} : memref<16x2048xf32, #tpu.memory_space<vmem>>, vector<16xf32>,
        %parallel_loop3A_786 = arith.constant 384 : i32
        %parallel_loop3A_787 = vector.broadcast %parallel_loop3A_786 : i32 to vector<16xi32>
        %parallel_loop3A_788 = arith.addi %parallel_loop3A_564, %parallel_loop3A_787 : vector<16xi32>
        %parallel_loop3A_789 = tpu.vector_load_idx %arg4[%parallel_loop3A_568, %parallel_loop3A_788] : memref<16x2048xf32, #tpu.memory_space<vmem>>[vector<16xi32>, vector<16xi32>], vector<16xf32>,
        %parallel_loop3A_790 = arith.index_cast %parallel_loop3A_100 : i32 to index
        %parallel_loop3A_791 = arith.constant 496 : index
        %parallel_loop3A_792 = tpu.vector_load %arg5[%parallel_loop3A_790, %parallel_loop3A_791] {strides = array<i32>} : memref<16x2048xf32, #tpu.memory_space<vmem>>, vector<16xf32>,
        tpu.vector_store %arg5[%parallel_loop3A_790, %parallel_loop3A_791], %parallel_loop3A_789 {strides = array<i32>} : memref<16x2048xf32, #tpu.memory_space<vmem>>, vector<16xf32>,
        %parallel_loop3A_793 = arith.constant 512 : i32
        %parallel_loop3A_794 = vector.broadcast %parallel_loop3A_793 : i32 to vector<16xi32>
        %parallel_loop3A_795 = arith.addi %parallel_loop3A_511, %parallel_loop3A_794 : vector<16xi32>
        %parallel_loop3A_796 = tpu.vector_load_idx %arg4[%parallel_loop3A_568, %parallel_loop3A_795] : memref<16x2048xf32, #tpu.memory_space<vmem>>[vector<16xi32>, vector<16xi32>], vector<16xf32>,
        %parallel_loop3A_797 = arith.index_cast %parallel_loop3A_100 : i32 to index
        %parallel_loop3A_798 = arith.constant 512 : index
        %parallel_loop3A_799 = tpu.vector_load %arg5[%parallel_loop3A_797, %parallel_loop3A_798] {strides = array<i32>} : memref<16x2048xf32, #tpu.memory_space<vmem>>, vector<16xf32>,
        tpu.vector_store %arg5[%parallel_loop3A_797, %parallel_loop3A_798], %parallel_loop3A_796 {strides = array<i32>} : memref<16x2048xf32, #tpu.memory_space<vmem>>, vector<16xf32>,
        %parallel_loop3A_800 = arith.constant 512 : i32
        %parallel_loop3A_801 = vector.broadcast %parallel_loop3A_800 : i32 to vector<16xi32>
        %parallel_loop3A_802 = arith.addi %parallel_loop3A_515, %parallel_loop3A_801 : vector<16xi32>
        %parallel_loop3A_803 = tpu.vector_load_idx %arg4[%parallel_loop3A_568, %parallel_loop3A_802] : memref<16x2048xf32, #tpu.memory_space<vmem>>[vector<16xi32>, vector<16xi32>], vector<16xf32>,
        %parallel_loop3A_804 = arith.index_cast %parallel_loop3A_100 : i32 to index
        %parallel_loop3A_805 = arith.constant 528 : index
        %parallel_loop3A_806 = tpu.vector_load %arg5[%parallel_loop3A_804, %parallel_loop3A_805] {strides = array<i32>} : memref<16x2048xf32, #tpu.memory_space<vmem>>, vector<16xf32>,
        tpu.vector_store %arg5[%parallel_loop3A_804, %parallel_loop3A_805], %parallel_loop3A_803 {strides = array<i32>} : memref<16x2048xf32, #tpu.memory_space<vmem>>, vector<16xf32>,
        %parallel_loop3A_807 = arith.constant 512 : i32
        %parallel_loop3A_808 = vector.broadcast %parallel_loop3A_807 : i32 to vector<16xi32>
        %parallel_loop3A_809 = arith.addi %parallel_loop3A_524, %parallel_loop3A_808 : vector<16xi32>
        %parallel_loop3A_810 = tpu.vector_load_idx %arg4[%parallel_loop3A_568, %parallel_loop3A_809] : memref<16x2048xf32, #tpu.memory_space<vmem>>[vector<16xi32>, vector<16xi32>], vector<16xf32>,
        %parallel_loop3A_811 = arith.index_cast %parallel_loop3A_100 : i32 to index
        %parallel_loop3A_812 = arith.constant 544 : index
        %parallel_loop3A_813 = tpu.vector_load %arg5[%parallel_loop3A_811, %parallel_loop3A_812] {strides = array<i32>} : memref<16x2048xf32, #tpu.memory_space<vmem>>, vector<16xf32>,
        tpu.vector_store %arg5[%parallel_loop3A_811, %parallel_loop3A_812], %parallel_loop3A_810 {strides = array<i32>} : memref<16x2048xf32, #tpu.memory_space<vmem>>, vector<16xf32>,
        %parallel_loop3A_814 = arith.constant 512 : i32
        %parallel_loop3A_815 = vector.broadcast %parallel_loop3A_814 : i32 to vector<16xi32>
        %parallel_loop3A_816 = arith.addi %parallel_loop3A_528, %parallel_loop3A_815 : vector<16xi32>
        %parallel_loop3A_817 = tpu.vector_load_idx %arg4[%parallel_loop3A_568, %parallel_loop3A_816] : memref<16x2048xf32, #tpu.memory_space<vmem>>[vector<16xi32>, vector<16xi32>], vector<16xf32>,
        %parallel_loop3A_818 = arith.index_cast %parallel_loop3A_100 : i32 to index
        %parallel_loop3A_819 = arith.constant 560 : index
        %parallel_loop3A_820 = tpu.vector_load %arg5[%parallel_loop3A_818, %parallel_loop3A_819] {strides = array<i32>} : memref<16x2048xf32, #tpu.memory_space<vmem>>, vector<16xf32>,
        tpu.vector_store %arg5[%parallel_loop3A_818, %parallel_loop3A_819], %parallel_loop3A_817 {strides = array<i32>} : memref<16x2048xf32, #tpu.memory_space<vmem>>, vector<16xf32>,
        %parallel_loop3A_821 = arith.constant 512 : i32
        %parallel_loop3A_822 = vector.broadcast %parallel_loop3A_821 : i32 to vector<16xi32>
        %parallel_loop3A_823 = arith.addi %parallel_loop3A_547, %parallel_loop3A_822 : vector<16xi32>
        %parallel_loop3A_824 = tpu.vector_load_idx %arg4[%parallel_loop3A_568, %parallel_loop3A_823] : memref<16x2048xf32, #tpu.memory_space<vmem>>[vector<16xi32>, vector<16xi32>], vector<16xf32>,
        %parallel_loop3A_825 = arith.index_cast %parallel_loop3A_100 : i32 to index
        %parallel_loop3A_826 = arith.constant 576 : index
        %parallel_loop3A_827 = tpu.vector_load %arg5[%parallel_loop3A_825, %parallel_loop3A_826] {strides = array<i32>} : memref<16x2048xf32, #tpu.memory_space<vmem>>, vector<16xf32>,
        tpu.vector_store %arg5[%parallel_loop3A_825, %parallel_loop3A_826], %parallel_loop3A_824 {strides = array<i32>} : memref<16x2048xf32, #tpu.memory_space<vmem>>, vector<16xf32>,
        %parallel_loop3A_828 = arith.constant 512 : i32
        %parallel_loop3A_829 = vector.broadcast %parallel_loop3A_828 : i32 to vector<16xi32>
        %parallel_loop3A_830 = arith.addi %parallel_loop3A_551, %parallel_loop3A_829 : vector<16xi32>
        %parallel_loop3A_831 = tpu.vector_load_idx %arg4[%parallel_loop3A_568, %parallel_loop3A_830] : memref<16x2048xf32, #tpu.memory_space<vmem>>[vector<16xi32>, vector<16xi32>], vector<16xf32>,
        %parallel_loop3A_832 = arith.index_cast %parallel_loop3A_100 : i32 to index
        %parallel_loop3A_833 = arith.constant 592 : index
        %parallel_loop3A_834 = tpu.vector_load %arg5[%parallel_loop3A_832, %parallel_loop3A_833] {strides = array<i32>} : memref<16x2048xf32, #tpu.memory_space<vmem>>, vector<16xf32>,
        tpu.vector_store %arg5[%parallel_loop3A_832, %parallel_loop3A_833], %parallel_loop3A_831 {strides = array<i32>} : memref<16x2048xf32, #tpu.memory_space<vmem>>, vector<16xf32>,
        %parallel_loop3A_835 = arith.constant 512 : i32
        %parallel_loop3A_836 = vector.broadcast %parallel_loop3A_835 : i32 to vector<16xi32>
        %parallel_loop3A_837 = arith.addi %parallel_loop3A_560, %parallel_loop3A_836 : vector<16xi32>
        %parallel_loop3A_838 = tpu.vector_load_idx %arg4[%parallel_loop3A_568, %parallel_loop3A_837] : memref<16x2048xf32, #tpu.memory_space<vmem>>[vector<16xi32>, vector<16xi32>], vector<16xf32>,
        %parallel_loop3A_839 = arith.index_cast %parallel_loop3A_100 : i32 to index
        %parallel_loop3A_840 = arith.constant 608 : index
        %parallel_loop3A_841 = tpu.vector_load %arg5[%parallel_loop3A_839, %parallel_loop3A_840] {strides = array<i32>} : memref<16x2048xf32, #tpu.memory_space<vmem>>, vector<16xf32>,
        tpu.vector_store %arg5[%parallel_loop3A_839, %parallel_loop3A_840], %parallel_loop3A_838 {strides = array<i32>} : memref<16x2048xf32, #tpu.memory_space<vmem>>, vector<16xf32>,
        %parallel_loop3A_842 = arith.constant 512 : i32
        %parallel_loop3A_843 = vector.broadcast %parallel_loop3A_842 : i32 to vector<16xi32>
        %parallel_loop3A_844 = arith.addi %parallel_loop3A_564, %parallel_loop3A_843 : vector<16xi32>
        %parallel_loop3A_845 = tpu.vector_load_idx %arg4[%parallel_loop3A_568, %parallel_loop3A_844] : memref<16x2048xf32, #tpu.memory_space<vmem>>[vector<16xi32>, vector<16xi32>], vector<16xf32>,
        %parallel_loop3A_846 = arith.index_cast %parallel_loop3A_100 : i32 to index
        %parallel_loop3A_847 = arith.constant 624 : index
        %parallel_loop3A_848 = tpu.vector_load %arg5[%parallel_loop3A_846, %parallel_loop3A_847] {strides = array<i32>} : memref<16x2048xf32, #tpu.memory_space<vmem>>, vector<16xf32>,
        tpu.vector_store %arg5[%parallel_loop3A_846, %parallel_loop3A_847], %parallel_loop3A_845 {strides = array<i32>} : memref<16x2048xf32, #tpu.memory_space<vmem>>, vector<16xf32>,
        %parallel_loop3A_849 = arith.constant 640 : i32
        %parallel_loop3A_850 = vector.broadcast %parallel_loop3A_849 : i32 to vector<16xi32>
        %parallel_loop3A_851 = arith.addi %parallel_loop3A_511, %parallel_loop3A_850 : vector<16xi32>
        %parallel_loop3A_852 = tpu.vector_load_idx %arg4[%parallel_loop3A_568, %parallel_loop3A_851] : memref<16x2048xf32, #tpu.memory_space<vmem>>[vector<16xi32>, vector<16xi32>], vector<16xf32>,
        %parallel_loop3A_853 = arith.index_cast %parallel_loop3A_100 : i32 to index
        %parallel_loop3A_854 = arith.constant 640 : index
        %parallel_loop3A_855 = tpu.vector_load %arg5[%parallel_loop3A_853, %parallel_loop3A_854] {strides = array<i32>} : memref<16x2048xf32, #tpu.memory_space<vmem>>, vector<16xf32>,
        tpu.vector_store %arg5[%parallel_loop3A_853, %parallel_loop3A_854], %parallel_loop3A_852 {strides = array<i32>} : memref<16x2048xf32, #tpu.memory_space<vmem>>, vector<16xf32>,
        %parallel_loop3A_856 = arith.constant 640 : i32
        %parallel_loop3A_857 = vector.broadcast %parallel_loop3A_856 : i32 to vector<16xi32>
        %parallel_loop3A_858 = arith.addi %parallel_loop3A_515, %parallel_loop3A_857 : vector<16xi32>
        %parallel_loop3A_859 = tpu.vector_load_idx %arg4[%parallel_loop3A_568, %parallel_loop3A_858] : memref<16x2048xf32, #tpu.memory_space<vmem>>[vector<16xi32>, vector<16xi32>], vector<16xf32>,
        %parallel_loop3A_860 = arith.index_cast %parallel_loop3A_100 : i32 to index
        %parallel_loop3A_861 = arith.constant 656 : index
        %parallel_loop3A_862 = tpu.vector_load %arg5[%parallel_loop3A_860, %parallel_loop3A_861] {strides = array<i32>} : memref<16x2048xf32, #tpu.memory_space<vmem>>, vector<16xf32>,
        tpu.vector_store %arg5[%parallel_loop3A_860, %parallel_loop3A_861], %parallel_loop3A_859 {strides = array<i32>} : memref<16x2048xf32, #tpu.memory_space<vmem>>, vector<16xf32>,
        %parallel_loop3A_863 = arith.constant 640 : i32
        %parallel_loop3A_864 = vector.broadcast %parallel_loop3A_863 : i32 to vector<16xi32>
        %parallel_loop3A_865 = arith.addi %parallel_loop3A_524, %parallel_loop3A_864 : vector<16xi32>
        %parallel_loop3A_866 = tpu.vector_load_idx %arg4[%parallel_loop3A_568, %parallel_loop3A_865] : memref<16x2048xf32, #tpu.memory_space<vmem>>[vector<16xi32>, vector<16xi32>], vector<16xf32>,
        %parallel_loop3A_867 = arith.index_cast %parallel_loop3A_100 : i32 to index
        %parallel_loop3A_868 = arith.constant 672 : index
        %parallel_loop3A_869 = tpu.vector_load %arg5[%parallel_loop3A_867, %parallel_loop3A_868] {strides = array<i32>} : memref<16x2048xf32, #tpu.memory_space<vmem>>, vector<16xf32>,
        tpu.vector_store %arg5[%parallel_loop3A_867, %parallel_loop3A_868], %parallel_loop3A_866 {strides = array<i32>} : memref<16x2048xf32, #tpu.memory_space<vmem>>, vector<16xf32>,
        %parallel_loop3A_870 = arith.constant 640 : i32
        %parallel_loop3A_871 = vector.broadcast %parallel_loop3A_870 : i32 to vector<16xi32>
        %parallel_loop3A_872 = arith.addi %parallel_loop3A_528, %parallel_loop3A_871 : vector<16xi32>
        %parallel_loop3A_873 = tpu.vector_load_idx %arg4[%parallel_loop3A_568, %parallel_loop3A_872] : memref<16x2048xf32, #tpu.memory_space<vmem>>[vector<16xi32>, vector<16xi32>], vector<16xf32>,
        %parallel_loop3A_874 = arith.index_cast %parallel_loop3A_100 : i32 to index
        %parallel_loop3A_875 = arith.constant 688 : index
        %parallel_loop3A_876 = tpu.vector_load %arg5[%parallel_loop3A_874, %parallel_loop3A_875] {strides = array<i32>} : memref<16x2048xf32, #tpu.memory_space<vmem>>, vector<16xf32>,
        tpu.vector_store %arg5[%parallel_loop3A_874, %parallel_loop3A_875], %parallel_loop3A_873 {strides = array<i32>} : memref<16x2048xf32, #tpu.memory_space<vmem>>, vector<16xf32>,
        %parallel_loop3A_877 = arith.constant 640 : i32
        %parallel_loop3A_878 = vector.broadcast %parallel_loop3A_877 : i32 to vector<16xi32>
        %parallel_loop3A_879 = arith.addi %parallel_loop3A_547, %parallel_loop3A_878 : vector<16xi32>
        %parallel_loop3A_880 = tpu.vector_load_idx %arg4[%parallel_loop3A_568, %parallel_loop3A_879] : memref<16x2048xf32, #tpu.memory_space<vmem>>[vector<16xi32>, vector<16xi32>], vector<16xf32>,
        %parallel_loop3A_881 = arith.index_cast %parallel_loop3A_100 : i32 to index
        %parallel_loop3A_882 = arith.constant 704 : index
        %parallel_loop3A_883 = tpu.vector_load %arg5[%parallel_loop3A_881, %parallel_loop3A_882] {strides = array<i32>} : memref<16x2048xf32, #tpu.memory_space<vmem>>, vector<16xf32>,
        tpu.vector_store %arg5[%parallel_loop3A_881, %parallel_loop3A_882], %parallel_loop3A_880 {strides = array<i32>} : memref<16x2048xf32, #tpu.memory_space<vmem>>, vector<16xf32>,
        %parallel_loop3A_884 = arith.constant 640 : i32
        %parallel_loop3A_885 = vector.broadcast %parallel_loop3A_884 : i32 to vector<16xi32>
        %parallel_loop3A_886 = arith.addi %parallel_loop3A_551, %parallel_loop3A_885 : vector<16xi32>
        %parallel_loop3A_887 = tpu.vector_load_idx %arg4[%parallel_loop3A_568, %parallel_loop3A_886] : memref<16x2048xf32, #tpu.memory_space<vmem>>[vector<16xi32>, vector<16xi32>], vector<16xf32>,
        %parallel_loop3A_888 = arith.index_cast %parallel_loop3A_100 : i32 to index
        %parallel_loop3A_889 = arith.constant 720 : index
        %parallel_loop3A_890 = tpu.vector_load %arg5[%parallel_loop3A_888, %parallel_loop3A_889] {strides = array<i32>} : memref<16x2048xf32, #tpu.memory_space<vmem>>, vector<16xf32>,
        tpu.vector_store %arg5[%parallel_loop3A_888, %parallel_loop3A_889], %parallel_loop3A_887 {strides = array<i32>} : memref<16x2048xf32, #tpu.memory_space<vmem>>, vector<16xf32>,
        %parallel_loop3A_891 = arith.constant 640 : i32
        %parallel_loop3A_892 = vector.broadcast %parallel_loop3A_891 : i32 to vector<16xi32>
        %parallel_loop3A_893 = arith.addi %parallel_loop3A_560, %parallel_loop3A_892 : vector<16xi32>
        %parallel_loop3A_894 = tpu.vector_load_idx %arg4[%parallel_loop3A_568, %parallel_loop3A_893] : memref<16x2048xf32, #tpu.memory_space<vmem>>[vector<16xi32>, vector<16xi32>], vector<16xf32>,
        %parallel_loop3A_895 = arith.index_cast %parallel_loop3A_100 : i32 to index
        %parallel_loop3A_896 = arith.constant 736 : index
        %parallel_loop3A_897 = tpu.vector_load %arg5[%parallel_loop3A_895, %parallel_loop3A_896] {strides = array<i32>} : memref<16x2048xf32, #tpu.memory_space<vmem>>, vector<16xf32>,
        tpu.vector_store %arg5[%parallel_loop3A_895, %parallel_loop3A_896], %parallel_loop3A_894 {strides = array<i32>} : memref<16x2048xf32, #tpu.memory_space<vmem>>, vector<16xf32>,
        %parallel_loop3A_898 = arith.constant 640 : i32
        %parallel_loop3A_899 = vector.broadcast %parallel_loop3A_898 : i32 to vector<16xi32>
        %parallel_loop3A_900 = arith.addi %parallel_loop3A_564, %parallel_loop3A_899 : vector<16xi32>
        %parallel_loop3A_901 = tpu.vector_load_idx %arg4[%parallel_loop3A_568, %parallel_loop3A_900] : memref<16x2048xf32, #tpu.memory_space<vmem>>[vector<16xi32>, vector<16xi32>], vector<16xf32>,
        %parallel_loop3A_902 = arith.index_cast %parallel_loop3A_100 : i32 to index
        %parallel_loop3A_903 = arith.constant 752 : index
        %parallel_loop3A_904 = tpu.vector_load %arg5[%parallel_loop3A_902, %parallel_loop3A_903] {strides = array<i32>} : memref<16x2048xf32, #tpu.memory_space<vmem>>, vector<16xf32>,
        tpu.vector_store %arg5[%parallel_loop3A_902, %parallel_loop3A_903], %parallel_loop3A_901 {strides = array<i32>} : memref<16x2048xf32, #tpu.memory_space<vmem>>, vector<16xf32>,
        %parallel_loop3A_905 = arith.constant 768 : i32
        %parallel_loop3A_906 = vector.broadcast %parallel_loop3A_905 : i32 to vector<16xi32>
        %parallel_loop3A_907 = arith.addi %parallel_loop3A_511, %parallel_loop3A_906 : vector<16xi32>
        %parallel_loop3A_908 = tpu.vector_load_idx %arg4[%parallel_loop3A_568, %parallel_loop3A_907] : memref<16x2048xf32, #tpu.memory_space<vmem>>[vector<16xi32>, vector<16xi32>], vector<16xf32>,
        %parallel_loop3A_909 = arith.index_cast %parallel_loop3A_100 : i32 to index
        %parallel_loop3A_910 = arith.constant 768 : index
        %parallel_loop3A_911 = tpu.vector_load %arg5[%parallel_loop3A_909, %parallel_loop3A_910] {strides = array<i32>} : memref<16x2048xf32, #tpu.memory_space<vmem>>, vector<16xf32>,
        tpu.vector_store %arg5[%parallel_loop3A_909, %parallel_loop3A_910], %parallel_loop3A_908 {strides = array<i32>} : memref<16x2048xf32, #tpu.memory_space<vmem>>, vector<16xf32>,
        %parallel_loop3A_912 = arith.constant 768 : i32
        %parallel_loop3A_913 = vector.broadcast %parallel_loop3A_912 : i32 to vector<16xi32>
        %parallel_loop3A_914 = arith.addi %parallel_loop3A_515, %parallel_loop3A_913 : vector<16xi32>
        %parallel_loop3A_915 = tpu.vector_load_idx %arg4[%parallel_loop3A_568, %parallel_loop3A_914] : memref<16x2048xf32, #tpu.memory_space<vmem>>[vector<16xi32>, vector<16xi32>], vector<16xf32>,
        %parallel_loop3A_916 = arith.index_cast %parallel_loop3A_100 : i32 to index
        %parallel_loop3A_917 = arith.constant 784 : index
        %parallel_loop3A_918 = tpu.vector_load %arg5[%parallel_loop3A_916, %parallel_loop3A_917] {strides = array<i32>} : memref<16x2048xf32, #tpu.memory_space<vmem>>, vector<16xf32>,
        tpu.vector_store %arg5[%parallel_loop3A_916, %parallel_loop3A_917], %parallel_loop3A_915 {strides = array<i32>} : memref<16x2048xf32, #tpu.memory_space<vmem>>, vector<16xf32>,
        %parallel_loop3A_919 = arith.constant 768 : i32
        %parallel_loop3A_920 = vector.broadcast %parallel_loop3A_919 : i32 to vector<16xi32>
        %parallel_loop3A_921 = arith.addi %parallel_loop3A_524, %parallel_loop3A_920 : vector<16xi32>
        %parallel_loop3A_922 = tpu.vector_load_idx %arg4[%parallel_loop3A_568, %parallel_loop3A_921] : memref<16x2048xf32, #tpu.memory_space<vmem>>[vector<16xi32>, vector<16xi32>], vector<16xf32>,
        %parallel_loop3A_923 = arith.index_cast %parallel_loop3A_100 : i32 to index
        %parallel_loop3A_924 = arith.constant 800 : index
        %parallel_loop3A_925 = tpu.vector_load %arg5[%parallel_loop3A_923, %parallel_loop3A_924] {strides = array<i32>} : memref<16x2048xf32, #tpu.memory_space<vmem>>, vector<16xf32>,
        tpu.vector_store %arg5[%parallel_loop3A_923, %parallel_loop3A_924], %parallel_loop3A_922 {strides = array<i32>} : memref<16x2048xf32, #tpu.memory_space<vmem>>, vector<16xf32>,
        %parallel_loop3A_926 = arith.constant 768 : i32
        %parallel_loop3A_927 = vector.broadcast %parallel_loop3A_926 : i32 to vector<16xi32>
        %parallel_loop3A_928 = arith.addi %parallel_loop3A_528, %parallel_loop3A_927 : vector<16xi32>
        %parallel_loop3A_929 = tpu.vector_load_idx %arg4[%parallel_loop3A_568, %parallel_loop3A_928] : memref<16x2048xf32, #tpu.memory_space<vmem>>[vector<16xi32>, vector<16xi32>], vector<16xf32>,
        %parallel_loop3A_930 = arith.index_cast %parallel_loop3A_100 : i32 to index
        %parallel_loop3A_931 = arith.constant 816 : index
        %parallel_loop3A_932 = tpu.vector_load %arg5[%parallel_loop3A_930, %parallel_loop3A_931] {strides = array<i32>} : memref<16x2048xf32, #tpu.memory_space<vmem>>, vector<16xf32>,
        tpu.vector_store %arg5[%parallel_loop3A_930, %parallel_loop3A_931], %parallel_loop3A_929 {strides = array<i32>} : memref<16x2048xf32, #tpu.memory_space<vmem>>, vector<16xf32>,
        %parallel_loop3A_933 = arith.constant 768 : i32
        %parallel_loop3A_934 = vector.broadcast %parallel_loop3A_933 : i32 to vector<16xi32>
        %parallel_loop3A_935 = arith.addi %parallel_loop3A_547, %parallel_loop3A_934 : vector<16xi32>
        %parallel_loop3A_936 = tpu.vector_load_idx %arg4[%parallel_loop3A_568, %parallel_loop3A_935] : memref<16x2048xf32, #tpu.memory_space<vmem>>[vector<16xi32>, vector<16xi32>], vector<16xf32>,
        %parallel_loop3A_937 = arith.index_cast %parallel_loop3A_100 : i32 to index
        %parallel_loop3A_938 = arith.constant 832 : index
        %parallel_loop3A_939 = tpu.vector_load %arg5[%parallel_loop3A_937, %parallel_loop3A_938] {strides = array<i32>} : memref<16x2048xf32, #tpu.memory_space<vmem>>, vector<16xf32>,
        tpu.vector_store %arg5[%parallel_loop3A_937, %parallel_loop3A_938], %parallel_loop3A_936 {strides = array<i32>} : memref<16x2048xf32, #tpu.memory_space<vmem>>, vector<16xf32>,
        %parallel_loop3A_940 = arith.constant 768 : i32
        %parallel_loop3A_941 = vector.broadcast %parallel_loop3A_940 : i32 to vector<16xi32>
        %parallel_loop3A_942 = arith.addi %parallel_loop3A_551, %parallel_loop3A_941 : vector<16xi32>
        %parallel_loop3A_943 = tpu.vector_load_idx %arg4[%parallel_loop3A_568, %parallel_loop3A_942] : memref<16x2048xf32, #tpu.memory_space<vmem>>[vector<16xi32>, vector<16xi32>], vector<16xf32>,
        %parallel_loop3A_944 = arith.index_cast %parallel_loop3A_100 : i32 to index
        %parallel_loop3A_945 = arith.constant 848 : index
        %parallel_loop3A_946 = tpu.vector_load %arg5[%parallel_loop3A_944, %parallel_loop3A_945] {strides = array<i32>} : memref<16x2048xf32, #tpu.memory_space<vmem>>, vector<16xf32>,
        tpu.vector_store %arg5[%parallel_loop3A_944, %parallel_loop3A_945], %parallel_loop3A_943 {strides = array<i32>} : memref<16x2048xf32, #tpu.memory_space<vmem>>, vector<16xf32>,
        %parallel_loop3A_947 = arith.constant 768 : i32
        %parallel_loop3A_948 = vector.broadcast %parallel_loop3A_947 : i32 to vector<16xi32>
        %parallel_loop3A_949 = arith.addi %parallel_loop3A_560, %parallel_loop3A_948 : vector<16xi32>
        %parallel_loop3A_950 = tpu.vector_load_idx %arg4[%parallel_loop3A_568, %parallel_loop3A_949] : memref<16x2048xf32, #tpu.memory_space<vmem>>[vector<16xi32>, vector<16xi32>], vector<16xf32>,
        %parallel_loop3A_951 = arith.index_cast %parallel_loop3A_100 : i32 to index
        %parallel_loop3A_952 = arith.constant 864 : index
        %parallel_loop3A_953 = tpu.vector_load %arg5[%parallel_loop3A_951, %parallel_loop3A_952] {strides = array<i32>} : memref<16x2048xf32, #tpu.memory_space<vmem>>, vector<16xf32>,
        tpu.vector_store %arg5[%parallel_loop3A_951, %parallel_loop3A_952], %parallel_loop3A_950 {strides = array<i32>} : memref<16x2048xf32, #tpu.memory_space<vmem>>, vector<16xf32>,
        %parallel_loop3A_954 = arith.constant 768 : i32
        %parallel_loop3A_955 = vector.broadcast %parallel_loop3A_954 : i32 to vector<16xi32>
        %parallel_loop3A_956 = arith.addi %parallel_loop3A_564, %parallel_loop3A_955 : vector<16xi32>
        %parallel_loop3A_957 = tpu.vector_load_idx %arg4[%parallel_loop3A_568, %parallel_loop3A_956] : memref<16x2048xf32, #tpu.memory_space<vmem>>[vector<16xi32>, vector<16xi32>], vector<16xf32>,
        %parallel_loop3A_958 = arith.index_cast %parallel_loop3A_100 : i32 to index
        %parallel_loop3A_959 = arith.constant 880 : index
        %parallel_loop3A_960 = tpu.vector_load %arg5[%parallel_loop3A_958, %parallel_loop3A_959] {strides = array<i32>} : memref<16x2048xf32, #tpu.memory_space<vmem>>, vector<16xf32>,
        tpu.vector_store %arg5[%parallel_loop3A_958, %parallel_loop3A_959], %parallel_loop3A_957 {strides = array<i32>} : memref<16x2048xf32, #tpu.memory_space<vmem>>, vector<16xf32>,
        %parallel_loop3A_961 = arith.constant 896 : i32
        %parallel_loop3A_962 = vector.broadcast %parallel_loop3A_961 : i32 to vector<16xi32>
        %parallel_loop3A_963 = arith.addi %parallel_loop3A_511, %parallel_loop3A_962 : vector<16xi32>
        %parallel_loop3A_964 = tpu.vector_load_idx %arg4[%parallel_loop3A_568, %parallel_loop3A_963] : memref<16x2048xf32, #tpu.memory_space<vmem>>[vector<16xi32>, vector<16xi32>], vector<16xf32>,
        %parallel_loop3A_965 = arith.index_cast %parallel_loop3A_100 : i32 to index
        %parallel_loop3A_966 = arith.constant 896 : index
        %parallel_loop3A_967 = tpu.vector_load %arg5[%parallel_loop3A_965, %parallel_loop3A_966] {strides = array<i32>} : memref<16x2048xf32, #tpu.memory_space<vmem>>, vector<16xf32>,
        tpu.vector_store %arg5[%parallel_loop3A_965, %parallel_loop3A_966], %parallel_loop3A_964 {strides = array<i32>} : memref<16x2048xf32, #tpu.memory_space<vmem>>, vector<16xf32>,
        %parallel_loop3A_968 = arith.constant 896 : i32
        %parallel_loop3A_969 = vector.broadcast %parallel_loop3A_968 : i32 to vector<16xi32>
        %parallel_loop3A_970 = arith.addi %parallel_loop3A_515, %parallel_loop3A_969 : vector<16xi32>
        %parallel_loop3A_971 = tpu.vector_load_idx %arg4[%parallel_loop3A_568, %parallel_loop3A_970] : memref<16x2048xf32, #tpu.memory_space<vmem>>[vector<16xi32>, vector<16xi32>], vector<16xf32>,
        %parallel_loop3A_972 = arith.index_cast %parallel_loop3A_100 : i32 to index
        %parallel_loop3A_973 = arith.constant 912 : index
        %parallel_loop3A_974 = tpu.vector_load %arg5[%parallel_loop3A_972, %parallel_loop3A_973] {strides = array<i32>} : memref<16x2048xf32, #tpu.memory_space<vmem>>, vector<16xf32>,
        tpu.vector_store %arg5[%parallel_loop3A_972, %parallel_loop3A_973], %parallel_loop3A_971 {strides = array<i32>} : memref<16x2048xf32, #tpu.memory_space<vmem>>, vector<16xf32>,
        %parallel_loop3A_975 = arith.constant 896 : i32
        %parallel_loop3A_976 = vector.broadcast %parallel_loop3A_975 : i32 to vector<16xi32>
        %parallel_loop3A_977 = arith.addi %parallel_loop3A_524, %parallel_loop3A_976 : vector<16xi32>
        %parallel_loop3A_978 = tpu.vector_load_idx %arg4[%parallel_loop3A_568, %parallel_loop3A_977] : memref<16x2048xf32, #tpu.memory_space<vmem>>[vector<16xi32>, vector<16xi32>], vector<16xf32>,
        %parallel_loop3A_979 = arith.index_cast %parallel_loop3A_100 : i32 to index
        %parallel_loop3A_980 = arith.constant 928 : index
        %parallel_loop3A_981 = tpu.vector_load %arg5[%parallel_loop3A_979, %parallel_loop3A_980] {strides = array<i32>} : memref<16x2048xf32, #tpu.memory_space<vmem>>, vector<16xf32>,
        tpu.vector_store %arg5[%parallel_loop3A_979, %parallel_loop3A_980], %parallel_loop3A_978 {strides = array<i32>} : memref<16x2048xf32, #tpu.memory_space<vmem>>, vector<16xf32>,
        %parallel_loop3A_982 = arith.constant 896 : i32
        %parallel_loop3A_983 = vector.broadcast %parallel_loop3A_982 : i32 to vector<16xi32>
        %parallel_loop3A_984 = arith.addi %parallel_loop3A_528, %parallel_loop3A_983 : vector<16xi32>
        %parallel_loop3A_985 = tpu.vector_load_idx %arg4[%parallel_loop3A_568, %parallel_loop3A_984] : memref<16x2048xf32, #tpu.memory_space<vmem>>[vector<16xi32>, vector<16xi32>], vector<16xf32>,
        %parallel_loop3A_986 = arith.index_cast %parallel_loop3A_100 : i32 to index
        %parallel_loop3A_987 = arith.constant 944 : index
        %parallel_loop3A_988 = tpu.vector_load %arg5[%parallel_loop3A_986, %parallel_loop3A_987] {strides = array<i32>} : memref<16x2048xf32, #tpu.memory_space<vmem>>, vector<16xf32>,
        tpu.vector_store %arg5[%parallel_loop3A_986, %parallel_loop3A_987], %parallel_loop3A_985 {strides = array<i32>} : memref<16x2048xf32, #tpu.memory_space<vmem>>, vector<16xf32>,
        %parallel_loop3A_989 = arith.constant 896 : i32
        %parallel_loop3A_990 = vector.broadcast %parallel_loop3A_989 : i32 to vector<16xi32>
        %parallel_loop3A_991 = arith.addi %parallel_loop3A_547, %parallel_loop3A_990 : vector<16xi32>
        %parallel_loop3A_992 = tpu.vector_load_idx %arg4[%parallel_loop3A_568, %parallel_loop3A_991] : memref<16x2048xf32, #tpu.memory_space<vmem>>[vector<16xi32>, vector<16xi32>], vector<16xf32>,
        %parallel_loop3A_993 = arith.index_cast %parallel_loop3A_100 : i32 to index
        %parallel_loop3A_994 = arith.constant 960 : index
        %parallel_loop3A_995 = tpu.vector_load %arg5[%parallel_loop3A_993, %parallel_loop3A_994] {strides = array<i32>} : memref<16x2048xf32, #tpu.memory_space<vmem>>, vector<16xf32>,
        tpu.vector_store %arg5[%parallel_loop3A_993, %parallel_loop3A_994], %parallel_loop3A_992 {strides = array<i32>} : memref<16x2048xf32, #tpu.memory_space<vmem>>, vector<16xf32>,
        %parallel_loop3A_996 = arith.constant 896 : i32
        %parallel_loop3A_997 = vector.broadcast %parallel_loop3A_996 : i32 to vector<16xi32>
        %parallel_loop3A_998 = arith.addi %parallel_loop3A_551, %parallel_loop3A_997 : vector<16xi32>
        %parallel_loop3A_999 = tpu.vector_load_idx %arg4[%parallel_loop3A_568, %parallel_loop3A_998] : memref<16x2048xf32, #tpu.memory_space<vmem>>[vector<16xi32>, vector<16xi32>], vector<16xf32>,
        %parallel_loop3A_1000 = arith.index_cast %parallel_loop3A_100 : i32 to index
        %parallel_loop3A_1001 = arith.constant 976 : index
        %parallel_loop3A_1002 = tpu.vector_load %arg5[%parallel_loop3A_1000, %parallel_loop3A_1001] {strides = array<i32>} : memref<16x2048xf32, #tpu.memory_space<vmem>>, vector<16xf32>,
        tpu.vector_store %arg5[%parallel_loop3A_1000, %parallel_loop3A_1001], %parallel_loop3A_999 {strides = array<i32>} : memref<16x2048xf32, #tpu.memory_space<vmem>>, vector<16xf32>,
        %parallel_loop3A_1003 = arith.constant 896 : i32
        %parallel_loop3A_1004 = vector.broadcast %parallel_loop3A_1003 : i32 to vector<16xi32>
        %parallel_loop3A_1005 = arith.addi %parallel_loop3A_560, %parallel_loop3A_1004 : vector<16xi32>
        %parallel_loop3A_1006 = tpu.vector_load_idx %arg4[%parallel_loop3A_568, %parallel_loop3A_1005] : memref<16x2048xf32, #tpu.memory_space<vmem>>[vector<16xi32>, vector<16xi32>], vector<16xf32>,
        %parallel_loop3A_1007 = arith.index_cast %parallel_loop3A_100 : i32 to index
        %parallel_loop3A_1008 = arith.constant 992 : index
        %parallel_loop3A_1009 = tpu.vector_load %arg5[%parallel_loop3A_1007, %parallel_loop3A_1008] {strides = array<i32>} : memref<16x2048xf32, #tpu.memory_space<vmem>>, vector<16xf32>,
        tpu.vector_store %arg5[%parallel_loop3A_1007, %parallel_loop3A_1008], %parallel_loop3A_1006 {strides = array<i32>} : memref<16x2048xf32, #tpu.memory_space<vmem>>, vector<16xf32>,
        %parallel_loop3A_1010 = arith.constant 896 : i32
        %parallel_loop3A_1011 = vector.broadcast %parallel_loop3A_1010 : i32 to vector<16xi32>
        %parallel_loop3A_1012 = arith.addi %parallel_loop3A_564, %parallel_loop3A_1011 : vector<16xi32>
        %parallel_loop3A_1013 = tpu.vector_load_idx %arg4[%parallel_loop3A_568, %parallel_loop3A_1012] : memref<16x2048xf32, #tpu.memory_space<vmem>>[vector<16xi32>, vector<16xi32>], vector<16xf32>,
        %parallel_loop3A_1014 = arith.index_cast %parallel_loop3A_100 : i32 to index
        %parallel_loop3A_1015 = arith.constant 1008 : index
        %parallel_loop3A_1016 = tpu.vector_load %arg5[%parallel_loop3A_1014, %parallel_loop3A_1015] {strides = array<i32>} : memref<16x2048xf32, #tpu.memory_space<vmem>>, vector<16xf32>,
        tpu.vector_store %arg5[%parallel_loop3A_1014, %parallel_loop3A_1015], %parallel_loop3A_1013 {strides = array<i32>} : memref<16x2048xf32, #tpu.memory_space<vmem>>, vector<16xf32>,
        %parallel_loop3A_1017 = arith.constant 1024 : i32
        %parallel_loop3A_1018 = vector.broadcast %parallel_loop3A_1017 : i32 to vector<16xi32>
        %parallel_loop3A_1019 = arith.addi %parallel_loop3A_511, %parallel_loop3A_1018 : vector<16xi32>
        %parallel_loop3A_1020 = tpu.vector_load_idx %arg4[%parallel_loop3A_568, %parallel_loop3A_1019] : memref<16x2048xf32, #tpu.memory_space<vmem>>[vector<16xi32>, vector<16xi32>], vector<16xf32>,
        %parallel_loop3A_1021 = arith.index_cast %parallel_loop3A_100 : i32 to index
        %parallel_loop3A_1022 = arith.constant 1024 : index
        %parallel_loop3A_1023 = tpu.vector_load %arg5[%parallel_loop3A_1021, %parallel_loop3A_1022] {strides = array<i32>} : memref<16x2048xf32, #tpu.memory_space<vmem>>, vector<16xf32>,
        tpu.vector_store %arg5[%parallel_loop3A_1021, %parallel_loop3A_1022], %parallel_loop3A_1020 {strides = array<i32>} : memref<16x2048xf32, #tpu.memory_space<vmem>>, vector<16xf32>,
        %parallel_loop3A_1024 = arith.constant 1024 : i32
        %parallel_loop3A_1025 = vector.broadcast %parallel_loop3A_1024 : i32 to vector<16xi32>
        %parallel_loop3A_1026 = arith.addi %parallel_loop3A_515, %parallel_loop3A_1025 : vector<16xi32>
        %parallel_loop3A_1027 = tpu.vector_load_idx %arg4[%parallel_loop3A_568, %parallel_loop3A_1026] : memref<16x2048xf32, #tpu.memory_space<vmem>>[vector<16xi32>, vector<16xi32>], vector<16xf32>,
        %parallel_loop3A_1028 = arith.index_cast %parallel_loop3A_100 : i32 to index
        %parallel_loop3A_1029 = arith.constant 1040 : index
        %parallel_loop3A_1030 = tpu.vector_load %arg5[%parallel_loop3A_1028, %parallel_loop3A_1029] {strides = array<i32>} : memref<16x2048xf32, #tpu.memory_space<vmem>>, vector<16xf32>,
        tpu.vector_store %arg5[%parallel_loop3A_1028, %parallel_loop3A_1029], %parallel_loop3A_1027 {strides = array<i32>} : memref<16x2048xf32, #tpu.memory_space<vmem>>, vector<16xf32>,
        %parallel_loop3A_1031 = arith.constant 1024 : i32
        %parallel_loop3A_1032 = vector.broadcast %parallel_loop3A_1031 : i32 to vector<16xi32>
        %parallel_loop3A_1033 = arith.addi %parallel_loop3A_524, %parallel_loop3A_1032 : vector<16xi32>
        %parallel_loop3A_1034 = tpu.vector_load_idx %arg4[%parallel_loop3A_568, %parallel_loop3A_1033] : memref<16x2048xf32, #tpu.memory_space<vmem>>[vector<16xi32>, vector<16xi32>], vector<16xf32>,
        %parallel_loop3A_1035 = arith.index_cast %parallel_loop3A_100 : i32 to index
        %parallel_loop3A_1036 = arith.constant 1056 : index
        %parallel_loop3A_1037 = tpu.vector_load %arg5[%parallel_loop3A_1035, %parallel_loop3A_1036] {strides = array<i32>} : memref<16x2048xf32, #tpu.memory_space<vmem>>, vector<16xf32>,
        tpu.vector_store %arg5[%parallel_loop3A_1035, %parallel_loop3A_1036], %parallel_loop3A_1034 {strides = array<i32>} : memref<16x2048xf32, #tpu.memory_space<vmem>>, vector<16xf32>,
        %parallel_loop3A_1038 = arith.constant 1024 : i32
        %parallel_loop3A_1039 = vector.broadcast %parallel_loop3A_1038 : i32 to vector<16xi32>
        %parallel_loop3A_1040 = arith.addi %parallel_loop3A_528, %parallel_loop3A_1039 : vector<16xi32>
        %parallel_loop3A_1041 = tpu.vector_load_idx %arg4[%parallel_loop3A_568, %parallel_loop3A_1040] : memref<16x2048xf32, #tpu.memory_space<vmem>>[vector<16xi32>, vector<16xi32>], vector<16xf32>,
        %parallel_loop3A_1042 = arith.index_cast %parallel_loop3A_100 : i32 to index
        %parallel_loop3A_1043 = arith.constant 1072 : index
        %parallel_loop3A_1044 = tpu.vector_load %arg5[%parallel_loop3A_1042, %parallel_loop3A_1043] {strides = array<i32>} : memref<16x2048xf32, #tpu.memory_space<vmem>>, vector<16xf32>,
        tpu.vector_store %arg5[%parallel_loop3A_1042, %parallel_loop3A_1043], %parallel_loop3A_1041 {strides = array<i32>} : memref<16x2048xf32, #tpu.memory_space<vmem>>, vector<16xf32>,
        %parallel_loop3A_1045 = arith.constant 1024 : i32
        %parallel_loop3A_1046 = vector.broadcast %parallel_loop3A_1045 : i32 to vector<16xi32>
        %parallel_loop3A_1047 = arith.addi %parallel_loop3A_547, %parallel_loop3A_1046 : vector<16xi32>
        %parallel_loop3A_1048 = tpu.vector_load_idx %arg4[%parallel_loop3A_568, %parallel_loop3A_1047] : memref<16x2048xf32, #tpu.memory_space<vmem>>[vector<16xi32>, vector<16xi32>], vector<16xf32>,
        %parallel_loop3A_1049 = arith.index_cast %parallel_loop3A_100 : i32 to index
        %parallel_loop3A_1050 = arith.constant 1088 : index
        %parallel_loop3A_1051 = tpu.vector_load %arg5[%parallel_loop3A_1049, %parallel_loop3A_1050] {strides = array<i32>} : memref<16x2048xf32, #tpu.memory_space<vmem>>, vector<16xf32>,
        tpu.vector_store %arg5[%parallel_loop3A_1049, %parallel_loop3A_1050], %parallel_loop3A_1048 {strides = array<i32>} : memref<16x2048xf32, #tpu.memory_space<vmem>>, vector<16xf32>,
        %parallel_loop3A_1052 = arith.constant 1024 : i32
        %parallel_loop3A_1053 = vector.broadcast %parallel_loop3A_1052 : i32 to vector<16xi32>
        %parallel_loop3A_1054 = arith.addi %parallel_loop3A_551, %parallel_loop3A_1053 : vector<16xi32>
        %parallel_loop3A_1055 = tpu.vector_load_idx %arg4[%parallel_loop3A_568, %parallel_loop3A_1054] : memref<16x2048xf32, #tpu.memory_space<vmem>>[vector<16xi32>, vector<16xi32>], vector<16xf32>,
        %parallel_loop3A_1056 = arith.index_cast %parallel_loop3A_100 : i32 to index
        %parallel_loop3A_1057 = arith.constant 1104 : index
        %parallel_loop3A_1058 = tpu.vector_load %arg5[%parallel_loop3A_1056, %parallel_loop3A_1057] {strides = array<i32>} : memref<16x2048xf32, #tpu.memory_space<vmem>>, vector<16xf32>,
        tpu.vector_store %arg5[%parallel_loop3A_1056, %parallel_loop3A_1057], %parallel_loop3A_1055 {strides = array<i32>} : memref<16x2048xf32, #tpu.memory_space<vmem>>, vector<16xf32>,
        %parallel_loop3A_1059 = arith.constant 1024 : i32
        %parallel_loop3A_1060 = vector.broadcast %parallel_loop3A_1059 : i32 to vector<16xi32>
        %parallel_loop3A_1061 = arith.addi %parallel_loop3A_560, %parallel_loop3A_1060 : vector<16xi32>
        %parallel_loop3A_1062 = tpu.vector_load_idx %arg4[%parallel_loop3A_568, %parallel_loop3A_1061] : memref<16x2048xf32, #tpu.memory_space<vmem>>[vector<16xi32>, vector<16xi32>], vector<16xf32>,
        %parallel_loop3A_1063 = arith.index_cast %parallel_loop3A_100 : i32 to index
        %parallel_loop3A_1064 = arith.constant 1120 : index
        %parallel_loop3A_1065 = tpu.vector_load %arg5[%parallel_loop3A_1063, %parallel_loop3A_1064] {strides = array<i32>} : memref<16x2048xf32, #tpu.memory_space<vmem>>, vector<16xf32>,
        tpu.vector_store %arg5[%parallel_loop3A_1063, %parallel_loop3A_1064], %parallel_loop3A_1062 {strides = array<i32>} : memref<16x2048xf32, #tpu.memory_space<vmem>>, vector<16xf32>,
        %parallel_loop3A_1066 = arith.constant 1024 : i32
        %parallel_loop3A_1067 = vector.broadcast %parallel_loop3A_1066 : i32 to vector<16xi32>
        %parallel_loop3A_1068 = arith.addi %parallel_loop3A_564, %parallel_loop3A_1067 : vector<16xi32>
        %parallel_loop3A_1069 = tpu.vector_load_idx %arg4[%parallel_loop3A_568, %parallel_loop3A_1068] : memref<16x2048xf32, #tpu.memory_space<vmem>>[vector<16xi32>, vector<16xi32>], vector<16xf32>,
        %parallel_loop3A_1070 = arith.index_cast %parallel_loop3A_100 : i32 to index
        %parallel_loop3A_1071 = arith.constant 1136 : index
        %parallel_loop3A_1072 = tpu.vector_load %arg5[%parallel_loop3A_1070, %parallel_loop3A_1071] {strides = array<i32>} : memref<16x2048xf32, #tpu.memory_space<vmem>>, vector<16xf32>,
        tpu.vector_store %arg5[%parallel_loop3A_1070, %parallel_loop3A_1071], %parallel_loop3A_1069 {strides = array<i32>} : memref<16x2048xf32, #tpu.memory_space<vmem>>, vector<16xf32>,
        %parallel_loop3A_1073 = arith.constant 1152 : i32
        %parallel_loop3A_1074 = vector.broadcast %parallel_loop3A_1073 : i32 to vector<16xi32>
        %parallel_loop3A_1075 = arith.addi %parallel_loop3A_511, %parallel_loop3A_1074 : vector<16xi32>
        %parallel_loop3A_1076 = tpu.vector_load_idx %arg4[%parallel_loop3A_568, %parallel_loop3A_1075] : memref<16x2048xf32, #tpu.memory_space<vmem>>[vector<16xi32>, vector<16xi32>], vector<16xf32>,
        %parallel_loop3A_1077 = arith.index_cast %parallel_loop3A_100 : i32 to index
        %parallel_loop3A_1078 = arith.constant 1152 : index
        %parallel_loop3A_1079 = tpu.vector_load %arg5[%parallel_loop3A_1077, %parallel_loop3A_1078] {strides = array<i32>} : memref<16x2048xf32, #tpu.memory_space<vmem>>, vector<16xf32>,
        tpu.vector_store %arg5[%parallel_loop3A_1077, %parallel_loop3A_1078], %parallel_loop3A_1076 {strides = array<i32>} : memref<16x2048xf32, #tpu.memory_space<vmem>>, vector<16xf32>,
        %parallel_loop3A_1080 = arith.constant 1152 : i32
        %parallel_loop3A_1081 = vector.broadcast %parallel_loop3A_1080 : i32 to vector<16xi32>
        %parallel_loop3A_1082 = arith.addi %parallel_loop3A_515, %parallel_loop3A_1081 : vector<16xi32>
        %parallel_loop3A_1083 = tpu.vector_load_idx %arg4[%parallel_loop3A_568, %parallel_loop3A_1082] : memref<16x2048xf32, #tpu.memory_space<vmem>>[vector<16xi32>, vector<16xi32>], vector<16xf32>,
        %parallel_loop3A_1084 = arith.index_cast %parallel_loop3A_100 : i32 to index
        %parallel_loop3A_1085 = arith.constant 1168 : index
        %parallel_loop3A_1086 = tpu.vector_load %arg5[%parallel_loop3A_1084, %parallel_loop3A_1085] {strides = array<i32>} : memref<16x2048xf32, #tpu.memory_space<vmem>>, vector<16xf32>,
        tpu.vector_store %arg5[%parallel_loop3A_1084, %parallel_loop3A_1085], %parallel_loop3A_1083 {strides = array<i32>} : memref<16x2048xf32, #tpu.memory_space<vmem>>, vector<16xf32>,
        %parallel_loop3A_1087 = arith.constant 1152 : i32
        %parallel_loop3A_1088 = vector.broadcast %parallel_loop3A_1087 : i32 to vector<16xi32>
        %parallel_loop3A_1089 = arith.addi %parallel_loop3A_524, %parallel_loop3A_1088 : vector<16xi32>
        %parallel_loop3A_1090 = tpu.vector_load_idx %arg4[%parallel_loop3A_568, %parallel_loop3A_1089] : memref<16x2048xf32, #tpu.memory_space<vmem>>[vector<16xi32>, vector<16xi32>], vector<16xf32>,
        %parallel_loop3A_1091 = arith.index_cast %parallel_loop3A_100 : i32 to index
        %parallel_loop3A_1092 = arith.constant 1184 : index
        %parallel_loop3A_1093 = tpu.vector_load %arg5[%parallel_loop3A_1091, %parallel_loop3A_1092] {strides = array<i32>} : memref<16x2048xf32, #tpu.memory_space<vmem>>, vector<16xf32>,
        tpu.vector_store %arg5[%parallel_loop3A_1091, %parallel_loop3A_1092], %parallel_loop3A_1090 {strides = array<i32>} : memref<16x2048xf32, #tpu.memory_space<vmem>>, vector<16xf32>,
        %parallel_loop3A_1094 = arith.constant 1152 : i32
        %parallel_loop3A_1095 = vector.broadcast %parallel_loop3A_1094 : i32 to vector<16xi32>
        %parallel_loop3A_1096 = arith.addi %parallel_loop3A_528, %parallel_loop3A_1095 : vector<16xi32>
        %parallel_loop3A_1097 = tpu.vector_load_idx %arg4[%parallel_loop3A_568, %parallel_loop3A_1096] : memref<16x2048xf32, #tpu.memory_space<vmem>>[vector<16xi32>, vector<16xi32>], vector<16xf32>,
        %parallel_loop3A_1098 = arith.index_cast %parallel_loop3A_100 : i32 to index
        %parallel_loop3A_1099 = arith.constant 1200 : index
        %parallel_loop3A_1100 = tpu.vector_load %arg5[%parallel_loop3A_1098, %parallel_loop3A_1099] {strides = array<i32>} : memref<16x2048xf32, #tpu.memory_space<vmem>>, vector<16xf32>,
        tpu.vector_store %arg5[%parallel_loop3A_1098, %parallel_loop3A_1099], %parallel_loop3A_1097 {strides = array<i32>} : memref<16x2048xf32, #tpu.memory_space<vmem>>, vector<16xf32>,
        %parallel_loop3A_1101 = arith.constant 1152 : i32
        %parallel_loop3A_1102 = vector.broadcast %parallel_loop3A_1101 : i32 to vector<16xi32>
        %parallel_loop3A_1103 = arith.addi %parallel_loop3A_547, %parallel_loop3A_1102 : vector<16xi32>
        %parallel_loop3A_1104 = tpu.vector_load_idx %arg4[%parallel_loop3A_568, %parallel_loop3A_1103] : memref<16x2048xf32, #tpu.memory_space<vmem>>[vector<16xi32>, vector<16xi32>], vector<16xf32>,
        %parallel_loop3A_1105 = arith.index_cast %parallel_loop3A_100 : i32 to index
        %parallel_loop3A_1106 = arith.constant 1216 : index
        %parallel_loop3A_1107 = tpu.vector_load %arg5[%parallel_loop3A_1105, %parallel_loop3A_1106] {strides = array<i32>} : memref<16x2048xf32, #tpu.memory_space<vmem>>, vector<16xf32>,
        tpu.vector_store %arg5[%parallel_loop3A_1105, %parallel_loop3A_1106], %parallel_loop3A_1104 {strides = array<i32>} : memref<16x2048xf32, #tpu.memory_space<vmem>>, vector<16xf32>,
        %parallel_loop3A_1108 = arith.constant 1152 : i32
        %parallel_loop3A_1109 = vector.broadcast %parallel_loop3A_1108 : i32 to vector<16xi32>
        %parallel_loop3A_1110 = arith.addi %parallel_loop3A_551, %parallel_loop3A_1109 : vector<16xi32>
        %parallel_loop3A_1111 = tpu.vector_load_idx %arg4[%parallel_loop3A_568, %parallel_loop3A_1110] : memref<16x2048xf32, #tpu.memory_space<vmem>>[vector<16xi32>, vector<16xi32>], vector<16xf32>,
        %parallel_loop3A_1112 = arith.index_cast %parallel_loop3A_100 : i32 to index
        %parallel_loop3A_1113 = arith.constant 1232 : index
        %parallel_loop3A_1114 = tpu.vector_load %arg5[%parallel_loop3A_1112, %parallel_loop3A_1113] {strides = array<i32>} : memref<16x2048xf32, #tpu.memory_space<vmem>>, vector<16xf32>,
        tpu.vector_store %arg5[%parallel_loop3A_1112, %parallel_loop3A_1113], %parallel_loop3A_1111 {strides = array<i32>} : memref<16x2048xf32, #tpu.memory_space<vmem>>, vector<16xf32>,
        %parallel_loop3A_1115 = arith.constant 1152 : i32
        %parallel_loop3A_1116 = vector.broadcast %parallel_loop3A_1115 : i32 to vector<16xi32>
        %parallel_loop3A_1117 = arith.addi %parallel_loop3A_560, %parallel_loop3A_1116 : vector<16xi32>
        %parallel_loop3A_1118 = tpu.vector_load_idx %arg4[%parallel_loop3A_568, %parallel_loop3A_1117] : memref<16x2048xf32, #tpu.memory_space<vmem>>[vector<16xi32>, vector<16xi32>], vector<16xf32>,
        %parallel_loop3A_1119 = arith.index_cast %parallel_loop3A_100 : i32 to index
        %parallel_loop3A_1120 = arith.constant 1248 : index
        %parallel_loop3A_1121 = tpu.vector_load %arg5[%parallel_loop3A_1119, %parallel_loop3A_1120] {strides = array<i32>} : memref<16x2048xf32, #tpu.memory_space<vmem>>, vector<16xf32>,
        tpu.vector_store %arg5[%parallel_loop3A_1119, %parallel_loop3A_1120], %parallel_loop3A_1118 {strides = array<i32>} : memref<16x2048xf32, #tpu.memory_space<vmem>>, vector<16xf32>,
        %parallel_loop3A_1122 = arith.constant 1152 : i32
        %parallel_loop3A_1123 = vector.broadcast %parallel_loop3A_1122 : i32 to vector<16xi32>
        %parallel_loop3A_1124 = arith.addi %parallel_loop3A_564, %parallel_loop3A_1123 : vector<16xi32>
        %parallel_loop3A_1125 = tpu.vector_load_idx %arg4[%parallel_loop3A_568, %parallel_loop3A_1124] : memref<16x2048xf32, #tpu.memory_space<vmem>>[vector<16xi32>, vector<16xi32>], vector<16xf32>,
        %parallel_loop3A_1126 = arith.index_cast %parallel_loop3A_100 : i32 to index
        %parallel_loop3A_1127 = arith.constant 1264 : index
        %parallel_loop3A_1128 = tpu.vector_load %arg5[%parallel_loop3A_1126, %parallel_loop3A_1127] {strides = array<i32>} : memref<16x2048xf32, #tpu.memory_space<vmem>>, vector<16xf32>,
        tpu.vector_store %arg5[%parallel_loop3A_1126, %parallel_loop3A_1127], %parallel_loop3A_1125 {strides = array<i32>} : memref<16x2048xf32, #tpu.memory_space<vmem>>, vector<16xf32>,
        %parallel_loop3A_1129 = arith.constant 1280 : i32
        %parallel_loop3A_1130 = vector.broadcast %parallel_loop3A_1129 : i32 to vector<16xi32>
        %parallel_loop3A_1131 = arith.addi %parallel_loop3A_511, %parallel_loop3A_1130 : vector<16xi32>
        %parallel_loop3A_1132 = tpu.vector_load_idx %arg4[%parallel_loop3A_568, %parallel_loop3A_1131] : memref<16x2048xf32, #tpu.memory_space<vmem>>[vector<16xi32>, vector<16xi32>], vector<16xf32>,
        %parallel_loop3A_1133 = arith.index_cast %parallel_loop3A_100 : i32 to index
        %parallel_loop3A_1134 = arith.constant 1280 : index
        %parallel_loop3A_1135 = tpu.vector_load %arg5[%parallel_loop3A_1133, %parallel_loop3A_1134] {strides = array<i32>} : memref<16x2048xf32, #tpu.memory_space<vmem>>, vector<16xf32>,
        tpu.vector_store %arg5[%parallel_loop3A_1133, %parallel_loop3A_1134], %parallel_loop3A_1132 {strides = array<i32>} : memref<16x2048xf32, #tpu.memory_space<vmem>>, vector<16xf32>,
        %parallel_loop3A_1136 = arith.constant 1280 : i32
        %parallel_loop3A_1137 = vector.broadcast %parallel_loop3A_1136 : i32 to vector<16xi32>
        %parallel_loop3A_1138 = arith.addi %parallel_loop3A_515, %parallel_loop3A_1137 : vector<16xi32>
        %parallel_loop3A_1139 = tpu.vector_load_idx %arg4[%parallel_loop3A_568, %parallel_loop3A_1138] : memref<16x2048xf32, #tpu.memory_space<vmem>>[vector<16xi32>, vector<16xi32>], vector<16xf32>,
        %parallel_loop3A_1140 = arith.index_cast %parallel_loop3A_100 : i32 to index
        %parallel_loop3A_1141 = arith.constant 1296 : index
        %parallel_loop3A_1142 = tpu.vector_load %arg5[%parallel_loop3A_1140, %parallel_loop3A_1141] {strides = array<i32>} : memref<16x2048xf32, #tpu.memory_space<vmem>>, vector<16xf32>,
        tpu.vector_store %arg5[%parallel_loop3A_1140, %parallel_loop3A_1141], %parallel_loop3A_1139 {strides = array<i32>} : memref<16x2048xf32, #tpu.memory_space<vmem>>, vector<16xf32>,
        %parallel_loop3A_1143 = arith.constant 1280 : i32
        %parallel_loop3A_1144 = vector.broadcast %parallel_loop3A_1143 : i32 to vector<16xi32>
        %parallel_loop3A_1145 = arith.addi %parallel_loop3A_524, %parallel_loop3A_1144 : vector<16xi32>
        %parallel_loop3A_1146 = tpu.vector_load_idx %arg4[%parallel_loop3A_568, %parallel_loop3A_1145] : memref<16x2048xf32, #tpu.memory_space<vmem>>[vector<16xi32>, vector<16xi32>], vector<16xf32>,
        %parallel_loop3A_1147 = arith.index_cast %parallel_loop3A_100 : i32 to index
        %parallel_loop3A_1148 = arith.constant 1312 : index
        %parallel_loop3A_1149 = tpu.vector_load %arg5[%parallel_loop3A_1147, %parallel_loop3A_1148] {strides = array<i32>} : memref<16x2048xf32, #tpu.memory_space<vmem>>, vector<16xf32>,
        tpu.vector_store %arg5[%parallel_loop3A_1147, %parallel_loop3A_1148], %parallel_loop3A_1146 {strides = array<i32>} : memref<16x2048xf32, #tpu.memory_space<vmem>>, vector<16xf32>,
        %parallel_loop3A_1150 = arith.constant 1280 : i32
        %parallel_loop3A_1151 = vector.broadcast %parallel_loop3A_1150 : i32 to vector<16xi32>
        %parallel_loop3A_1152 = arith.addi %parallel_loop3A_528, %parallel_loop3A_1151 : vector<16xi32>
        %parallel_loop3A_1153 = tpu.vector_load_idx %arg4[%parallel_loop3A_568, %parallel_loop3A_1152] : memref<16x2048xf32, #tpu.memory_space<vmem>>[vector<16xi32>, vector<16xi32>], vector<16xf32>,
        %parallel_loop3A_1154 = arith.index_cast %parallel_loop3A_100 : i32 to index
        %parallel_loop3A_1155 = arith.constant 1328 : index
        %parallel_loop3A_1156 = tpu.vector_load %arg5[%parallel_loop3A_1154, %parallel_loop3A_1155] {strides = array<i32>} : memref<16x2048xf32, #tpu.memory_space<vmem>>, vector<16xf32>,
        tpu.vector_store %arg5[%parallel_loop3A_1154, %parallel_loop3A_1155], %parallel_loop3A_1153 {strides = array<i32>} : memref<16x2048xf32, #tpu.memory_space<vmem>>, vector<16xf32>,
        %parallel_loop3A_1157 = arith.constant 1280 : i32
        %parallel_loop3A_1158 = vector.broadcast %parallel_loop3A_1157 : i32 to vector<16xi32>
        %parallel_loop3A_1159 = arith.addi %parallel_loop3A_547, %parallel_loop3A_1158 : vector<16xi32>
        %parallel_loop3A_1160 = tpu.vector_load_idx %arg4[%parallel_loop3A_568, %parallel_loop3A_1159] : memref<16x2048xf32, #tpu.memory_space<vmem>>[vector<16xi32>, vector<16xi32>], vector<16xf32>,
        %parallel_loop3A_1161 = arith.index_cast %parallel_loop3A_100 : i32 to index
        %parallel_loop3A_1162 = arith.constant 1344 : index
        %parallel_loop3A_1163 = tpu.vector_load %arg5[%parallel_loop3A_1161, %parallel_loop3A_1162] {strides = array<i32>} : memref<16x2048xf32, #tpu.memory_space<vmem>>, vector<16xf32>,
        tpu.vector_store %arg5[%parallel_loop3A_1161, %parallel_loop3A_1162], %parallel_loop3A_1160 {strides = array<i32>} : memref<16x2048xf32, #tpu.memory_space<vmem>>, vector<16xf32>,
        %parallel_loop3A_1164 = arith.constant 1280 : i32
        %parallel_loop3A_1165 = vector.broadcast %parallel_loop3A_1164 : i32 to vector<16xi32>
        %parallel_loop3A_1166 = arith.addi %parallel_loop3A_551, %parallel_loop3A_1165 : vector<16xi32>
        %parallel_loop3A_1167 = tpu.vector_load_idx %arg4[%parallel_loop3A_568, %parallel_loop3A_1166] : memref<16x2048xf32, #tpu.memory_space<vmem>>[vector<16xi32>, vector<16xi32>], vector<16xf32>,
        %parallel_loop3A_1168 = arith.index_cast %parallel_loop3A_100 : i32 to index
        %parallel_loop3A_1169 = arith.constant 1360 : index
        %parallel_loop3A_1170 = tpu.vector_load %arg5[%parallel_loop3A_1168, %parallel_loop3A_1169] {strides = array<i32>} : memref<16x2048xf32, #tpu.memory_space<vmem>>, vector<16xf32>,
        tpu.vector_store %arg5[%parallel_loop3A_1168, %parallel_loop3A_1169], %parallel_loop3A_1167 {strides = array<i32>} : memref<16x2048xf32, #tpu.memory_space<vmem>>, vector<16xf32>,
        %parallel_loop3A_1171 = arith.constant 1280 : i32
        %parallel_loop3A_1172 = vector.broadcast %parallel_loop3A_1171 : i32 to vector<16xi32>
        %parallel_loop3A_1173 = arith.addi %parallel_loop3A_560, %parallel_loop3A_1172 : vector<16xi32>
        %parallel_loop3A_1174 = tpu.vector_load_idx %arg4[%parallel_loop3A_568, %parallel_loop3A_1173] : memref<16x2048xf32, #tpu.memory_space<vmem>>[vector<16xi32>, vector<16xi32>], vector<16xf32>,
        %parallel_loop3A_1175 = arith.index_cast %parallel_loop3A_100 : i32 to index
        %parallel_loop3A_1176 = arith.constant 1376 : index
        %parallel_loop3A_1177 = tpu.vector_load %arg5[%parallel_loop3A_1175, %parallel_loop3A_1176] {strides = array<i32>} : memref<16x2048xf32, #tpu.memory_space<vmem>>, vector<16xf32>,
        tpu.vector_store %arg5[%parallel_loop3A_1175, %parallel_loop3A_1176], %parallel_loop3A_1174 {strides = array<i32>} : memref<16x2048xf32, #tpu.memory_space<vmem>>, vector<16xf32>,
        %parallel_loop3A_1178 = arith.constant 1280 : i32
        %parallel_loop3A_1179 = vector.broadcast %parallel_loop3A_1178 : i32 to vector<16xi32>
        %parallel_loop3A_1180 = arith.addi %parallel_loop3A_564, %parallel_loop3A_1179 : vector<16xi32>
        %parallel_loop3A_1181 = tpu.vector_load_idx %arg4[%parallel_loop3A_568, %parallel_loop3A_1180] : memref<16x2048xf32, #tpu.memory_space<vmem>>[vector<16xi32>, vector<16xi32>], vector<16xf32>,
        %parallel_loop3A_1182 = arith.index_cast %parallel_loop3A_100 : i32 to index
        %parallel_loop3A_1183 = arith.constant 1392 : index
        %parallel_loop3A_1184 = tpu.vector_load %arg5[%parallel_loop3A_1182, %parallel_loop3A_1183] {strides = array<i32>} : memref<16x2048xf32, #tpu.memory_space<vmem>>, vector<16xf32>,
        tpu.vector_store %arg5[%parallel_loop3A_1182, %parallel_loop3A_1183], %parallel_loop3A_1181 {strides = array<i32>} : memref<16x2048xf32, #tpu.memory_space<vmem>>, vector<16xf32>,
        %parallel_loop3A_1185 = arith.constant 1408 : i32
        %parallel_loop3A_1186 = vector.broadcast %parallel_loop3A_1185 : i32 to vector<16xi32>
        %parallel_loop3A_1187 = arith.addi %parallel_loop3A_511, %parallel_loop3A_1186 : vector<16xi32>
        %parallel_loop3A_1188 = tpu.vector_load_idx %arg4[%parallel_loop3A_568, %parallel_loop3A_1187] : memref<16x2048xf32, #tpu.memory_space<vmem>>[vector<16xi32>, vector<16xi32>], vector<16xf32>,
        %parallel_loop3A_1189 = arith.index_cast %parallel_loop3A_100 : i32 to index
        %parallel_loop3A_1190 = arith.constant 1408 : index
        %parallel_loop3A_1191 = tpu.vector_load %arg5[%parallel_loop3A_1189, %parallel_loop3A_1190] {strides = array<i32>} : memref<16x2048xf32, #tpu.memory_space<vmem>>, vector<16xf32>,
        tpu.vector_store %arg5[%parallel_loop3A_1189, %parallel_loop3A_1190], %parallel_loop3A_1188 {strides = array<i32>} : memref<16x2048xf32, #tpu.memory_space<vmem>>, vector<16xf32>,
        %parallel_loop3A_1192 = arith.constant 1408 : i32
        %parallel_loop3A_1193 = vector.broadcast %parallel_loop3A_1192 : i32 to vector<16xi32>
        %parallel_loop3A_1194 = arith.addi %parallel_loop3A_515, %parallel_loop3A_1193 : vector<16xi32>
        %parallel_loop3A_1195 = tpu.vector_load_idx %arg4[%parallel_loop3A_568, %parallel_loop3A_1194] : memref<16x2048xf32, #tpu.memory_space<vmem>>[vector<16xi32>, vector<16xi32>], vector<16xf32>,
        %parallel_loop3A_1196 = arith.index_cast %parallel_loop3A_100 : i32 to index
        %parallel_loop3A_1197 = arith.constant 1424 : index
        %parallel_loop3A_1198 = tpu.vector_load %arg5[%parallel_loop3A_1196, %parallel_loop3A_1197] {strides = array<i32>} : memref<16x2048xf32, #tpu.memory_space<vmem>>, vector<16xf32>,
        tpu.vector_store %arg5[%parallel_loop3A_1196, %parallel_loop3A_1197], %parallel_loop3A_1195 {strides = array<i32>} : memref<16x2048xf32, #tpu.memory_space<vmem>>, vector<16xf32>,
        %parallel_loop3A_1199 = arith.constant 1408 : i32
        %parallel_loop3A_1200 = vector.broadcast %parallel_loop3A_1199 : i32 to vector<16xi32>
        %parallel_loop3A_1201 = arith.addi %parallel_loop3A_524, %parallel_loop3A_1200 : vector<16xi32>
        %parallel_loop3A_1202 = tpu.vector_load_idx %arg4[%parallel_loop3A_568, %parallel_loop3A_1201] : memref<16x2048xf32, #tpu.memory_space<vmem>>[vector<16xi32>, vector<16xi32>], vector<16xf32>,
        %parallel_loop3A_1203 = arith.index_cast %parallel_loop3A_100 : i32 to index
        %parallel_loop3A_1204 = arith.constant 1440 : index
        %parallel_loop3A_1205 = tpu.vector_load %arg5[%parallel_loop3A_1203, %parallel_loop3A_1204] {strides = array<i32>} : memref<16x2048xf32, #tpu.memory_space<vmem>>, vector<16xf32>,
        tpu.vector_store %arg5[%parallel_loop3A_1203, %parallel_loop3A_1204], %parallel_loop3A_1202 {strides = array<i32>} : memref<16x2048xf32, #tpu.memory_space<vmem>>, vector<16xf32>,
        %parallel_loop3A_1206 = arith.constant 1408 : i32
        %parallel_loop3A_1207 = vector.broadcast %parallel_loop3A_1206 : i32 to vector<16xi32>
        %parallel_loop3A_1208 = arith.addi %parallel_loop3A_528, %parallel_loop3A_1207 : vector<16xi32>
        %parallel_loop3A_1209 = tpu.vector_load_idx %arg4[%parallel_loop3A_568, %parallel_loop3A_1208] : memref<16x2048xf32, #tpu.memory_space<vmem>>[vector<16xi32>, vector<16xi32>], vector<16xf32>,
        %parallel_loop3A_1210 = arith.index_cast %parallel_loop3A_100 : i32 to index
        %parallel_loop3A_1211 = arith.constant 1456 : index
        %parallel_loop3A_1212 = tpu.vector_load %arg5[%parallel_loop3A_1210, %parallel_loop3A_1211] {strides = array<i32>} : memref<16x2048xf32, #tpu.memory_space<vmem>>, vector<16xf32>,
        tpu.vector_store %arg5[%parallel_loop3A_1210, %parallel_loop3A_1211], %parallel_loop3A_1209 {strides = array<i32>} : memref<16x2048xf32, #tpu.memory_space<vmem>>, vector<16xf32>,
        %parallel_loop3A_1213 = arith.constant 1408 : i32
        %parallel_loop3A_1214 = vector.broadcast %parallel_loop3A_1213 : i32 to vector<16xi32>
        %parallel_loop3A_1215 = arith.addi %parallel_loop3A_547, %parallel_loop3A_1214 : vector<16xi32>
        %parallel_loop3A_1216 = tpu.vector_load_idx %arg4[%parallel_loop3A_568, %parallel_loop3A_1215] : memref<16x2048xf32, #tpu.memory_space<vmem>>[vector<16xi32>, vector<16xi32>], vector<16xf32>,
        %parallel_loop3A_1217 = arith.index_cast %parallel_loop3A_100 : i32 to index
        %parallel_loop3A_1218 = arith.constant 1472 : index
        %parallel_loop3A_1219 = tpu.vector_load %arg5[%parallel_loop3A_1217, %parallel_loop3A_1218] {strides = array<i32>} : memref<16x2048xf32, #tpu.memory_space<vmem>>, vector<16xf32>,
        tpu.vector_store %arg5[%parallel_loop3A_1217, %parallel_loop3A_1218], %parallel_loop3A_1216 {strides = array<i32>} : memref<16x2048xf32, #tpu.memory_space<vmem>>, vector<16xf32>,
        %parallel_loop3A_1220 = arith.constant 1408 : i32
        %parallel_loop3A_1221 = vector.broadcast %parallel_loop3A_1220 : i32 to vector<16xi32>
        %parallel_loop3A_1222 = arith.addi %parallel_loop3A_551, %parallel_loop3A_1221 : vector<16xi32>
        %parallel_loop3A_1223 = tpu.vector_load_idx %arg4[%parallel_loop3A_568, %parallel_loop3A_1222] : memref<16x2048xf32, #tpu.memory_space<vmem>>[vector<16xi32>, vector<16xi32>], vector<16xf32>,
        %parallel_loop3A_1224 = arith.index_cast %parallel_loop3A_100 : i32 to index
        %parallel_loop3A_1225 = arith.constant 1488 : index
        %parallel_loop3A_1226 = tpu.vector_load %arg5[%parallel_loop3A_1224, %parallel_loop3A_1225] {strides = array<i32>} : memref<16x2048xf32, #tpu.memory_space<vmem>>, vector<16xf32>,
        tpu.vector_store %arg5[%parallel_loop3A_1224, %parallel_loop3A_1225], %parallel_loop3A_1223 {strides = array<i32>} : memref<16x2048xf32, #tpu.memory_space<vmem>>, vector<16xf32>,
        %parallel_loop3A_1227 = arith.constant 1408 : i32
        %parallel_loop3A_1228 = vector.broadcast %parallel_loop3A_1227 : i32 to vector<16xi32>
        %parallel_loop3A_1229 = arith.addi %parallel_loop3A_560, %parallel_loop3A_1228 : vector<16xi32>
        %parallel_loop3A_1230 = tpu.vector_load_idx %arg4[%parallel_loop3A_568, %parallel_loop3A_1229] : memref<16x2048xf32, #tpu.memory_space<vmem>>[vector<16xi32>, vector<16xi32>], vector<16xf32>,
        %parallel_loop3A_1231 = arith.index_cast %parallel_loop3A_100 : i32 to index
        %parallel_loop3A_1232 = arith.constant 1504 : index
        %parallel_loop3A_1233 = tpu.vector_load %arg5[%parallel_loop3A_1231, %parallel_loop3A_1232] {strides = array<i32>} : memref<16x2048xf32, #tpu.memory_space<vmem>>, vector<16xf32>,
        tpu.vector_store %arg5[%parallel_loop3A_1231, %parallel_loop3A_1232], %parallel_loop3A_1230 {strides = array<i32>} : memref<16x2048xf32, #tpu.memory_space<vmem>>, vector<16xf32>,
        %parallel_loop3A_1234 = arith.constant 1408 : i32
        %parallel_loop3A_1235 = vector.broadcast %parallel_loop3A_1234 : i32 to vector<16xi32>
        %parallel_loop3A_1236 = arith.addi %parallel_loop3A_564, %parallel_loop3A_1235 : vector<16xi32>
        %parallel_loop3A_1237 = tpu.vector_load_idx %arg4[%parallel_loop3A_568, %parallel_loop3A_1236] : memref<16x2048xf32, #tpu.memory_space<vmem>>[vector<16xi32>, vector<16xi32>], vector<16xf32>,
        %parallel_loop3A_1238 = arith.index_cast %parallel_loop3A_100 : i32 to index
        %parallel_loop3A_1239 = arith.constant 1520 : index
        %parallel_loop3A_1240 = tpu.vector_load %arg5[%parallel_loop3A_1238, %parallel_loop3A_1239] {strides = array<i32>} : memref<16x2048xf32, #tpu.memory_space<vmem>>, vector<16xf32>,
        tpu.vector_store %arg5[%parallel_loop3A_1238, %parallel_loop3A_1239], %parallel_loop3A_1237 {strides = array<i32>} : memref<16x2048xf32, #tpu.memory_space<vmem>>, vector<16xf32>,
        %parallel_loop3A_1241 = arith.constant 1536 : i32
        %parallel_loop3A_1242 = vector.broadcast %parallel_loop3A_1241 : i32 to vector<16xi32>
        %parallel_loop3A_1243 = arith.addi %parallel_loop3A_511, %parallel_loop3A_1242 : vector<16xi32>
        %parallel_loop3A_1244 = tpu.vector_load_idx %arg4[%parallel_loop3A_568, %parallel_loop3A_1243] : memref<16x2048xf32, #tpu.memory_space<vmem>>[vector<16xi32>, vector<16xi32>], vector<16xf32>,
        %parallel_loop3A_1245 = arith.index_cast %parallel_loop3A_100 : i32 to index
        %parallel_loop3A_1246 = arith.constant 1536 : index
        %parallel_loop3A_1247 = tpu.vector_load %arg5[%parallel_loop3A_1245, %parallel_loop3A_1246] {strides = array<i32>} : memref<16x2048xf32, #tpu.memory_space<vmem>>, vector<16xf32>,
        tpu.vector_store %arg5[%parallel_loop3A_1245, %parallel_loop3A_1246], %parallel_loop3A_1244 {strides = array<i32>} : memref<16x2048xf32, #tpu.memory_space<vmem>>, vector<16xf32>,
        %parallel_loop3A_1248 = arith.constant 1536 : i32
        %parallel_loop3A_1249 = vector.broadcast %parallel_loop3A_1248 : i32 to vector<16xi32>
        %parallel_loop3A_1250 = arith.addi %parallel_loop3A_515, %parallel_loop3A_1249 : vector<16xi32>
        %parallel_loop3A_1251 = tpu.vector_load_idx %arg4[%parallel_loop3A_568, %parallel_loop3A_1250] : memref<16x2048xf32, #tpu.memory_space<vmem>>[vector<16xi32>, vector<16xi32>], vector<16xf32>,
        %parallel_loop3A_1252 = arith.index_cast %parallel_loop3A_100 : i32 to index
        %parallel_loop3A_1253 = arith.constant 1552 : index
        %parallel_loop3A_1254 = tpu.vector_load %arg5[%parallel_loop3A_1252, %parallel_loop3A_1253] {strides = array<i32>} : memref<16x2048xf32, #tpu.memory_space<vmem>>, vector<16xf32>,
        tpu.vector_store %arg5[%parallel_loop3A_1252, %parallel_loop3A_1253], %parallel_loop3A_1251 {strides = array<i32>} : memref<16x2048xf32, #tpu.memory_space<vmem>>, vector<16xf32>,
        %parallel_loop3A_1255 = arith.constant 1536 : i32
        %parallel_loop3A_1256 = vector.broadcast %parallel_loop3A_1255 : i32 to vector<16xi32>
        %parallel_loop3A_1257 = arith.addi %parallel_loop3A_524, %parallel_loop3A_1256 : vector<16xi32>
        %parallel_loop3A_1258 = tpu.vector_load_idx %arg4[%parallel_loop3A_568, %parallel_loop3A_1257] : memref<16x2048xf32, #tpu.memory_space<vmem>>[vector<16xi32>, vector<16xi32>], vector<16xf32>,
        %parallel_loop3A_1259 = arith.index_cast %parallel_loop3A_100 : i32 to index
        %parallel_loop3A_1260 = arith.constant 1568 : index
        %parallel_loop3A_1261 = tpu.vector_load %arg5[%parallel_loop3A_1259, %parallel_loop3A_1260] {strides = array<i32>} : memref<16x2048xf32, #tpu.memory_space<vmem>>, vector<16xf32>,
        tpu.vector_store %arg5[%parallel_loop3A_1259, %parallel_loop3A_1260], %parallel_loop3A_1258 {strides = array<i32>} : memref<16x2048xf32, #tpu.memory_space<vmem>>, vector<16xf32>,
        %parallel_loop3A_1262 = arith.constant 1536 : i32
        %parallel_loop3A_1263 = vector.broadcast %parallel_loop3A_1262 : i32 to vector<16xi32>
        %parallel_loop3A_1264 = arith.addi %parallel_loop3A_528, %parallel_loop3A_1263 : vector<16xi32>
        %parallel_loop3A_1265 = tpu.vector_load_idx %arg4[%parallel_loop3A_568, %parallel_loop3A_1264] : memref<16x2048xf32, #tpu.memory_space<vmem>>[vector<16xi32>, vector<16xi32>], vector<16xf32>,
        %parallel_loop3A_1266 = arith.index_cast %parallel_loop3A_100 : i32 to index
        %parallel_loop3A_1267 = arith.constant 1584 : index
        %parallel_loop3A_1268 = tpu.vector_load %arg5[%parallel_loop3A_1266, %parallel_loop3A_1267] {strides = array<i32>} : memref<16x2048xf32, #tpu.memory_space<vmem>>, vector<16xf32>,
        tpu.vector_store %arg5[%parallel_loop3A_1266, %parallel_loop3A_1267], %parallel_loop3A_1265 {strides = array<i32>} : memref<16x2048xf32, #tpu.memory_space<vmem>>, vector<16xf32>,
        %parallel_loop3A_1269 = arith.constant 1536 : i32
        %parallel_loop3A_1270 = vector.broadcast %parallel_loop3A_1269 : i32 to vector<16xi32>
        %parallel_loop3A_1271 = arith.addi %parallel_loop3A_547, %parallel_loop3A_1270 : vector<16xi32>
        %parallel_loop3A_1272 = tpu.vector_load_idx %arg4[%parallel_loop3A_568, %parallel_loop3A_1271] : memref<16x2048xf32, #tpu.memory_space<vmem>>[vector<16xi32>, vector<16xi32>], vector<16xf32>,
        %parallel_loop3A_1273 = arith.index_cast %parallel_loop3A_100 : i32 to index
        %parallel_loop3A_1274 = arith.constant 1600 : index
        %parallel_loop3A_1275 = tpu.vector_load %arg5[%parallel_loop3A_1273, %parallel_loop3A_1274] {strides = array<i32>} : memref<16x2048xf32, #tpu.memory_space<vmem>>, vector<16xf32>,
        tpu.vector_store %arg5[%parallel_loop3A_1273, %parallel_loop3A_1274], %parallel_loop3A_1272 {strides = array<i32>} : memref<16x2048xf32, #tpu.memory_space<vmem>>, vector<16xf32>,
        %parallel_loop3A_1276 = arith.constant 1536 : i32
        %parallel_loop3A_1277 = vector.broadcast %parallel_loop3A_1276 : i32 to vector<16xi32>
        %parallel_loop3A_1278 = arith.addi %parallel_loop3A_551, %parallel_loop3A_1277 : vector<16xi32>
        %parallel_loop3A_1279 = tpu.vector_load_idx %arg4[%parallel_loop3A_568, %parallel_loop3A_1278] : memref<16x2048xf32, #tpu.memory_space<vmem>>[vector<16xi32>, vector<16xi32>], vector<16xf32>,
        %parallel_loop3A_1280 = arith.index_cast %parallel_loop3A_100 : i32 to index
        %parallel_loop3A_1281 = arith.constant 1616 : index
        %parallel_loop3A_1282 = tpu.vector_load %arg5[%parallel_loop3A_1280, %parallel_loop3A_1281] {strides = array<i32>} : memref<16x2048xf32, #tpu.memory_space<vmem>>, vector<16xf32>,
        tpu.vector_store %arg5[%parallel_loop3A_1280, %parallel_loop3A_1281], %parallel_loop3A_1279 {strides = array<i32>} : memref<16x2048xf32, #tpu.memory_space<vmem>>, vector<16xf32>,
        %parallel_loop3A_1283 = arith.constant 1536 : i32
        %parallel_loop3A_1284 = vector.broadcast %parallel_loop3A_1283 : i32 to vector<16xi32>
        %parallel_loop3A_1285 = arith.addi %parallel_loop3A_560, %parallel_loop3A_1284 : vector<16xi32>
        %parallel_loop3A_1286 = tpu.vector_load_idx %arg4[%parallel_loop3A_568, %parallel_loop3A_1285] : memref<16x2048xf32, #tpu.memory_space<vmem>>[vector<16xi32>, vector<16xi32>], vector<16xf32>,
        %parallel_loop3A_1287 = arith.index_cast %parallel_loop3A_100 : i32 to index
        %parallel_loop3A_1288 = arith.constant 1632 : index
        %parallel_loop3A_1289 = tpu.vector_load %arg5[%parallel_loop3A_1287, %parallel_loop3A_1288] {strides = array<i32>} : memref<16x2048xf32, #tpu.memory_space<vmem>>, vector<16xf32>,
        tpu.vector_store %arg5[%parallel_loop3A_1287, %parallel_loop3A_1288], %parallel_loop3A_1286 {strides = array<i32>} : memref<16x2048xf32, #tpu.memory_space<vmem>>, vector<16xf32>,
        %parallel_loop3A_1290 = arith.constant 1536 : i32
        %parallel_loop3A_1291 = vector.broadcast %parallel_loop3A_1290 : i32 to vector<16xi32>
        %parallel_loop3A_1292 = arith.addi %parallel_loop3A_564, %parallel_loop3A_1291 : vector<16xi32>
        %parallel_loop3A_1293 = tpu.vector_load_idx %arg4[%parallel_loop3A_568, %parallel_loop3A_1292] : memref<16x2048xf32, #tpu.memory_space<vmem>>[vector<16xi32>, vector<16xi32>], vector<16xf32>,
        %parallel_loop3A_1294 = arith.index_cast %parallel_loop3A_100 : i32 to index
        %parallel_loop3A_1295 = arith.constant 1648 : index
        %parallel_loop3A_1296 = tpu.vector_load %arg5[%parallel_loop3A_1294, %parallel_loop3A_1295] {strides = array<i32>} : memref<16x2048xf32, #tpu.memory_space<vmem>>, vector<16xf32>,
        tpu.vector_store %arg5[%parallel_loop3A_1294, %parallel_loop3A_1295], %parallel_loop3A_1293 {strides = array<i32>} : memref<16x2048xf32, #tpu.memory_space<vmem>>, vector<16xf32>,
        %parallel_loop3A_1297 = arith.constant 1664 : i32
        %parallel_loop3A_1298 = vector.broadcast %parallel_loop3A_1297 : i32 to vector<16xi32>
        %parallel_loop3A_1299 = arith.addi %parallel_loop3A_511, %parallel_loop3A_1298 : vector<16xi32>
        %parallel_loop3A_1300 = tpu.vector_load_idx %arg4[%parallel_loop3A_568, %parallel_loop3A_1299] : memref<16x2048xf32, #tpu.memory_space<vmem>>[vector<16xi32>, vector<16xi32>], vector<16xf32>,
        %parallel_loop3A_1301 = arith.index_cast %parallel_loop3A_100 : i32 to index
        %parallel_loop3A_1302 = arith.constant 1664 : index
        %parallel_loop3A_1303 = tpu.vector_load %arg5[%parallel_loop3A_1301, %parallel_loop3A_1302] {strides = array<i32>} : memref<16x2048xf32, #tpu.memory_space<vmem>>, vector<16xf32>,
        tpu.vector_store %arg5[%parallel_loop3A_1301, %parallel_loop3A_1302], %parallel_loop3A_1300 {strides = array<i32>} : memref<16x2048xf32, #tpu.memory_space<vmem>>, vector<16xf32>,
        %parallel_loop3A_1304 = arith.constant 1664 : i32
        %parallel_loop3A_1305 = vector.broadcast %parallel_loop3A_1304 : i32 to vector<16xi32>
        %parallel_loop3A_1306 = arith.addi %parallel_loop3A_515, %parallel_loop3A_1305 : vector<16xi32>
        %parallel_loop3A_1307 = tpu.vector_load_idx %arg4[%parallel_loop3A_568, %parallel_loop3A_1306] : memref<16x2048xf32, #tpu.memory_space<vmem>>[vector<16xi32>, vector<16xi32>], vector<16xf32>,
        %parallel_loop3A_1308 = arith.index_cast %parallel_loop3A_100 : i32 to index
        %parallel_loop3A_1309 = arith.constant 1680 : index
        %parallel_loop3A_1310 = tpu.vector_load %arg5[%parallel_loop3A_1308, %parallel_loop3A_1309] {strides = array<i32>} : memref<16x2048xf32, #tpu.memory_space<vmem>>, vector<16xf32>,
        tpu.vector_store %arg5[%parallel_loop3A_1308, %parallel_loop3A_1309], %parallel_loop3A_1307 {strides = array<i32>} : memref<16x2048xf32, #tpu.memory_space<vmem>>, vector<16xf32>,
        %parallel_loop3A_1311 = arith.constant 1664 : i32
        %parallel_loop3A_1312 = vector.broadcast %parallel_loop3A_1311 : i32 to vector<16xi32>
        %parallel_loop3A_1313 = arith.addi %parallel_loop3A_524, %parallel_loop3A_1312 : vector<16xi32>
        %parallel_loop3A_1314 = tpu.vector_load_idx %arg4[%parallel_loop3A_568, %parallel_loop3A_1313] : memref<16x2048xf32, #tpu.memory_space<vmem>>[vector<16xi32>, vector<16xi32>], vector<16xf32>,
        %parallel_loop3A_1315 = arith.index_cast %parallel_loop3A_100 : i32 to index
        %parallel_loop3A_1316 = arith.constant 1696 : index
        %parallel_loop3A_1317 = tpu.vector_load %arg5[%parallel_loop3A_1315, %parallel_loop3A_1316] {strides = array<i32>} : memref<16x2048xf32, #tpu.memory_space<vmem>>, vector<16xf32>,
        tpu.vector_store %arg5[%parallel_loop3A_1315, %parallel_loop3A_1316], %parallel_loop3A_1314 {strides = array<i32>} : memref<16x2048xf32, #tpu.memory_space<vmem>>, vector<16xf32>,
        %parallel_loop3A_1318 = arith.constant 1664 : i32
        %parallel_loop3A_1319 = vector.broadcast %parallel_loop3A_1318 : i32 to vector<16xi32>
        %parallel_loop3A_1320 = arith.addi %parallel_loop3A_528, %parallel_loop3A_1319 : vector<16xi32>
        %parallel_loop3A_1321 = tpu.vector_load_idx %arg4[%parallel_loop3A_568, %parallel_loop3A_1320] : memref<16x2048xf32, #tpu.memory_space<vmem>>[vector<16xi32>, vector<16xi32>], vector<16xf32>,
        %parallel_loop3A_1322 = arith.index_cast %parallel_loop3A_100 : i32 to index
        %parallel_loop3A_1323 = arith.constant 1712 : index
        %parallel_loop3A_1324 = tpu.vector_load %arg5[%parallel_loop3A_1322, %parallel_loop3A_1323] {strides = array<i32>} : memref<16x2048xf32, #tpu.memory_space<vmem>>, vector<16xf32>,
        tpu.vector_store %arg5[%parallel_loop3A_1322, %parallel_loop3A_1323], %parallel_loop3A_1321 {strides = array<i32>} : memref<16x2048xf32, #tpu.memory_space<vmem>>, vector<16xf32>,
        %parallel_loop3A_1325 = arith.constant 1664 : i32
        %parallel_loop3A_1326 = vector.broadcast %parallel_loop3A_1325 : i32 to vector<16xi32>
        %parallel_loop3A_1327 = arith.addi %parallel_loop3A_547, %parallel_loop3A_1326 : vector<16xi32>
        %parallel_loop3A_1328 = tpu.vector_load_idx %arg4[%parallel_loop3A_568, %parallel_loop3A_1327] : memref<16x2048xf32, #tpu.memory_space<vmem>>[vector<16xi32>, vector<16xi32>], vector<16xf32>,
        %parallel_loop3A_1329 = arith.index_cast %parallel_loop3A_100 : i32 to index
        %parallel_loop3A_1330 = arith.constant 1728 : index
        %parallel_loop3A_1331 = tpu.vector_load %arg5[%parallel_loop3A_1329, %parallel_loop3A_1330] {strides = array<i32>} : memref<16x2048xf32, #tpu.memory_space<vmem>>, vector<16xf32>,
        tpu.vector_store %arg5[%parallel_loop3A_1329, %parallel_loop3A_1330], %parallel_loop3A_1328 {strides = array<i32>} : memref<16x2048xf32, #tpu.memory_space<vmem>>, vector<16xf32>,
        %parallel_loop3A_1332 = arith.constant 1664 : i32
        %parallel_loop3A_1333 = vector.broadcast %parallel_loop3A_1332 : i32 to vector<16xi32>
        %parallel_loop3A_1334 = arith.addi %parallel_loop3A_551, %parallel_loop3A_1333 : vector<16xi32>
        %parallel_loop3A_1335 = tpu.vector_load_idx %arg4[%parallel_loop3A_568, %parallel_loop3A_1334] : memref<16x2048xf32, #tpu.memory_space<vmem>>[vector<16xi32>, vector<16xi32>], vector<16xf32>,
        %parallel_loop3A_1336 = arith.index_cast %parallel_loop3A_100 : i32 to index
        %parallel_loop3A_1337 = arith.constant 1744 : index
        %parallel_loop3A_1338 = tpu.vector_load %arg5[%parallel_loop3A_1336, %parallel_loop3A_1337] {strides = array<i32>} : memref<16x2048xf32, #tpu.memory_space<vmem>>, vector<16xf32>,
        tpu.vector_store %arg5[%parallel_loop3A_1336, %parallel_loop3A_1337], %parallel_loop3A_1335 {strides = array<i32>} : memref<16x2048xf32, #tpu.memory_space<vmem>>, vector<16xf32>,
        %parallel_loop3A_1339 = arith.constant 1664 : i32
        %parallel_loop3A_1340 = vector.broadcast %parallel_loop3A_1339 : i32 to vector<16xi32>
        %parallel_loop3A_1341 = arith.addi %parallel_loop3A_560, %parallel_loop3A_1340 : vector<16xi32>
        %parallel_loop3A_1342 = tpu.vector_load_idx %arg4[%parallel_loop3A_568, %parallel_loop3A_1341] : memref<16x2048xf32, #tpu.memory_space<vmem>>[vector<16xi32>, vector<16xi32>], vector<16xf32>,
        %parallel_loop3A_1343 = arith.index_cast %parallel_loop3A_100 : i32 to index
        %parallel_loop3A_1344 = arith.constant 1760 : index
        %parallel_loop3A_1345 = tpu.vector_load %arg5[%parallel_loop3A_1343, %parallel_loop3A_1344] {strides = array<i32>} : memref<16x2048xf32, #tpu.memory_space<vmem>>, vector<16xf32>,
        tpu.vector_store %arg5[%parallel_loop3A_1343, %parallel_loop3A_1344], %parallel_loop3A_1342 {strides = array<i32>} : memref<16x2048xf32, #tpu.memory_space<vmem>>, vector<16xf32>,
        %parallel_loop3A_1346 = arith.constant 1664 : i32
        %parallel_loop3A_1347 = vector.broadcast %parallel_loop3A_1346 : i32 to vector<16xi32>
        %parallel_loop3A_1348 = arith.addi %parallel_loop3A_564, %parallel_loop3A_1347 : vector<16xi32>
        %parallel_loop3A_1349 = tpu.vector_load_idx %arg4[%parallel_loop3A_568, %parallel_loop3A_1348] : memref<16x2048xf32, #tpu.memory_space<vmem>>[vector<16xi32>, vector<16xi32>], vector<16xf32>,
        %parallel_loop3A_1350 = arith.index_cast %parallel_loop3A_100 : i32 to index
        %parallel_loop3A_1351 = arith.constant 1776 : index
        %parallel_loop3A_1352 = tpu.vector_load %arg5[%parallel_loop3A_1350, %parallel_loop3A_1351] {strides = array<i32>} : memref<16x2048xf32, #tpu.memory_space<vmem>>, vector<16xf32>,
        tpu.vector_store %arg5[%parallel_loop3A_1350, %parallel_loop3A_1351], %parallel_loop3A_1349 {strides = array<i32>} : memref<16x2048xf32, #tpu.memory_space<vmem>>, vector<16xf32>,
        %parallel_loop3A_1353 = arith.constant 1792 : i32
        %parallel_loop3A_1354 = vector.broadcast %parallel_loop3A_1353 : i32 to vector<16xi32>
        %parallel_loop3A_1355 = arith.addi %parallel_loop3A_511, %parallel_loop3A_1354 : vector<16xi32>
        %parallel_loop3A_1356 = tpu.vector_load_idx %arg4[%parallel_loop3A_568, %parallel_loop3A_1355] : memref<16x2048xf32, #tpu.memory_space<vmem>>[vector<16xi32>, vector<16xi32>], vector<16xf32>,
        %parallel_loop3A_1357 = arith.index_cast %parallel_loop3A_100 : i32 to index
        %parallel_loop3A_1358 = arith.constant 1792 : index
        %parallel_loop3A_1359 = tpu.vector_load %arg5[%parallel_loop3A_1357, %parallel_loop3A_1358] {strides = array<i32>} : memref<16x2048xf32, #tpu.memory_space<vmem>>, vector<16xf32>,
        tpu.vector_store %arg5[%parallel_loop3A_1357, %parallel_loop3A_1358], %parallel_loop3A_1356 {strides = array<i32>} : memref<16x2048xf32, #tpu.memory_space<vmem>>, vector<16xf32>,
        %parallel_loop3A_1360 = arith.constant 1792 : i32
        %parallel_loop3A_1361 = vector.broadcast %parallel_loop3A_1360 : i32 to vector<16xi32>
        %parallel_loop3A_1362 = arith.addi %parallel_loop3A_515, %parallel_loop3A_1361 : vector<16xi32>
        %parallel_loop3A_1363 = tpu.vector_load_idx %arg4[%parallel_loop3A_568, %parallel_loop3A_1362] : memref<16x2048xf32, #tpu.memory_space<vmem>>[vector<16xi32>, vector<16xi32>], vector<16xf32>,
        %parallel_loop3A_1364 = arith.index_cast %parallel_loop3A_100 : i32 to index
        %parallel_loop3A_1365 = arith.constant 1808 : index
        %parallel_loop3A_1366 = tpu.vector_load %arg5[%parallel_loop3A_1364, %parallel_loop3A_1365] {strides = array<i32>} : memref<16x2048xf32, #tpu.memory_space<vmem>>, vector<16xf32>,
        tpu.vector_store %arg5[%parallel_loop3A_1364, %parallel_loop3A_1365], %parallel_loop3A_1363 {strides = array<i32>} : memref<16x2048xf32, #tpu.memory_space<vmem>>, vector<16xf32>,
        %parallel_loop3A_1367 = arith.constant 1792 : i32
        %parallel_loop3A_1368 = vector.broadcast %parallel_loop3A_1367 : i32 to vector<16xi32>
        %parallel_loop3A_1369 = arith.addi %parallel_loop3A_524, %parallel_loop3A_1368 : vector<16xi32>
        %parallel_loop3A_1370 = tpu.vector_load_idx %arg4[%parallel_loop3A_568, %parallel_loop3A_1369] : memref<16x2048xf32, #tpu.memory_space<vmem>>[vector<16xi32>, vector<16xi32>], vector<16xf32>,
        %parallel_loop3A_1371 = arith.index_cast %parallel_loop3A_100 : i32 to index
        %parallel_loop3A_1372 = arith.constant 1824 : index
        %parallel_loop3A_1373 = tpu.vector_load %arg5[%parallel_loop3A_1371, %parallel_loop3A_1372] {strides = array<i32>} : memref<16x2048xf32, #tpu.memory_space<vmem>>, vector<16xf32>,
        tpu.vector_store %arg5[%parallel_loop3A_1371, %parallel_loop3A_1372], %parallel_loop3A_1370 {strides = array<i32>} : memref<16x2048xf32, #tpu.memory_space<vmem>>, vector<16xf32>,
        %parallel_loop3A_1374 = arith.constant 1792 : i32
        %parallel_loop3A_1375 = vector.broadcast %parallel_loop3A_1374 : i32 to vector<16xi32>
        %parallel_loop3A_1376 = arith.addi %parallel_loop3A_528, %parallel_loop3A_1375 : vector<16xi32>
        %parallel_loop3A_1377 = tpu.vector_load_idx %arg4[%parallel_loop3A_568, %parallel_loop3A_1376] : memref<16x2048xf32, #tpu.memory_space<vmem>>[vector<16xi32>, vector<16xi32>], vector<16xf32>,
        %parallel_loop3A_1378 = arith.index_cast %parallel_loop3A_100 : i32 to index
        %parallel_loop3A_1379 = arith.constant 1840 : index
        %parallel_loop3A_1380 = tpu.vector_load %arg5[%parallel_loop3A_1378, %parallel_loop3A_1379] {strides = array<i32>} : memref<16x2048xf32, #tpu.memory_space<vmem>>, vector<16xf32>,
        tpu.vector_store %arg5[%parallel_loop3A_1378, %parallel_loop3A_1379], %parallel_loop3A_1377 {strides = array<i32>} : memref<16x2048xf32, #tpu.memory_space<vmem>>, vector<16xf32>,
        %parallel_loop3A_1381 = arith.constant 1792 : i32
        %parallel_loop3A_1382 = vector.broadcast %parallel_loop3A_1381 : i32 to vector<16xi32>
        %parallel_loop3A_1383 = arith.addi %parallel_loop3A_547, %parallel_loop3A_1382 : vector<16xi32>
        %parallel_loop3A_1384 = tpu.vector_load_idx %arg4[%parallel_loop3A_568, %parallel_loop3A_1383] : memref<16x2048xf32, #tpu.memory_space<vmem>>[vector<16xi32>, vector<16xi32>], vector<16xf32>,
        %parallel_loop3A_1385 = arith.index_cast %parallel_loop3A_100 : i32 to index
        %parallel_loop3A_1386 = arith.constant 1856 : index
        %parallel_loop3A_1387 = tpu.vector_load %arg5[%parallel_loop3A_1385, %parallel_loop3A_1386] {strides = array<i32>} : memref<16x2048xf32, #tpu.memory_space<vmem>>, vector<16xf32>,
        tpu.vector_store %arg5[%parallel_loop3A_1385, %parallel_loop3A_1386], %parallel_loop3A_1384 {strides = array<i32>} : memref<16x2048xf32, #tpu.memory_space<vmem>>, vector<16xf32>,
        %parallel_loop3A_1388 = arith.constant 1792 : i32
        %parallel_loop3A_1389 = vector.broadcast %parallel_loop3A_1388 : i32 to vector<16xi32>
        %parallel_loop3A_1390 = arith.addi %parallel_loop3A_551, %parallel_loop3A_1389 : vector<16xi32>
        %parallel_loop3A_1391 = tpu.vector_load_idx %arg4[%parallel_loop3A_568, %parallel_loop3A_1390] : memref<16x2048xf32, #tpu.memory_space<vmem>>[vector<16xi32>, vector<16xi32>], vector<16xf32>,
        %parallel_loop3A_1392 = arith.index_cast %parallel_loop3A_100 : i32 to index
        %parallel_loop3A_1393 = arith.constant 1872 : index
        %parallel_loop3A_1394 = tpu.vector_load %arg5[%parallel_loop3A_1392, %parallel_loop3A_1393] {strides = array<i32>} : memref<16x2048xf32, #tpu.memory_space<vmem>>, vector<16xf32>,
        tpu.vector_store %arg5[%parallel_loop3A_1392, %parallel_loop3A_1393], %parallel_loop3A_1391 {strides = array<i32>} : memref<16x2048xf32, #tpu.memory_space<vmem>>, vector<16xf32>,
        %parallel_loop3A_1395 = arith.constant 1792 : i32
        %parallel_loop3A_1396 = vector.broadcast %parallel_loop3A_1395 : i32 to vector<16xi32>
        %parallel_loop3A_1397 = arith.addi %parallel_loop3A_560, %parallel_loop3A_1396 : vector<16xi32>
        %parallel_loop3A_1398 = tpu.vector_load_idx %arg4[%parallel_loop3A_568, %parallel_loop3A_1397] : memref<16x2048xf32, #tpu.memory_space<vmem>>[vector<16xi32>, vector<16xi32>], vector<16xf32>,
        %parallel_loop3A_1399 = arith.index_cast %parallel_loop3A_100 : i32 to index
        %parallel_loop3A_1400 = arith.constant 1888 : index
        %parallel_loop3A_1401 = tpu.vector_load %arg5[%parallel_loop3A_1399, %parallel_loop3A_1400] {strides = array<i32>} : memref<16x2048xf32, #tpu.memory_space<vmem>>, vector<16xf32>,
        tpu.vector_store %arg5[%parallel_loop3A_1399, %parallel_loop3A_1400], %parallel_loop3A_1398 {strides = array<i32>} : memref<16x2048xf32, #tpu.memory_space<vmem>>, vector<16xf32>,
        %parallel_loop3A_1402 = arith.constant 1792 : i32
        %parallel_loop3A_1403 = vector.broadcast %parallel_loop3A_1402 : i32 to vector<16xi32>
        %parallel_loop3A_1404 = arith.addi %parallel_loop3A_564, %parallel_loop3A_1403 : vector<16xi32>
        %parallel_loop3A_1405 = tpu.vector_load_idx %arg4[%parallel_loop3A_568, %parallel_loop3A_1404] : memref<16x2048xf32, #tpu.memory_space<vmem>>[vector<16xi32>, vector<16xi32>], vector<16xf32>,
        %parallel_loop3A_1406 = arith.index_cast %parallel_loop3A_100 : i32 to index
        %parallel_loop3A_1407 = arith.constant 1904 : index
        %parallel_loop3A_1408 = tpu.vector_load %arg5[%parallel_loop3A_1406, %parallel_loop3A_1407] {strides = array<i32>} : memref<16x2048xf32, #tpu.memory_space<vmem>>, vector<16xf32>,
        tpu.vector_store %arg5[%parallel_loop3A_1406, %parallel_loop3A_1407], %parallel_loop3A_1405 {strides = array<i32>} : memref<16x2048xf32, #tpu.memory_space<vmem>>, vector<16xf32>,
        %parallel_loop3A_1409 = arith.constant 1920 : i32
        %parallel_loop3A_1410 = vector.broadcast %parallel_loop3A_1409 : i32 to vector<16xi32>
        %parallel_loop3A_1411 = arith.addi %parallel_loop3A_511, %parallel_loop3A_1410 : vector<16xi32>
        %parallel_loop3A_1412 = tpu.vector_load_idx %arg4[%parallel_loop3A_568, %parallel_loop3A_1411] : memref<16x2048xf32, #tpu.memory_space<vmem>>[vector<16xi32>, vector<16xi32>], vector<16xf32>,
        %parallel_loop3A_1413 = arith.index_cast %parallel_loop3A_100 : i32 to index
        %parallel_loop3A_1414 = arith.constant 1920 : index
        %parallel_loop3A_1415 = tpu.vector_load %arg5[%parallel_loop3A_1413, %parallel_loop3A_1414] {strides = array<i32>} : memref<16x2048xf32, #tpu.memory_space<vmem>>, vector<16xf32>,
        tpu.vector_store %arg5[%parallel_loop3A_1413, %parallel_loop3A_1414], %parallel_loop3A_1412 {strides = array<i32>} : memref<16x2048xf32, #tpu.memory_space<vmem>>, vector<16xf32>,
        %parallel_loop3A_1416 = arith.constant 1920 : i32
        %parallel_loop3A_1417 = vector.broadcast %parallel_loop3A_1416 : i32 to vector<16xi32>
        %parallel_loop3A_1418 = arith.addi %parallel_loop3A_515, %parallel_loop3A_1417 : vector<16xi32>
        %parallel_loop3A_1419 = tpu.vector_load_idx %arg4[%parallel_loop3A_568, %parallel_loop3A_1418] : memref<16x2048xf32, #tpu.memory_space<vmem>>[vector<16xi32>, vector<16xi32>], vector<16xf32>,
        %parallel_loop3A_1420 = arith.index_cast %parallel_loop3A_100 : i32 to index
        %parallel_loop3A_1421 = arith.constant 1936 : index
        %parallel_loop3A_1422 = tpu.vector_load %arg5[%parallel_loop3A_1420, %parallel_loop3A_1421] {strides = array<i32>} : memref<16x2048xf32, #tpu.memory_space<vmem>>, vector<16xf32>,
        tpu.vector_store %arg5[%parallel_loop3A_1420, %parallel_loop3A_1421], %parallel_loop3A_1419 {strides = array<i32>} : memref<16x2048xf32, #tpu.memory_space<vmem>>, vector<16xf32>,
        %parallel_loop3A_1423 = arith.constant 1920 : i32
        %parallel_loop3A_1424 = vector.broadcast %parallel_loop3A_1423 : i32 to vector<16xi32>
        %parallel_loop3A_1425 = arith.addi %parallel_loop3A_524, %parallel_loop3A_1424 : vector<16xi32>
        %parallel_loop3A_1426 = tpu.vector_load_idx %arg4[%parallel_loop3A_568, %parallel_loop3A_1425] : memref<16x2048xf32, #tpu.memory_space<vmem>>[vector<16xi32>, vector<16xi32>], vector<16xf32>,
        %parallel_loop3A_1427 = arith.index_cast %parallel_loop3A_100 : i32 to index
        %parallel_loop3A_1428 = arith.constant 1952 : index
        %parallel_loop3A_1429 = tpu.vector_load %arg5[%parallel_loop3A_1427, %parallel_loop3A_1428] {strides = array<i32>} : memref<16x2048xf32, #tpu.memory_space<vmem>>, vector<16xf32>,
        tpu.vector_store %arg5[%parallel_loop3A_1427, %parallel_loop3A_1428], %parallel_loop3A_1426 {strides = array<i32>} : memref<16x2048xf32, #tpu.memory_space<vmem>>, vector<16xf32>,
        %parallel_loop3A_1430 = arith.constant 1920 : i32
        %parallel_loop3A_1431 = vector.broadcast %parallel_loop3A_1430 : i32 to vector<16xi32>
        %parallel_loop3A_1432 = arith.addi %parallel_loop3A_528, %parallel_loop3A_1431 : vector<16xi32>
        %parallel_loop3A_1433 = tpu.vector_load_idx %arg4[%parallel_loop3A_568, %parallel_loop3A_1432] : memref<16x2048xf32, #tpu.memory_space<vmem>>[vector<16xi32>, vector<16xi32>], vector<16xf32>,
        %parallel_loop3A_1434 = arith.index_cast %parallel_loop3A_100 : i32 to index
        %parallel_loop3A_1435 = arith.constant 1968 : index
        %parallel_loop3A_1436 = tpu.vector_load %arg5[%parallel_loop3A_1434, %parallel_loop3A_1435] {strides = array<i32>} : memref<16x2048xf32, #tpu.memory_space<vmem>>, vector<16xf32>,
        tpu.vector_store %arg5[%parallel_loop3A_1434, %parallel_loop3A_1435], %parallel_loop3A_1433 {strides = array<i32>} : memref<16x2048xf32, #tpu.memory_space<vmem>>, vector<16xf32>,
        %parallel_loop3A_1437 = arith.constant 1920 : i32
        %parallel_loop3A_1438 = vector.broadcast %parallel_loop3A_1437 : i32 to vector<16xi32>
        %parallel_loop3A_1439 = arith.addi %parallel_loop3A_547, %parallel_loop3A_1438 : vector<16xi32>
        %parallel_loop3A_1440 = tpu.vector_load_idx %arg4[%parallel_loop3A_568, %parallel_loop3A_1439] : memref<16x2048xf32, #tpu.memory_space<vmem>>[vector<16xi32>, vector<16xi32>], vector<16xf32>,
        %parallel_loop3A_1441 = arith.index_cast %parallel_loop3A_100 : i32 to index
        %parallel_loop3A_1442 = arith.constant 1984 : index
        %parallel_loop3A_1443 = tpu.vector_load %arg5[%parallel_loop3A_1441, %parallel_loop3A_1442] {strides = array<i32>} : memref<16x2048xf32, #tpu.memory_space<vmem>>, vector<16xf32>,
        tpu.vector_store %arg5[%parallel_loop3A_1441, %parallel_loop3A_1442], %parallel_loop3A_1440 {strides = array<i32>} : memref<16x2048xf32, #tpu.memory_space<vmem>>, vector<16xf32>,
        %parallel_loop3A_1444 = arith.constant 1920 : i32
        %parallel_loop3A_1445 = vector.broadcast %parallel_loop3A_1444 : i32 to vector<16xi32>
        %parallel_loop3A_1446 = arith.addi %parallel_loop3A_551, %parallel_loop3A_1445 : vector<16xi32>
        %parallel_loop3A_1447 = tpu.vector_load_idx %arg4[%parallel_loop3A_568, %parallel_loop3A_1446] : memref<16x2048xf32, #tpu.memory_space<vmem>>[vector<16xi32>, vector<16xi32>], vector<16xf32>,
        %parallel_loop3A_1448 = arith.index_cast %parallel_loop3A_100 : i32 to index
        %parallel_loop3A_1449 = arith.constant 2000 : index
        %parallel_loop3A_1450 = tpu.vector_load %arg5[%parallel_loop3A_1448, %parallel_loop3A_1449] {strides = array<i32>} : memref<16x2048xf32, #tpu.memory_space<vmem>>, vector<16xf32>,
        tpu.vector_store %arg5[%parallel_loop3A_1448, %parallel_loop3A_1449], %parallel_loop3A_1447 {strides = array<i32>} : memref<16x2048xf32, #tpu.memory_space<vmem>>, vector<16xf32>,
        %parallel_loop3A_1451 = arith.constant 1920 : i32
        %parallel_loop3A_1452 = vector.broadcast %parallel_loop3A_1451 : i32 to vector<16xi32>
        %parallel_loop3A_1453 = arith.addi %parallel_loop3A_560, %parallel_loop3A_1452 : vector<16xi32>
        %parallel_loop3A_1454 = tpu.vector_load_idx %arg4[%parallel_loop3A_568, %parallel_loop3A_1453] : memref<16x2048xf32, #tpu.memory_space<vmem>>[vector<16xi32>, vector<16xi32>], vector<16xf32>,
        %parallel_loop3A_1455 = arith.index_cast %parallel_loop3A_100 : i32 to index
        %parallel_loop3A_1456 = arith.constant 2016 : index
        %parallel_loop3A_1457 = tpu.vector_load %arg5[%parallel_loop3A_1455, %parallel_loop3A_1456] {strides = array<i32>} : memref<16x2048xf32, #tpu.memory_space<vmem>>, vector<16xf32>,
        tpu.vector_store %arg5[%parallel_loop3A_1455, %parallel_loop3A_1456], %parallel_loop3A_1454 {strides = array<i32>} : memref<16x2048xf32, #tpu.memory_space<vmem>>, vector<16xf32>,
        %parallel_loop3A_1458 = arith.constant 1920 : i32
        %parallel_loop3A_1459 = vector.broadcast %parallel_loop3A_1458 : i32 to vector<16xi32>
        %parallel_loop3A_1460 = arith.addi %parallel_loop3A_564, %parallel_loop3A_1459 : vector<16xi32>
        %parallel_loop3A_1461 = tpu.vector_load_idx %arg4[%parallel_loop3A_568, %parallel_loop3A_1460] : memref<16x2048xf32, #tpu.memory_space<vmem>>[vector<16xi32>, vector<16xi32>], vector<16xf32>,
        %parallel_loop3A_1462 = arith.index_cast %parallel_loop3A_100 : i32 to index
        %parallel_loop3A_1463 = arith.constant 2032 : index
        %parallel_loop3A_1464 = tpu.vector_load %arg5[%parallel_loop3A_1462, %parallel_loop3A_1463] {strides = array<i32>} : memref<16x2048xf32, #tpu.memory_space<vmem>>, vector<16xf32>,
        tpu.vector_store %arg5[%parallel_loop3A_1462, %parallel_loop3A_1463], %parallel_loop3A_1461 {strides = array<i32>} : memref<16x2048xf32, #tpu.memory_space<vmem>>, vector<16xf32>,
      } {sc.loop_unroll_factor = 2 : i64, sc.parallel_access}
      %mul3A_84 = arith.constant 8 : i32
      %mul3A_85 = arith.muli %scan3A_54, %mul3A_84 : i32
      %add3A_86 = arith.addi %mul3A_2, %mul3A_85 : i32
      %mul3A_87 = arith.constant 8 : i32
      %mul3A_88 = arith.muli %rem3A_56, %mul3A_87 : i32
      %dma_start3A_89 = arith.constant 0 : i32
      %dma_start3A_90 = tpu.memref_slice %arg5[%mul3A_88, %dma_start3A_89] : memref<16x2048xf32, #tpu.memory_space<vmem>> -> memref<8x2048xf32, #tpu.memory_space<vmem>>
      %dma_start3A_91 = arith.constant 0 : i32
      %dma_start3A_92 = tpu.memref_slice %arg3[%add3A_86, %dma_start3A_91] : memref<16384x2048xf32, #tpu.memory_space<hbm>> -> memref<8x2048xf32, #tpu.memory_space<hbm>>
      %dma_start3A_93 = tpu.memref_slice %arg7[%rem3A_56] : memref<2x!tpu.dma_semaphore, #tpu.memory_space<semaphore_mem>> -> memref<1x!tpu.dma_semaphore, #tpu.memory_space<semaphore_mem>>
      %dma_start3A_94 = tpu.memref_squeeze %dma_start3A_93 : memref<1x!tpu.dma_semaphore, #tpu.memory_space<semaphore_mem>> -> memref<!tpu.dma_semaphore, #tpu.memory_space<semaphore_mem>>
      %dma_start3A_95 = arith.constant 0 : i32
      %dma_start3A_96 = tpu.memref_slice %arg3[%add3A_86, %dma_start3A_95] : memref<16384x2048xf32, #tpu.memory_space<hbm>> -> memref<8x2048xf32, #tpu.memory_space<hbm>>
      %dma_start3A_97 = arith.constant 0 : i32
      %dma_start3A_98 = tpu.memref_slice %arg5[%mul3A_88, %dma_start3A_97] : memref<16x2048xf32, #tpu.memory_space<vmem>> -> memref<8x2048xf32, #tpu.memory_space<vmem>>
      tpu.enqueue_dma source(%dma_start3A_98 : memref<8x2048xf32, #tpu.memory_space<vmem>>) target(%dma_start3A_96 : memref<8x2048xf32, #tpu.memory_space<hbm>>) target_semaphore(%dma_start3A_94 : memref<!tpu.dma_semaphore, #tpu.memory_space<semaphore_mem>>)
    }
    %scan3A_21 = arith.constant 64 : i32
    %rem3A = arith.constant 62 : i32
    %rem3A_22 = arith.constant 2 : i32
    %rem3A_23 = arith.remsi %rem3A, %rem3A_22 : i32
    %add3A_24 = arith.constant 496 : i32
    %add3A_25 = arith.addi %mul3A_2, %add3A_24 : i32
    %mul3A_26 = arith.constant 8 : i32
    %mul3A_27 = arith.muli %rem3A_23, %mul3A_26 : i32
    %dma_wait3A = arith.constant 0 : i32
    %dma_wait3A_28 = tpu.memref_slice %arg5[%mul3A_27, %dma_wait3A] : memref<16x2048xf32, #tpu.memory_space<vmem>> -> memref<8x2048xf32, #tpu.memory_space<vmem>>
    %dma_wait3A_29 = arith.constant 0 : i32
    %dma_wait3A_30 = tpu.memref_slice %arg3[%add3A_25, %dma_wait3A_29] : memref<16384x2048xf32, #tpu.memory_space<hbm>> -> memref<8x2048xf32, #tpu.memory_space<hbm>>
    %dma_wait3A_31 = tpu.memref_slice %arg7[%rem3A_23] : memref<2x!tpu.dma_semaphore, #tpu.memory_space<semaphore_mem>> -> memref<1x!tpu.dma_semaphore, #tpu.memory_space<semaphore_mem>>
    %dma_wait3A_32 = tpu.memref_squeeze %dma_wait3A_31 : memref<1x!tpu.dma_semaphore, #tpu.memory_space<semaphore_mem>> -> memref<!tpu.dma_semaphore, #tpu.memory_space<semaphore_mem>>
    %dma_wait3A_33 = arith.constant 0 : i32
    %dma_wait3A_34 = tpu.memref_slice %arg3[%add3A_25, %dma_wait3A_33] : memref<16384x2048xf32, #tpu.memory_space<hbm>> -> memref<8x2048xf32, #tpu.memory_space<hbm>>
    %dma_wait3A_35 = arith.constant 0 : i32
    %dma_wait3A_36 = tpu.memref_slice %arg5[%mul3A_27, %dma_wait3A_35] : memref<16x2048xf32, #tpu.memory_space<vmem>> -> memref<8x2048xf32, #tpu.memory_space<vmem>>
    tpu.wait_dma2 semaphore(%dma_wait3A_32 : memref<!tpu.dma_semaphore, #tpu.memory_space<semaphore_mem>>) src(%dma_wait3A_36 : memref<8x2048xf32, #tpu.memory_space<vmem>>) dst(%dma_wait3A_34 : memref<8x2048xf32, #tpu.memory_space<hbm>>)
    %rem3A_37 = arith.constant 63 : i32
    %rem3A_38 = arith.constant 2 : i32
    %rem3A_39 = arith.remsi %rem3A_37, %rem3A_38 : i32
    %add3A_40 = arith.constant 504 : i32
    %add3A_41 = arith.addi %mul3A_2, %add3A_40 : i32
    %mul3A_42 = arith.constant 8 : i32
    %mul3A_43 = arith.muli %rem3A_39, %mul3A_42 : i32
    %dma_wait3A_44 = arith.constant 0 : i32
    %dma_wait3A_45 = tpu.memref_slice %arg5[%mul3A_43, %dma_wait3A_44] : memref<16x2048xf32, #tpu.memory_space<vmem>> -> memref<8x2048xf32, #tpu.memory_space<vmem>>
    %dma_wait3A_46 = arith.constant 0 : i32
    %dma_wait3A_47 = tpu.memref_slice %arg3[%add3A_41, %dma_wait3A_46] : memref<16384x2048xf32, #tpu.memory_space<hbm>> -> memref<8x2048xf32, #tpu.memory_space<hbm>>
    %dma_wait3A_48 = tpu.memref_slice %arg7[%rem3A_39] : memref<2x!tpu.dma_semaphore, #tpu.memory_space<semaphore_mem>> -> memref<1x!tpu.dma_semaphore, #tpu.memory_space<semaphore_mem>>
    %dma_wait3A_49 = tpu.memref_squeeze %dma_wait3A_48 : memref<1x!tpu.dma_semaphore, #tpu.memory_space<semaphore_mem>> -> memref<!tpu.dma_semaphore, #tpu.memory_space<semaphore_mem>>
    %dma_wait3A_50 = arith.constant 0 : i32
    %dma_wait3A_51 = tpu.memref_slice %arg3[%add3A_41, %dma_wait3A_50] : memref<16384x2048xf32, #tpu.memory_space<hbm>> -> memref<8x2048xf32, #tpu.memory_space<hbm>>
    %dma_wait3A_52 = arith.constant 0 : i32
    %dma_wait3A_53 = tpu.memref_slice %arg5[%mul3A_43, %dma_wait3A_52] : memref<16x2048xf32, #tpu.memory_space<vmem>> -> memref<8x2048xf32, #tpu.memory_space<vmem>>
    tpu.wait_dma2 semaphore(%dma_wait3A_49 : memref<!tpu.dma_semaphore, #tpu.memory_space<semaphore_mem>>) src(%dma_wait3A_53 : memref<8x2048xf32, #tpu.memory_space<vmem>>) dst(%dma_wait3A_51 : memref<8x2048xf32, #tpu.memory_space<hbm>>)
    return
  }
}

</mosaic_0001>

<sc_bundles>
// kernel: kernel.3.cloned.1.call-start
scs
__scs_entry_jumppad:
0x0: {  	(pc) =	sbr.rel $0x88, $3  }
0x1: {  	(tag) =	ssettag $0x0;
	lr =	simm.s32 $0x1  }
0x2: {  	[smem:$0x3FA0] =	sst lr;
	_ =	strace $0xD0000000  }
0x3: {  	_ = 	snop  }
0x4: {  	_ = 	snop  }
0x5: {  	_ = 	snop  }
0x6: {  	_ = 	snop  }
0x7: {  	_ = 	snop  }
__scs_overlays_trampoline_lowered:
0x8: {  	[smem:$0x3FAF] =	sst s0  }
0x9: {  	[smem:$0x3FB0] =	sst s1  }
0xa: {  	[smem:$0x3FB1] =	sst s2  }
0xb: {  	[smem:$0x3FB2] =	sst s3  }
0xc: {  	[smem:$0x3FB3] =	sst s4  }
0xd: {  	[smem:$0x3FB4] =	sst s5  }
0xe: {  	[smem:$0x3FB5] =	sst s6  }
0xf: {  	[smem:$0x3FB6] =	sst s7  }
0x10: {  	[smem:$0x3FB7] =	sst s8  }
0x11: {  	[smem:$0x3FB8] =	sst s9;
	s0 =	simm.s32 @!p0 $0x0  }
0x12: {  	s1 =	sld [smem:$0x3F9E];
	s0 =	simm.s32 @p0 $0x1  }
0x13: {  	[smem:$0x3FB9] =	sst s0;
	s0 =	simm.s32 @!p1 $0x0  }
0x14: {  	s2 =	sld [smem:$0x3F9D];
	s0 =	simm.s32 @p1 $0x1  }
0x15: {  	[smem:$0x3FBA] =	sst s0;
	s0 =	simm.s32 @!p2 $0x0  }
0x16: {  	s3 =	sld [smem:$0x3FDB];
	s0 =	simm.s32 @p2 $0x1  }
0x17: {  	s4 =	simm.s32 $0x1BF5;
	[smem:$0x3FBC] =	sst s0  }
0x18: {  	s0 =	sld [smem:$0x3F9F];
	_ =	swait.ge [sflag:s4], $0x0  }
0x19: {  	s7 =	sld [smem:$0x3FA0]  }
0x1a: {  	s8 =	sadd.s32 $0xFFFFE003, lr  }
0x1b: {  	s9 =	sadd.s32 $0xFFFFFEF7, lr;
	s5 =	simm.s32 $0xFFFFFFFF;
	p2 =	slt.u32 s8, $0xFFFFF086  }
0x1c: {  	p1 =	slt.u32 s9, $0xF7A;
	s5 =	simm.s32 @!p2 $0x0  }
0x1d: {  	s5 =	simm.s32 @p1 $0x1;
	p0 =	seq.s32 s7, s2  }
0x1e: {  	s7 =	smul.u32 @!p0 $0xF7A, s2;
	p2 =	seq.s32 @!p0 s5, $0x0  }
0x1f: {  	s9 =	smul.u32 $0xF7A, s1;
	s8 =	simm.s32 @!p0 $0x1BF5;
	p2 =	por !p2, p0  }
0x20: {  	[sflag:s8] =	ssyncset.s32 @!p0 $0xFFFFF086;
	s6 =	sadd.s32 @!p0 s3, s7;
	s7 =	simm.s32 @!p0 $0x108  }
0x21: {  	s3 =	sadd.s32 s3, s9;
	s6 =	sadd.s32 @!p0 $0x88, s6;
	s7 =	simm.s32 @p2 $0x1082  }
0x22: {  	[simem:s7], [sflag:s8] =	dma.local @!p0 [hbm:s6], $0xF7A  }
0x23: {  	s9 =	sor.u32 $0xD0000000, s2;
	s6 =	simm.s32 $0x108;
	_ =	swait.ge @!p0 [sflag:s8], $0x0  }
0x24: {  	s3 =	sadd.s32 $0x88, s3;
	s6 =	simm.s32 @!p1 $0x1082;
	[sflag:s4] =	ssyncset.s32 $0xFFFFF086  }
0x25: {  	[simem:s6], [sflag:s4] =	dma.local [hbm:s3], $0xF7A  }
0x26: {  	[smem:$0x3FA0] =	sst s1;
	(tag) =	ssettag s2;
	_ =	strace s9  }
0x27: {  	s1 =	sld [smem:$0x3FB0]  }
0x28: {  	s2 =	sld [smem:$0x3FB1]  }
0x29: {  	s4 =	sld [smem:$0x3FB3]  }
0x2a: {  	p0 =	seq.s32 s5, $0x0;
	s5 =	sld [smem:$0x3FB4]  }
0x2b: {  	s6 =	sld [smem:$0x3FB5]  }
0x2c: {  	s7 =	sld [smem:$0x3FB6]  }
0x2d: {  	s3 =	simm.s32 $0x108;
	s8 =	sld [smem:$0x3FB7]  }
0x2e: {  	s3 =	simm.s32 @!p0 $0x1082;
	s9 =	sld [smem:$0x3FB8]  }
0x2f: {  	lr =	sadd.s32 s0, s3;
	s0 =	sld [smem:$0x3FAF]  }
0x30: {  	s3 =	sld [smem:$0x3FB2]  }
0x31: {  	[smem:$0x3FBB] =	sst s10  }
0x32: {  	s10 =	sld [smem:$0x3FB9];
	_ =	sdelay $0x3  }
0x33: {  	p0 =	seq.s32 s10, $0x1;
	s10 =	sld [smem:$0x3FBB];
	_ =	sdelay $0x3  }
0x34: {  	[smem:$0x3FBB] =	sst s10  }
0x35: {  	s10 =	sld [smem:$0x3FBA];
	_ =	sdelay $0x3  }
0x36: {  	p1 =	seq.s32 s10, $0x1;
	s10 =	sld [smem:$0x3FBB];
	_ =	sdelay $0x3  }
0x37: {  	[smem:$0x3FBB] =	sst s10  }
0x38: {  	s10 =	sld [smem:$0x3FBC]  }
0x39: {  	_ = 	snop;
	(pc) =	sbr.ind lr, $3  }
0x3a: {  	_ = 	snop  }
0x3b: {  	_ = 	snop  }
0x3c: {  	p2 =	seq.s32 s10, $0x1;
	s10 =	sld [smem:$0x3FBB]  }
0x3d: {  	_ =	shalt  }
0x3e: {  	_ =	shalt  }
0x3f: {  	_ =	shalt  }
0x40: {  	_ =	shalt  }
0x41: {  	_ =	shalt  }
0x42: {  	_ =	shalt  }
0x43: {  	_ =	shalt  }
0x44: {  	_ =	shalt  }
0x45: {  	_ =	shalt  }
0x46: {  	_ =	shalt  }
0x47: {  	_ =	shalt  }
0x48: {  	_ =	shalt  }
0x49: {  	_ =	shalt  }
0x4a: {  	_ =	shalt  }
0x4b: {  	_ =	shalt  }
0x4c: {  	_ =	shalt  }
0x4d: {  	_ =	shalt  }
0x4e: {  	_ =	shalt  }
0x4f: {  	_ =	shalt  }
0x50: {  	_ =	shalt  }
0x51: {  	_ =	shalt  }
0x52: {  	_ =	shalt  }
0x53: {  	_ =	shalt  }
0x54: {  	_ =	shalt  }
0x55: {  	_ =	shalt  }
0x56: {  	_ =	shalt  }
0x57: {  	_ =	shalt  }
0x58: {  	_ =	shalt  }
0x59: {  	_ =	shalt  }
0x5a: {  	_ =	shalt  }
0x5b: {  	_ =	shalt  }
0x5c: {  	_ =	shalt  }
0x5d: {  	_ =	shalt  }
0x5e: {  	_ =	shalt  }
0x5f: {  	_ =	shalt  }
0x60: {  	_ =	shalt  }
0x61: {  	_ =	shalt  }
0x62: {  	_ =	shalt  }
0x63: {  	_ =	shalt  }
0x64: {  	_ =	shalt  }
0x65: {  	_ =	shalt  }
0x66: {  	_ =	shalt  }
0x67: {  	_ =	shalt  }
0x68: {  	_ =	shalt  }
0x69: {  	_ =	shalt  }
0x6a: {  	_ =	shalt  }
0x6b: {  	_ =	shalt  }
0x6c: {  	_ =	shalt  }
0x6d: {  	_ =	shalt  }
0x6e: {  	_ =	shalt  }
0x6f: {  	_ =	shalt  }
0x70: {  	_ =	shalt  }
0x71: {  	_ =	shalt  }
0x72: {  	_ =	shalt  }
0x73: {  	_ =	shalt  }
0x74: {  	_ =	shalt  }
0x75: {  	_ =	shalt  }
0x76: {  	_ =	shalt  }
0x77: {  	_ =	shalt  }
0x78: {  	_ =	shalt  }
0x79: {  	_ =	shalt  }
0x7a: {  	_ =	shalt  }
0x7b: {  	_ =	shalt  }
0x7c: {  	_ =	shalt  }
0x7d: {  	_ =	shalt  }
0x7e: {  	_ =	shalt  }
0x7f: {  	_ =	shalt  }
0x80: {  	_ =	shalt  }
0x81: {  	_ =	shalt  }
0x82: {  	_ =	shalt  }
0x83: {  	_ =	shalt  }
0x84: {  	_ =	shalt  }
0x85: {  	_ =	shalt  }
0x86: {  	_ =	shalt  }
0x87: {  	_ =	shalt  }
.Lfunc_end0:
.L_simem_size_0:
called_computation_lowered:
.L_overlay_start_0:
0x88: {  	s2 =	sld [smem:$0x3FD9]  }
0x89: {  	s3 =	sld [smem:$0x3FFE];
	_ =	sdelay $0x1  }
0x8a: {  	s1 =	srdreg.scid  }
0x8b: {  	s0 =	sand.u32 $0x1, s1  }
0x8c: {  	s18 =	sshll.u32 s0, $0xA;
	s2 =	sadd.s32 s3, s2  }
0x8d: {  	s2 =	sadd.s32 s2, s18  }
0x8e: {  	[smem:$0x3FC7] =	sst s2  }
0x8f: {  	_ = 	snop  }
0x90: {  	s2 =	sld [smem:$0x3FC9]  }
0x91: {  	s19 =	sld [smem:$0x3FD0];
	(tm) =	ssettm $0x1  }
0x92: {  	s4 =	sld [smem:$0x3FFB];
	_ =	sdelay $0x3  }
0x93: {  	_ =	strace s4  }
0x94: {  	s4 =	sld [smem:$0x3FFC];
	_ =	sdelay $0x3  }
0x95: {  	_ =	strace s4  }
0x96: {  	s4 =	sld [smem:$0x3FFD];
	_ =	sdelay $0x3  }
0x97: {  	_ =	strace s4  }
0x98: {  	_ =	strace $0x8FFFFFFF  }
0x99: {  	s20 =	sld [smem:$0x3FDB];
	_ =	sdelay $0x1  }
0x9a: {  	s5 =	simm.s32 $_scs_section_size  }
0x9b: {  	s6 =	simm.s32 $_size__tile_overlayer_lowered;
	s7 =	simm.s32 $_tile_overlayer_lowered  }
0x9c: {  	s23 =	simm.s32 $0x1BFF;
	s22 =	sshll.u32 s7, $0x1;
	s4 =	sadd.s32 s5, s20  }
0x9d: {  	s8 =	simm.s32 $0x0;
	s21 =	sshll.u32 s6, $0x1;
	s6 =	sadd.s32 s22, s4  }
0x9e: {  	[timem:s8], [sflag:s23] =	dma.local [hbm:s6], s21  }
0x9f: {  	_ =	swait.ge [sflag:s23], s21  }
0xa0: {  	s5 =	ssub.s32 $0x0, s21;
	[sflag:s23] =	ssyncset.done $0x0  }
0xa1: {  	[sflag:s23] =	ssyncadd.s32 s5;
	_ =	sdelay $0x1  }
0xa2: {  	s24 =	simm.s32 $0x1B8B  }
0xa3: {  	_ =	swait.ge [sflag:s24], $0x1  }
0xa4: {  	[sflag:s24] =	ssyncset.done $0x0  }
0xa5: {  	s25 =	simm.s32 $0x1B8E;
	[sflag:s24] =	ssyncadd.s32 $0xFFFFFFFF  }
0xa6: {  	s26 =	simm.s32 $execute0_lowered;
	[smem:$0x3FD2] =	sst s25  }
0xa7: {  	s5 =	sshll.u32 s26, $0x1;
	_ =	strace $0x80000046;
	[dreg:$0x1] =	wrdreg $0xFFFFFFFF  }
0xa8: {  	s28 =	simm.s32 $_size_execute0_lowered;
	s4 =	sadd.s32 s4, s5;
	[dreg:$0x0] =	wrdreg $0x0  }
0xa9: {  	s5 =	sshll.u32 s28, $0x1;
	[dreg:$0x2] =	wrdreg s4  }
0xaa: {  	[dreg:$0x3] =	wrdreg s5  }
0xab: {  	[dreg:$0x4] =	wrdreg $0xC0  }
0xac: {  	_ =	task [dreg:s8], $0x5FFFF  }
0xad: {  	[dreg:$0x1] =	wrdreg $0xFFFFFFFF  }
0xae: {  	[dreg:$0x0] =	wrdreg $0x60  }
0xaf: {  	[dreg:$0x2] =	wrdreg s2  }
0xb0: {  	[dreg:$0x3] =	wrdreg s19  }
0xb1: {  	[dreg:$0x4] =	wrdreg $0x9  }
0xb2: {  	_ =	task.clear_ibuf [dreg:s8], $0x5FFFF;
	_ =	strace $0x90000046  }
0xb3: {  	s29 =	simm.s32 $0x9;
	_ =	strace $0x80000048  }
0xb4: {  	_ =	swait.ge [sflag:s29], $0x1  }
0xb5: {  	[sflag:s29] =	ssyncadd.s32 $0xFFFFFFFF  }
0xb6: {  	_ =	strace $0x90000048  }
0xb7: {  	_ =	sfence  }
0xb8: {  	s30 =	sld [smem:$0x0];
	_ =	sdelay $0x2  }
0xb9: {  	s31 =	sshll.u32 s1, $0xD;
	s1 =	sshrl.u32 s1, $0x2  }
0xba: {  	s3 =	sand.u32 $0x4000, s31;
	s1 =	sadd.s32 s1, s30  }
0xbb: {  	s0 =	sor.u32 s3, s0;
	s1 =	sshll.u32 s1, $0x11  }
0xbc: {  	s0 =	sor.u32 s1, s0  }
0xbd: {  	s0 =	sadd.s32 $0x8F2B, s0  }
0xbe: {  	[sflag:s0] =	ssyncadd.remote.s32 $0x1  }
0xbf: {  	_ =	sfence.sel $0xFFFF  }
0xc0: {  	[dreg:$0x0] =	wrdreg $0xFFFFFFFF;
	(pc) =	sbr.abs _section_cstart, $3  }
0xc1: {  	[dreg:$0x1] =	wrdreg $0xFFFFFFFF  }
0xc2: {  	_ =	task.clear_ibuf [dreg:s8], $0x2FFFF;
	_ =	strace $0x9FFFFFFF  }
0xc3: {  	(tm) =	ssettm $0x7FFFFFFF  }
tec
execute0_lowered:
.L_overlay_start_1:
0x0: {  	(tag) =	ssettag $0x1  }
0x1: {  	s1 =	rddreg [dreg:$0x0]  }
0x2: {  	s3 =	rddreg [dreg:$0x1]  }
0x3: {  	s0 =	rddreg [dreg:$0x2];
	s5 =	srdreg.scid  }
0x4: {  	s4 =	simm.s32 $0x0;
	s2 =	stileid.u32;
	s9 =	simm.s32 $0x4  }
0x5: {  	s10 =	simm.s32 $0x0;
	s5 =	sand.u32 $0x1, s5;
	s7 =	sshll.u32 s2, $0xA  }
0x6: {  	v0 =	vlaneseq.u32;
	[smem:$0x7FF] =	sst s4;
	s6 =	ssub.s32 $0x2, s5;
	s5 =	sshll.u32 s5, $0x9  }
0x7: {  	v1 =	vor.u32 $0x10, v0;
	v2 =	vor.u32 $0x20, v0;
	v8 =	vmul.u32 $0xFFFFFFFF, v0;
	_ =	strace $0x80000047;
	s8 =	sshrl.u32 s6, $0x1;
	s7 =	sor.u32 s5, s7  }
0x8: {  	v3 =	vor.u32 $0x30, v0;
	v4 =	vor.u32 $0x40, v0;
	v5 =	vor.u32 $0x50, v0;
	s8 =	ssub.s32 s6, s8;
	s5 =	sshll.u32 s7, $0x8;
	s6 =	sshrl.u32 s7, $0x3  }
0x9: {  	v6 =	vor.u32 $0x60, v0;
	v7 =	vor.u32 $0x70, v0;
	v8 =	vadd.s32 $0xF, v8;
	s5 =	sadd.s32 s1, s5;
	s7 =	smax.u32 s8, $0x1;
	s8 =	simm.s32 $0x3  }
.LBB2_1:
0xa: {  	[tilespmem:s4], [sflag:$0x1] =	stream.linear.gather [hbm4b:s5+s4], $0x4000, $0x38;
	[tilespmem:$0x10000] =	vst v63  }
0xb: {  	s12 =	simm.s32 $0x0  }
.LBB2_2:
0xc: {  	s13 =	sand.u32 $0x1, s12;
	s11 =	sadd.s32 $0x1, s12;
	p0 =	seq.s32 s12, $0x3F  }
0xd: {  	s14 =	sadd.s32 @!p0 s6, s11;
	s15 =	sxor.u32 @!p0 $0x1, s13  }
0xe: {  	s17 =	simm.s32 @!p0 $0x0;
	s31 =	sadd.s32 $0x1, s13;
	s14 =	sshll.u32 @!p0 s14, $0xB  }
0xf: {  	s16 =	sadd.s32 @!p0 $0x1, s15;
	s15 =	sshll.u32 @!p0 s15, $0xE;
	s14 =	sadd.s32 @!p0 s1, s14  }
0x10: {  	[tilespmem:s15], [sflag:s16] =	stream.linear.gather @!p0 [hbm4b:s14+s17], $0x4000, $0x38;
	[tilespmem:$0x10000] =	vst v63  }
0x11: {  	_ =	swait.ge [sflag:s31], $0x4000  }
0x12: {  	p0 =	slt.u32 s12, $0x2;
	[sflag:s31] =	ssyncset.done $0x0  }
0x13: {  	s15 =	sadd.s32 @!p0 $0x3, s13;
	[sflag:s31] =	ssyncadd.s32 $0xFFFFC000  }
0x14: {  	_ =	swait.ge @!p0 [sflag:s15], $0x4000  }
0x15: {  	[sflag:s15] =	ssyncset.done @!p0 $0x0  }
0x16: {  	s14 =	sshll.u32 s13, $0x3;
	[sflag:s15] =	ssyncadd.s32 @!p0 $0xFFFFC000;
	s15 =	simm.s32 $0x0  }
.LBB2_3:
0x17: {  	s19 =	sor.u32 s14, s15  }
0x18: {  	s16 =	sshll.u32 s19, $0xB  }
0x19: {  	s17 =	sshll.u32 s15, $0x7;
	s18 =	sand.u32 $0x4000, s16  }
0x1a: {  	s18 =	sor.u32 s17, s18  }
0x1b: {  	v9 =	vld [tilespmem:s18+$0x0]  }
0x1c: {  	v11 =	vld [tilespmem:s18+$0x10]  }
0x1d: {  	v13 =	vld [tilespmem:s18+$0x20]  }
0x1e: {  	s20 =	sor.u32 $0x2000, s18;
	v15 =	vld [tilespmem:s18+$0x30]  }
0x1f: {  	s31 =	sor.u32 $0x2010, s18;
	v10 =	vld [tilespmem:s20+$0x0]  }
0x20: {  	s21 =	sor.u32 $0x2020, s18;
	v12 =	vld [tilespmem:s31+$0x0]  }
0x21: {  	s22 =	sor.u32 $0x2030, s18;
	v14 =	vld [tilespmem:s21+$0x0]  }
0x22: {  	v16 =	vld [tilespmem:s22+$0x0];
	_ =	sdelay $0x1  }
0x23: {  	v17 =	vld [tilespmem:s18+$0x40];
	v9 =	vmul.f32 v9, v9;
	v10 =	vmul.f32 v10, v10  }
0x24: {  	v56 =	vld [tilespmem:s18+$0x50];
	v11 =	vmul.f32 v11, v11;
	v12 =	vmul.f32 v12, v12  }
0x25: {  	v57 =	vld [tilespmem:s18+$0x60];
	v54 =	vmul.f32 v13, v13;
	v55 =	vmul.f32 v14, v14;
	v9 =	vadd.f32 v10, v9  }
0x26: {  	s23 =	sor.u32 $0x2040, s18;
	v59 =	vld [tilespmem:s18+$0x70];
	v15 =	vmul.f32 v15, v15;
	v16 =	vmul.f32 v16, v16;
	v11 =	vadd.f32 v12, v11  }
0x27: {  	s24 =	sor.u32 $0x2050, s18;
	v10 =	vld [tilespmem:s23+$0x0];
	(xrf1) =	vsort.dscd.msk.f32 $0xffff, v9, v0;
	v9 =	vadd.f32 v55, v54  }
0x28: {  	s25 =	sor.u32 $0x2060, s18;
	v18 =	vld [tilespmem:s24+$0x0];
	(xrf1) =	vsort.dscd.msk.f32 $0xffff, v11, v1;
	v11 =	vadd.f32 v16, v15  }
0x29: {  	s26 =	sor.u32 $0x2070, s18;
	v58 =	vld [tilespmem:s25+$0x0];
	(xrf1) =	vsort.dscd.msk.f32 $0xffff, v9, v2  }
0x2a: {  	v9 =	vld [tilespmem:s26+$0x0];
	(xrf1) =	vsort.dscd.msk.f32 $0xffff, v11, v3;
	_ =	sdelay $0x1  }
0x2b: {  	v11 =	vmul.f32 v17, v17;
	v10 =	vmul.f32 v10, v10  }
0x2c: {  	v14 =	vmul.f32 v56, v56;
	v60 =	vmul.f32 v18, v18  }
0x2d: {  	v13 =	vmul.f32 v58, v58;
	v12 =	vmul.f32 v57, v57;
	v10 =	vadd.f32 v10, v11  }
0x2e: {  	v61 =	vmul.f32 v59, v59;
	v9 =	vmul.f32 v9, v9  }
0x2f: {  	v11 =	vadd.f32 v60, v14;
	(xrf1) =	vsort.dscd.msk.f32 $0xffff, v10, v4;
	v10 =	vadd.f32 v13, v12  }
0x30: {  	v9 =	vadd.f32 v9, v61  }
0x31: {  	(xrf1) =	vsort.dscd.msk.f32 $0xffff, v11, v5  }
0x32: {  	(xrf1) =	vsort.dscd.msk.f32 $0xffff, v10, v6  }
0x33: {  	(xrf1) =	vsort.dscd.msk.f32 $0xffff, v9, v7  }
0x34: {  	v9, v10, _ =	vpop (xrf1)  }
0x35: {  	v11, v62, _ =	vpop (xrf1)  }
0x36: {  	v11 =	vperm.xlane v11, v8;
	v63, v20, _ =	vpop (xrf1)  }
0x37: {  	v12 =	vperm.xlane v62, v8;
	v22, v21, _ =	vpop (xrf1)  }
0x38: {  	vm0 =	vge.f32 v9, v11;
	v15 =	vperm.xlane v22, v8;
	v16 =	vperm.xlane v21, v8  }
0x39: {  	v23 =	vsel vm0, v9, v11;
	v9 =	vsel vm0, v11, v9;
	v11 =	vsel vm0, v10, v12  }
0x3a: {  	v10 =	vsel vm0, v12, v10;
	(xrf1) =	vsort.dscd.msk.f32 $0xffff, v23, v11;
	vm15 =	vge.f32 v63, v15  }
0x3b: {  	(xrf1) =	vsort.dscd.msk.f32 $0xffff, v9, v10;
	v10 =	vsel vm15, v20, v16  }
0x3c: {  	v9 =	vsel vm15, v63, v15;
	v14 =	vsel vm15, v16, v20  }
0x3d: {  	v13 =	vsel vm15, v15, v63;
	(xrf1) =	vsort.dscd.msk.f32 $0xffff, v9, v10  }
0x3e: {  	v11, v24, _ =	vpop (xrf1);
	(xrf1) =	vsort.dscd.msk.f32 $0xffff, v13, v14  }
0x3f: {  	v9, v10, _ =	vpop (xrf1)  }
0x40: {  	v9 =	vperm.xlane v9, v8;
	v13, v14, _ =	vpop (xrf1)  }
0x41: {  	v10 =	vperm.xlane v10, v8;
	v25, v26, _ =	vpop (xrf1)  }
0x42: {  	vm4 =	vge.f32 v11, v9;
	v15 =	vperm.xlane v25, v8;
	v16 =	vperm.xlane v26, v8  }
0x43: {  	v27 =	vsel vm4, v11, v9;
	v9 =	vsel vm4, v9, v11;
	v11 =	vsel vm4, v24, v10  }
0x44: {  	v10 =	vsel vm4, v10, v24;
	(xrf1) =	vsort.dscd.msk.f32 $0xffff, v27, v11;
	vm5 =	vge.f32 v13, v15  }
0x45: {  	(xrf1) =	vsort.dscd.msk.f32 $0xffff, v9, v10;
	v9 =	vsel vm5, v13, v15;
	v10 =	vsel vm5, v14, v16  }
0x46: {  	v11 =	vsel vm5, v15, v13;
	v28 =	vsel vm5, v16, v14;
	(xrf1) =	vsort.dscd.msk.f32 $0xffff, v9, v10  }
0x47: {  	(xrf1) =	vsort.dscd.msk.f32 $0xffff, v11, v28;
	_ =	sdelay $0x1  }
0x48: {  	v9, v10, _ =	vpop (xrf1)  }
0x49: {  	v11, v12, _ =	vpop (xrf1)  }
0x4a: {  	v29, v30, _ =	vpop (xrf1)  }
0x4b: {  	v31, v32, _ =	vpop (xrf1);
	v13 =	vperm.xlane v29, v8  }
0x4c: {  	v14 =	vperm.xlane v30, v8;
	v15 =	vperm.xlane v31, v8  }
0x4d: {  	v16 =	vperm.xlane v32, v8;
	vm1 =	vge.f32 v11, v13  }
0x4e: {  	vm6 =	vge.f32 v9, v15;
	v35 =	vsel vm1, v11, v13;
	v36 =	vsel vm1, v12, v14  }
0x4f: {  	v11 =	vsel vm1, v13, v11;
	v12 =	vsel vm1, v14, v12;
	v33 =	vsel vm6, v9, v15  }
0x50: {  	v9 =	vsel vm6, v15, v9;
	v34 =	vsel vm6, v10, v16;
	vm7 =	vge.f32 v33, v35  }
0x51: {  	v10 =	vsel vm6, v16, v10;
	vm8 =	vge.f32 v9, v11;
	v19, v20, _ =	vpop (xrf1);
	v37 =	vsel vm7, v33, v35  }
0x52: {  	v23 =	vsel vm7, v34, v36;
	v17 =	vsel vm7, v35, v33;
	v15 =	vsel vm7, v36, v34;
	v21, v22, _ =	vpop (xrf1)  }
0x53: {  	v40 =	vsel vm8, v9, v11;
	v41 =	vsel vm8, v10, v12;
	(xrf1) =	vsort.dscd.msk.f32 $0xffff, v37, v23;
	v24, v25, _ =	vpop (xrf1)  }
0x54: {  	v9 =	vsel vm8, v11, v9;
	v10 =	vsel vm8, v12, v10;
	(xrf1) =	vsort.dscd.msk.f32 $0xffff, v17, v15;
	v39, v38, _ =	vpop (xrf1)  }
0x55: {  	(xrf1) =	vsort.dscd.msk.f32 $0xffff, v40, v41;
	v11 =	vperm.xlane v24, v8;
	v13 =	vperm.xlane v39, v8  }
0x56: {  	(xrf1) =	vsort.dscd.msk.f32 $0xffff, v9, v10;
	v9 =	vperm.xlane v25, v8  }
0x57: {  	v42 =	vperm.xlane v38, v8;
	vm10 =	vge.f32 v21, v11;
	vm9 =	vge.f32 v19, v13  }
0x58: {  	v44 =	vsel vm10, v21, v11;
	v11 =	vsel vm10, v11, v21;
	v45 =	vsel vm10, v22, v9  }
0x59: {  	v9 =	vsel vm10, v9, v22;
	v10 =	vsel vm9, v19, v13;
	v13 =	vsel vm9, v13, v19  }
0x5a: {  	v43 =	vsel vm9, v20, v42;
	v12 =	vsel vm9, v42, v20;
	vm11 =	vge.f32 v10, v44  }
0x5b: {  	vm12 =	vge.f32 v13, v11;
	v46 =	vsel vm11, v10, v44;
	v47 =	vsel vm11, v43, v45  }
0x5c: {  	v10 =	vsel vm11, v44, v10;
	v14 =	vsel vm11, v45, v43;
	(xrf1) =	vsort.dscd.msk.f32 $0xffff, v46, v47  }
0x5d: {  	v48 =	vsel vm12, v12, v9;
	(xrf1) =	vsort.dscd.msk.f32 $0xffff, v10, v14;
	v10 =	vsel vm12, v13, v11  }
0x5e: {  	v9 =	vsel vm12, v9, v12;
	v11 =	vsel vm12, v11, v13;
	(xrf1) =	vsort.dscd.msk.f32 $0xffff, v10, v48  }
0x5f: {  	(xrf1) =	vsort.dscd.msk.f32 $0xffff, v11, v9;
	_ =	sdelay $0x6  }
0x60: {  	v9, v10, _ =	vpop (xrf1)  }
0x61: {  	v11, v49, _ =	vpop (xrf1)  }
0x62: {  	v50, v51, _ =	vpop (xrf1)  }
0x63: {  	v53, v52, _ =	vpop (xrf1)  }
0x64: {  	v17, v54, _ =	vpop (xrf1)  }
0x65: {  	v55, v56, _ =	vpop (xrf1);
	v17 =	vperm.xlane v17, v8;
	v18 =	vperm.xlane v54, v8  }
0x66: {  	v57, v58, _ =	vpop (xrf1);
	v19 =	vperm.xlane v55, v8;
	v20 =	vperm.xlane v56, v8  }
0x67: {  	v59, v60, _ =	vpop (xrf1);
	v21 =	vperm.xlane v57, v8;
	v22 =	vperm.xlane v58, v8  }
0x68: {  	vm14 =	vge.f32 v53, v17;
	v23 =	vperm.xlane v59, v8;
	v24 =	vperm.xlane v60, v8  }
0x69: {  	vm3 =	vge.f32 v50, v19;
	v30 =	vsel vm14, v53, v17;
	v32 =	vsel vm14, v52, v18  }
0x6a: {  	vm2 =	vge.f32 v11, v21;
	v29 =	vsel vm3, v50, v19;
	vm13 =	vge.f32 v9, v23  }
0x6b: {  	v31 =	vsel vm3, v51, v20;
	v27 =	vsel vm2, v11, v21;
	v61 =	vsel vm13, v9, v23  }
0x6c: {  	v28 =	vsel vm2, v49, v22;
	vm5 =	vge.f32 v27, v30;
	vm4 =	vge.f32 v61, v29  }
0x6d: {  	v26 =	vsel vm13, v10, v24;
	v34 =	vsel vm5, v27, v30;
	v33 =	vsel vm4, v61, v29  }
0x6e: {  	v36 =	vsel vm5, v28, v32;
	v35 =	vsel vm4, v26, v31;
	vm6 =	vge.f32 v33, v34  }
0x6f: {  	v37 =	vsel vm6, v33, v34;
	v38 =	vsel vm6, v35, v36  }
0x70: {  	(xrf1) =	vsort.dscd.msk.f32 $0xffff, v37, v38;
	_ =	sdelay $0x4  }
0x71: {  	v33 =	vsel vm6, v34, v33;
	v62 =	vsel vm6, v36, v35  }
0x72: {  	(xrf1) =	vsort.dscd.msk.f32 $0xffff, v33, v62;
	_ =	sdelay $0x2  }
0x73: {  	v27 =	vsel vm5, v30, v27;
	v25 =	vsel vm4, v29, v61  }
0x74: {  	v28 =	vsel vm5, v32, v28;
	v26 =	vsel vm4, v31, v26;
	vm15 =	vge.f32 v25, v27  }
0x75: {  	v29 =	vsel vm15, v25, v27;
	v63 =	vsel vm15, v26, v28  }
0x76: {  	v15 =	vsel vm14, v17, v53;
	(xrf1) =	vsort.dscd.msk.f32 $0xffff, v29, v63  }
0x77: {  	v16 =	vsel vm14, v18, v52;
	v13 =	vsel vm3, v19, v50;
	v14 =	vsel vm3, v20, v51  }
0x78: {  	v12 =	vsel vm2, v22, v49;
	v9 =	vsel vm13, v23, v9;
	v33 =	vmov s19;
	_, v32, _ =	vpop (xrf1)  }
0x79: {  	v34 =	vsel vm15, v27, v25;
	v35 =	vshll.u32 v33, $0xB;
	v36 =	vshll.u32 v32, $0x3  }
0x7a: {  	v37 =	vsel vm15, v28, v26;
	v22 =	vand.u32 $0x4000, v35;
	v23 =	vand.u32 $0xFFFFFC00, v36  }
0x7b: {  	v20 =	vshll.u32 v33, $0x7;
	v19 =	vand.u32 $0x7F, v32;
	v23 =	vadd.s32 v22, v23  }
0x7c: {  	v11 =	vsel vm2, v21, v11;
	(xrf1) =	vsort.dscd.msk.f32 $0xffff, v34, v37;
	v17 =	vand.u32 $0x300, v20;
	v38 =	vor.u32 v19, v23  }
0x7d: {  	vm9 =	vge.f32 v11, v15;
	vm8 =	vge.f32 v9, v13;
	v20 =	vor.u32 v17, v38  }
0x7e: {  	v10 =	vsel vm13, v24, v10;
	v41 =	vsel vm9, v11, v15;
	v40 =	vsel vm8, v9, v13;
	_, v39, _ =	vpop (xrf1)  }
0x7f: {  	v44 =	vsel vm9, v12, v16;
	vm10 =	vge.f32 v40, v41;
	v43 =	vshll.u32 v39, $0x3  }
0x80: {  	v42 =	vsel vm8, v10, v14;
	v45 =	vsel vm10, v40, v41;
	v26 =	vand.u32 $0xFFFFFC00, v43  }
0x81: {  	v46 =	vsel vm10, v42, v44;
	v18 =	vand.u32 $0x7F, v39;
	v26 =	vadd.s32 v22, v26  }
0x82: {  	(xrf1) =	vsort.dscd.msk.f32 $0xffff, v45, v46;
	v47 =	vor.u32 v18, v26;
	v20 =	vld.idx.msk [tilespmem:v20+s4+$0x0], $0xffff  }
0x83: {  	v28 =	vor.u32 v17, v47  }
0x84: {  	_, v48, _ =	vpop (xrf1)  }
0x85: {  	v49 =	vshll.u32 v48, $0x3  }
0x86: {  	v21 =	vsel vm10, v41, v40;
	v50 =	vand.u32 $0xFFFFFC00, v49  }
0x87: {  	v25 =	vsel vm10, v44, v42;
	v51 =	vand.u32 $0x7F, v48;
	v24 =	vadd.s32 v22, v50;
	[tilespmem:s18+$0x8000] =	vst v20  }
0x88: {  	(xrf1) =	vsort.dscd.msk.f32 $0xffff, v21, v25;
	v53 =	vor.u32 v51, v24;
	v52 =	vld.idx.msk [tilespmem:v28+s4+$0x0], $0xffff  }
0x89: {  	v25 =	vor.u32 v17, v53  }
0x8a: {  	v11 =	vsel vm9, v15, v11;
	v9 =	vsel vm8, v13, v9;
	_, v54, _ =	vpop (xrf1)  }
0x8b: {  	v12 =	vsel vm9, v16, v12;
	vm11 =	vge.f32 v9, v11;
	v55 =	vshll.u32 v54, $0x3  }
0x8c: {  	v10 =	vsel vm8, v14, v10;
	v56 =	vsel vm11, v9, v11;
	v13 =	vand.u32 $0xFFFFFC00, v55  }
0x8d: {  	v57 =	vsel vm11, v10, v12;
	v58 =	vand.u32 $0x7F, v54;
	v13 =	vadd.s32 v22, v13;
	[tilespmem:s18+$0x8010] =	vst v52  }
0x8e: {  	(xrf1) =	vsort.dscd.msk.f32 $0xffff, v56, v57;
	v60 =	vor.u32 v58, v13;
	v59 =	vld.idx.msk [tilespmem:v25+s4+$0x0], $0xffff  }
0x8f: {  	v15 =	vor.u32 v17, v60  }
0x90: {  	_, v61, _ =	vpop (xrf1)  }
0x91: {  	v62 =	vshll.u32 v61, $0x3  }
0x92: {  	v9 =	vsel vm11, v11, v9;
	v11 =	vand.u32 $0xFFFFFC00, v62  }
0x93: {  	v10 =	vsel vm11, v12, v10;
	v63 =	vand.u32 $0x7F, v61;
	v11 =	vadd.s32 v22, v11;
	[tilespmem:s18+$0x8020] =	vst v59  }
0x94: {  	(xrf1) =	vsort.dscd.msk.f32 $0xffff, v9, v10;
	v10 =	vor.u32 v63, v11;
	v9 =	vld.idx.msk [tilespmem:v15+s4+$0x0], $0xffff  }
0x95: {  	v10 =	vor.u32 v17, v10  }
0x96: {  	_, v31, _ =	vpop (xrf1)  }
0x97: {  	v32 =	vshll.u32 v31, $0x3  }
0x98: {  	v15 =	vand.u32 $0xFFFFFC00, v32  }
0x99: {  	v33 =	vadd.s32 v22, v15;
	[tilespmem:s18+$0x8030] =	vst v9;
	v9 =	vand.u32 $0x7F, v31  }
0x9a: {  	v10 =	vld.idx.msk [tilespmem:v10+s4+$0x0], $0xffff;
	v14 =	vor.u32 v9, v33  }
0x9b: {  	v14 =	vor.u32 v17, v14  }
0x9c: {  	_, v34, _ =	vpop (xrf1)  }
0x9d: {  	v35 =	vshll.u32 v34, $0x3  }
0x9e: {  	v16 =	vand.u32 $0xFFFFFC00, v35  }
0x9f: {  	v36 =	vadd.s32 v22, v16;
	[tilespmem:s18+$0x8040] =	vst v10;
	v10 =	vand.u32 $0x7F, v34  }
0xa0: {  	v14 =	vld.idx.msk [tilespmem:v14+s4+$0x0], $0xffff;
	v15 =	vor.u32 v10, v36  }
0xa1: {  	v15 =	vor.u32 v17, v15  }
0xa2: {  	_, v37, _ =	vpop (xrf1)  }
0xa3: {  	v38 =	vshll.u32 v37, $0x3  }
0xa4: {  	v28 =	vand.u32 $0xFFFFFC00, v38  }
0xa5: {  	v39 =	vand.u32 $0x7F, v37;
	v22 =	vadd.s32 v22, v28;
	[tilespmem:s18+$0x8050] =	vst v14  }
0xa6: {  	v40 =	vor.u32 v39, v22;
	v14 =	vld.idx.msk [tilespmem:v15+s4+$0x0], $0xffff  }
0xa7: {  	v15 =	vor.u32 v17, v40;
	_ =	sdelay $0x3  }
0xa8: {  	v41 =	vor.u32 v17, v23;
	[tilespmem:s18+$0x8060] =	vst v14  }
0xa9: {  	v16 =	vor.u32 v19, v41;
	v15 =	vld.idx.msk [tilespmem:v15+s4+$0x0], $0xffff  }
0xaa: {  	v14 =	vadd.s32 $0x400, v16;
	_ =	sdelay $0x3  }
0xab: {  	v42 =	vor.u32 v17, v26;
	[tilespmem:s18+$0x8070] =	vst v15  }
0xac: {  	v15 =	vor.u32 v18, v42;
	v14 =	vld.idx.msk [tilespmem:v14+s4+$0x0], $0xffff  }
0xad: {  	v18 =	vadd.s32 $0x400, v15;
	_ =	sdelay $0x3  }
0xae: {  	v43 =	vor.u32 v17, v24;
	[tilespmem:s18+$0x8400] =	vst v14  }
0xaf: {  	v14 =	vor.u32 v51, v43;
	v18 =	vld.idx.msk [tilespmem:v18+s4+$0x0], $0xffff  }
0xb0: {  	v44 =	vadd.s32 $0x400, v14;
	_ =	sdelay $0x3  }
0xb1: {  	v13 =	vor.u32 v17, v13;
	[tilespmem:s18+$0x8410] =	vst v18  }
0xb2: {  	v13 =	vor.u32 v58, v13;
	v18 =	vld.idx.msk [tilespmem:v44+s4+$0x0], $0xffff  }
0xb3: {  	v45 =	vadd.s32 $0x400, v13;
	_ =	sdelay $0x3  }
0xb4: {  	v11 =	vor.u32 v17, v11;
	[tilespmem:s18+$0x8420] =	vst v18  }
0xb5: {  	v12 =	vor.u32 v63, v11;
	v18 =	vld.idx.msk [tilespmem:v45+s4+$0x0], $0xffff  }
0xb6: {  	v11 =	vadd.s32 $0x400, v12;
	_ =	sdelay $0x3  }
0xb7: {  	v46 =	vor.u32 v17, v33;
	[tilespmem:s18+$0x8430] =	vst v18  }
0xb8: {  	v47 =	vld.idx.msk [tilespmem:v11+s4+$0x0], $0xffff;
	v11 =	vor.u32 v9, v46  }
0xb9: {  	v9 =	vadd.s32 $0x400, v11;
	_ =	sdelay $0x3  }
0xba: {  	v48 =	vor.u32 v17, v36;
	[tilespmem:s18+$0x8440] =	vst v47  }
0xbb: {  	v10 =	vor.u32 v10, v48;
	v9 =	vld.idx.msk [tilespmem:v9+s4+$0x0], $0xffff  }
0xbc: {  	v18 =	vadd.s32 $0x400, v10;
	_ =	sdelay $0x3  }
0xbd: {  	[tilespmem:s18+$0x8450] =	vst v9;
	v9 =	vor.u32 v17, v22  }
0xbe: {  	v49 =	vld.idx.msk [tilespmem:v18+s4+$0x0], $0xffff;
	v9 =	vor.u32 v39, v9  }
0xbf: {  	v50 =	vadd.s32 $0x400, v9;
	_ =	sdelay $0x3  }
0xc0: {  	[tilespmem:s18+$0x8460] =	vst v49  }
0xc1: {  	v17 =	vld.idx.msk [tilespmem:v50+s4+$0x0], $0xffff  }
0xc2: {  	v51 =	vadd.s32 $0x800, v16;
	_ =	sdelay $0x3  }
0xc3: {  	[tilespmem:s18+$0x8470] =	vst v17  }
0xc4: {  	v17 =	vld.idx.msk [tilespmem:v51+s4+$0x0], $0xffff  }
0xc5: {  	v52 =	vadd.s32 $0x800, v15;
	_ =	sdelay $0x3  }
0xc6: {  	[tilespmem:s18+$0x8800] =	vst v17  }
0xc7: {  	v17 =	vld.idx.msk [tilespmem:v52+s4+$0x0], $0xffff  }
0xc8: {  	v53 =	vadd.s32 $0x800, v14;
	_ =	sdelay $0x3  }
0xc9: {  	[tilespmem:s18+$0x8810] =	vst v17  }
0xca: {  	v17 =	vld.idx.msk [tilespmem:v53+s4+$0x0], $0xffff  }
0xcb: {  	v54 =	vadd.s32 $0x800, v13;
	_ =	sdelay $0x3  }
0xcc: {  	[tilespmem:s18+$0x8820] =	vst v17  }
0xcd: {  	v17 =	vld.idx.msk [tilespmem:v54+s4+$0x0], $0xffff  }
0xce: {  	v55 =	vadd.s32 $0x800, v12;
	_ =	sdelay $0x3  }
0xcf: {  	[tilespmem:s18+$0x8830] =	vst v17  }
0xd0: {  	v17 =	vld.idx.msk [tilespmem:v55+s4+$0x0], $0xffff  }
0xd1: {  	v56 =	vadd.s32 $0x800, v11;
	_ =	sdelay $0x3  }
0xd2: {  	[tilespmem:s18+$0x8840] =	vst v17  }
0xd3: {  	v17 =	vld.idx.msk [tilespmem:v56+s4+$0x0], $0xffff  }
0xd4: {  	v57 =	vadd.s32 $0x800, v10;
	_ =	sdelay $0x3  }
0xd5: {  	[tilespmem:s18+$0x8850] =	vst v17  }
0xd6: {  	v17 =	vld.idx.msk [tilespmem:v57+s4+$0x0], $0xffff  }
0xd7: {  	v58 =	vadd.s32 $0x800, v9;
	_ =	sdelay $0x3  }
0xd8: {  	[tilespmem:s18+$0x8860] =	vst v17  }
0xd9: {  	v17 =	vld.idx.msk [tilespmem:v58+s4+$0x0], $0xffff  }
0xda: {  	v59 =	vadd.s32 $0xC00, v16;
	_ =	sdelay $0x3  }
0xdb: {  	[tilespmem:s18+$0x8870] =	vst v17  }
0xdc: {  	v17 =	vld.idx.msk [tilespmem:v59+s4+$0x0], $0xffff  }
0xdd: {  	v60 =	vadd.s32 $0xC00, v15;
	_ =	sdelay $0x3  }
0xde: {  	[tilespmem:s18+$0x8C00] =	vst v17  }
0xdf: {  	v17 =	vld.idx.msk [tilespmem:v60+s4+$0x0], $0xffff  }
0xe0: {  	v61 =	vadd.s32 $0xC00, v14;
	_ =	sdelay $0x3  }
0xe1: {  	[tilespmem:s18+$0x8C10] =	vst v17  }
0xe2: {  	v17 =	vld.idx.msk [tilespmem:v61+s4+$0x0], $0xffff  }
0xe3: {  	v62 =	vadd.s32 $0xC00, v13;
	_ =	sdelay $0x3  }
0xe4: {  	[tilespmem:s18+$0x8C20] =	vst v17  }
0xe5: {  	v17 =	vld.idx.msk [tilespmem:v62+s4+$0x0], $0xffff  }
0xe6: {  	v63 =	vadd.s32 $0xC00, v12;
	_ =	sdelay $0x3  }
0xe7: {  	[tilespmem:s18+$0x8C30] =	vst v17  }
0xe8: {  	v17 =	vld.idx.msk [tilespmem:v63+s4+$0x0], $0xffff  }
0xe9: {  	v21 =	vadd.s32 $0xC00, v11;
	_ =	sdelay $0x3  }
0xea: {  	[tilespmem:s18+$0x8C40] =	vst v17  }
0xeb: {  	v17 =	vld.idx.msk [tilespmem:v21+s4+$0x0], $0xffff  }
0xec: {  	v22 =	vadd.s32 $0xC00, v10;
	_ =	sdelay $0x3  }
0xed: {  	[tilespmem:s18+$0x8C50] =	vst v17  }
0xee: {  	v17 =	vld.idx.msk [tilespmem:v22+s4+$0x0], $0xffff  }
0xef: {  	v23 =	vadd.s32 $0xC00, v9;
	_ =	sdelay $0x3  }
0xf0: {  	[tilespmem:s18+$0x8C60] =	vst v17  }
0xf1: {  	v17 =	vld.idx.msk [tilespmem:v23+s4+$0x0], $0xffff  }
0xf2: {  	v24 =	vadd.s32 $0x1000, v16;
	_ =	sdelay $0x3  }
0xf3: {  	[tilespmem:s18+$0x8C70] =	vst v17  }
0xf4: {  	v17 =	vld.idx.msk [tilespmem:v24+s4+$0x0], $0xffff  }
0xf5: {  	v25 =	vadd.s32 $0x1000, v15;
	_ =	sdelay $0x3  }
0xf6: {  	[tilespmem:s18+$0x9000] =	vst v17  }
0xf7: {  	v17 =	vld.idx.msk [tilespmem:v25+s4+$0x0], $0xffff  }
0xf8: {  	v26 =	vadd.s32 $0x1000, v14;
	_ =	sdelay $0x3  }
0xf9: {  	[tilespmem:s18+$0x9010] =	vst v17  }
0xfa: {  	v17 =	vld.idx.msk [tilespmem:v26+s4+$0x0], $0xffff  }
0xfb: {  	v27 =	vadd.s32 $0x1000, v13;
	_ =	sdelay $0x3  }
0xfc: {  	[tilespmem:s18+$0x9020] =	vst v17  }
0xfd: {  	v17 =	vld.idx.msk [tilespmem:v27+s4+$0x0], $0xffff  }
0xfe: {  	v28 =	vadd.s32 $0x1000, v12;
	_ =	sdelay $0x3  }
0xff: {  	[tilespmem:s18+$0x9030] =	vst v17  }
0x100: {  	v17 =	vld.idx.msk [tilespmem:v28+s4+$0x0], $0xffff  }
0x101: {  	v29 =	vadd.s32 $0x1000, v11;
	_ =	sdelay $0x3  }
0x102: {  	[tilespmem:s18+$0x9040] =	vst v17  }
0x103: {  	v17 =	vld.idx.msk [tilespmem:v29+s4+$0x0], $0xffff  }
0x104: {  	v30 =	vadd.s32 $0x1000, v10;
	_ =	sdelay $0x3  }
0x105: {  	[tilespmem:s18+$0x9050] =	vst v17  }
0x106: {  	v17 =	vld.idx.msk [tilespmem:v30+s4+$0x0], $0xffff  }
0x107: {  	v31 =	vadd.s32 $0x1000, v9;
	_ =	sdelay $0x3  }
0x108: {  	[tilespmem:s18+$0x9060] =	vst v17  }
0x109: {  	v17 =	vld.idx.msk [tilespmem:v31+s4+$0x0], $0xffff  }
0x10a: {  	v32 =	vadd.s32 $0x1400, v16;
	_ =	sdelay $0x3  }
0x10b: {  	[tilespmem:s18+$0x9070] =	vst v17  }
0x10c: {  	v17 =	vld.idx.msk [tilespmem:v32+s4+$0x0], $0xffff  }
0x10d: {  	v33 =	vadd.s32 $0x1400, v15;
	_ =	sdelay $0x3  }
0x10e: {  	[tilespmem:s18+$0x9400] =	vst v17  }
0x10f: {  	v17 =	vld.idx.msk [tilespmem:v33+s4+$0x0], $0xffff  }
0x110: {  	v34 =	vadd.s32 $0x1400, v14;
	_ =	sdelay $0x3  }
0x111: {  	[tilespmem:s18+$0x9410] =	vst v17  }
0x112: {  	v17 =	vld.idx.msk [tilespmem:v34+s4+$0x0], $0xffff  }
0x113: {  	v35 =	vadd.s32 $0x1400, v13;
	_ =	sdelay $0x3  }
0x114: {  	[tilespmem:s18+$0x9420] =	vst v17  }
0x115: {  	v17 =	vld.idx.msk [tilespmem:v35+s4+$0x0], $0xffff  }
0x116: {  	v36 =	vadd.s32 $0x1400, v12;
	_ =	sdelay $0x3  }
0x117: {  	[tilespmem:s18+$0x9430] =	vst v17  }
0x118: {  	v17 =	vld.idx.msk [tilespmem:v36+s4+$0x0], $0xffff  }
0x119: {  	v37 =	vadd.s32 $0x1400, v11;
	_ =	sdelay $0x3  }
0x11a: {  	[tilespmem:s18+$0x9440] =	vst v17  }
0x11b: {  	v17 =	vld.idx.msk [tilespmem:v37+s4+$0x0], $0xffff  }
0x11c: {  	v38 =	vadd.s32 $0x1400, v10  }
0x11d: {  	s28 =	sor.u32 $0x1, s15  }
0x11e: {  	s22 =	sor.u32 s14, s28  }
0x11f: {  	s19 =	sshll.u32 s22, $0xB  }
0x120: {  	s20 =	sshll.u32 s28, $0x7;
	s21 =	sand.u32 $0x4000, s19;
	[tilespmem:s18+$0x9450] =	vst v17  }
0x121: {  	s21 =	sor.u32 s20, s21;
	v25 =	vld.idx.msk [tilespmem:v38+s4+$0x0], $0xffff  }
0x122: {  	s23 =	sor.u32 $0x2000, s21;
	v39 =	vld [tilespmem:s21+$0x0]  }
0x123: {  	v18 =	vld [tilespmem:s23+$0x0]  }
0x124: {  	s29 =	sor.u32 $0x2010, s21;
	v40 =	vld [tilespmem:s21+$0x10]  }
0x125: {  	v41 =	vld [tilespmem:s29+$0x0]  }
0x126: {  	s30 =	sor.u32 $0x2020, s21;
	v42 =	vld [tilespmem:s21+$0x20]  }
0x127: {  	v43 =	vld [tilespmem:s30+$0x0]  }
0x128: {  	s31 =	sor.u32 $0x2030, s21;
	v44 =	vld [tilespmem:s21+$0x30]  }
0x129: {  	v45 =	vld [tilespmem:s31+$0x0];
	_ =	sdelay $0x1  }
0x12a: {  	v17 =	vmul.f32 v39, v39;
	v18 =	vmul.f32 v18, v18  }
0x12b: {  	s24 =	sor.u32 $0x2040, s21;
	v46 =	vld [tilespmem:s21+$0x40];
	v19 =	vmul.f32 v40, v40;
	v20 =	vmul.f32 v41, v41  }
0x12c: {  	v47 =	vld [tilespmem:s24+$0x0];
	v48 =	vmul.f32 v42, v42;
	v49 =	vmul.f32 v43, v43;
	v17 =	vadd.f32 v18, v17  }
0x12d: {  	s25 =	sor.u32 $0x2050, s21;
	v50 =	vld [tilespmem:s21+$0x50];
	v23 =	vmul.f32 v44, v44;
	v24 =	vmul.f32 v45, v45;
	v19 =	vadd.f32 v20, v19  }
0x12e: {  	s26 =	sor.u32 $0x2060, s21;
	v51 =	vld [tilespmem:s25+$0x0];
	v52 =	vadd.f32 v49, v48;
	(xrf1) =	vsort.dscd.msk.f32 $0xffff, v17, v0  }
0x12f: {  	s28 =	sor.u32 $0x2070, s21;
	v53 =	vld [tilespmem:s26+$0x0];
	v55 =	vadd.f32 v24, v23;
	(xrf1) =	vsort.dscd.msk.f32 $0xffff, v19, v1  }
0x130: {  	v54 =	vld [tilespmem:s28+$0x0];
	(xrf1) =	vsort.dscd.msk.f32 $0xffff, v52, v2  }
0x131: {  	v56 =	vld [tilespmem:s21+$0x60];
	(xrf1) =	vsort.dscd.msk.f32 $0xffff, v55, v3  }
0x132: {  	v57 =	vld [tilespmem:s21+$0x70]  }
0x133: {  	v58 =	vmul.f32 v46, v46;
	v18 =	vmul.f32 v47, v47  }
0x134: {  	v22 =	vmul.f32 v50, v50;
	v59 =	vmul.f32 v51, v51  }
0x135: {  	v18 =	vadd.f32 v18, v58  }
0x136: {  	v61 =	vmul.f32 v56, v56;
	v60 =	vadd.f32 v59, v22;
	v20 =	vmul.f32 v53, v53  }
0x137: {  	v17 =	vmul.f32 v57, v57;
	v19 =	vmul.f32 v54, v54;
	(xrf1) =	vsort.dscd.msk.f32 $0xffff, v18, v4  }
0x138: {  	v62 =	vadd.f32 v20, v61;
	(xrf1) =	vsort.dscd.msk.f32 $0xffff, v60, v5  }
0x139: {  	v17 =	vadd.f32 v19, v17  }
0x13a: {  	(xrf1) =	vsort.dscd.msk.f32 $0xffff, v62, v6  }
0x13b: {  	(xrf1) =	vsort.dscd.msk.f32 $0xffff, v17, v7  }
0x13c: {  	v28, v63, _ =	vpop (xrf1)  }
0x13d: {  	v30, v29, _ =	vpop (xrf1)  }
0x13e: {  	v19 =	vperm.xlane v30, v8;
	v32, v31, _ =	vpop (xrf1)  }
0x13f: {  	v20 =	vperm.xlane v29, v8;
	v34, v33, _ =	vpop (xrf1)  }
0x140: {  	vm12 =	vge.f32 v28, v19;
	v23 =	vperm.xlane v34, v8  }
0x141: {  	v24 =	vperm.xlane v33, v8;
	v35 =	vsel vm12, v28, v19;
	v36 =	vsel vm12, v63, v20  }
0x142: {  	v17 =	vsel vm12, v19, v28;
	v18 =	vsel vm12, v20, v63;
	(xrf1) =	vsort.dscd.msk.f32 $0xffff, v35, v36  }
0x143: {  	vm13 =	vge.f32 v32, v23;
	(xrf1) =	vsort.dscd.msk.f32 $0xffff, v17, v18  }
0x144: {  	v37 =	vsel vm13, v32, v23;
	v38 =	vsel vm13, v31, v24;
	v22 =	vsel vm13, v24, v31  }
0x145: {  	v40, v39, _ =	vpop (xrf1);
	v21 =	vsel vm13, v23, v32;
	(xrf1) =	vsort.dscd.msk.f32 $0xffff, v37, v38  }
0x146: {  	v17, v18, _ =	vpop (xrf1);
	(xrf1) =	vsort.dscd.msk.f32 $0xffff, v21, v22  }
0x147: {  	v17 =	vperm.xlane v17, v8  }
0x148: {  	v21, v22, _ =	vpop (xrf1)  }
0x149: {  	v18 =	vperm.xlane v18, v8;
	v41, v42, _ =	vpop (xrf1);
	vm14 =	vge.f32 v40, v17  }
0x14a: {  	v43 =	vsel vm14, v40, v17;
	v23 =	vperm.xlane v41, v8  }
0x14b: {  	v17 =	vsel vm14, v17, v40;
	v44 =	vsel vm14, v39, v18;
	v24 =	vperm.xlane v42, v8  }
0x14c: {  	v18 =	vsel vm14, v18, v39;
	(xrf1) =	vsort.dscd.msk.f32 $0xffff, v43, v44;
	vm15 =	vge.f32 v21, v23  }
0x14d: {  	(xrf1) =	vsort.dscd.msk.f32 $0xffff, v17, v18;
	v45 =	vsel vm15, v21, v23;
	v46 =	vsel vm15, v22, v24  }
0x14e: {  	v47 =	vsel vm15, v23, v21;
	v48 =	vsel vm15, v24, v22;
	(xrf1) =	vsort.dscd.msk.f32 $0xffff, v45, v46  }
0x14f: {  	(xrf1) =	vsort.dscd.msk.f32 $0xffff, v47, v48;
	_ =	sdelay $0x1  }
0x150: {  	v17, v18, _ =	vpop (xrf1)  }
0x151: {  	v19, v20, _ =	vpop (xrf1)  }
0x152: {  	v49, v50, _ =	vpop (xrf1)  }
0x153: {  	v51, v52, _ =	vpop (xrf1);
	v21 =	vperm.xlane v49, v8  }
0x154: {  	v23 =	vperm.xlane v51, v8  }
0x155: {  	v22 =	vperm.xlane v50, v8;
	vm5 =	vge.f32 v19, v21  }
0x156: {  	v24 =	vperm.xlane v52, v8;
	vm4 =	vge.f32 v17, v23;
	v55 =	vsel vm5, v19, v21  }
0x157: {  	v58 =	vsel vm5, v20, v22;
	v19 =	vsel vm5, v21, v19;
	v20 =	vsel vm5, v22, v20  }
0x158: {  	v53 =	vsel vm4, v17, v23;
	v17 =	vsel vm4, v23, v17;
	v54 =	vsel vm4, v18, v24  }
0x159: {  	v18 =	vsel vm4, v24, v18;
	v56, v57, _ =	vpop (xrf1);
	vm6 =	vge.f32 v53, v55;
	vm7 =	vge.f32 v17, v19  }
0x15a: {  	v60, v59, _ =	vpop (xrf1);
	v61 =	vsel vm6, v53, v55;
	v62 =	vsel vm6, v54, v58;
	v26 =	vsel vm6, v55, v53  }
0x15b: {  	v23 =	vsel vm6, v58, v54;
	v35 =	vsel vm7, v17, v19;
	v36 =	vsel vm7, v18, v20;
	v33, v34, _ =	vpop (xrf1)  }
0x15c: {  	v17 =	vsel vm7, v19, v17;
	v18 =	vsel vm7, v20, v18;
	(xrf1) =	vsort.dscd.msk.f32 $0xffff, v61, v62;
	v32, v63, _ =	vpop (xrf1)  }
0x15d: {  	(xrf1) =	vsort.dscd.msk.f32 $0xffff, v26, v23;
	v37 =	vperm.xlane v33, v8;
	v21 =	vperm.xlane v32, v8  }
0x15e: {  	(xrf1) =	vsort.dscd.msk.f32 $0xffff, v35, v36;
	v39 =	vperm.xlane v34, v8;
	v38 =	vperm.xlane v63, v8  }
0x15f: {  	(xrf1) =	vsort.dscd.msk.f32 $0xffff, v17, v18;
	vm9 =	vge.f32 v60, v37;
	vm8 =	vge.f32 v56, v21  }
0x160: {  	v42 =	vsel vm9, v60, v37;
	v19 =	vsel vm9, v37, v60;
	v43 =	vsel vm9, v59, v39  }
0x161: {  	v17 =	vsel vm9, v39, v59;
	v40 =	vsel vm8, v56, v21;
	v21 =	vsel vm8, v21, v56  }
0x162: {  	v41 =	vsel vm8, v57, v38;
	v20 =	vsel vm8, v38, v57;
	vm10 =	vge.f32 v40, v42  }
0x163: {  	vm11 =	vge.f32 v21, v19;
	v44 =	vsel vm10, v40, v42;
	v45 =	vsel vm10, v41, v43  }
0x164: {  	v18 =	vsel vm10, v42, v40;
	v22 =	vsel vm10, v43, v41;
	(xrf1) =	vsort.dscd.msk.f32 $0xffff, v44, v45  }
0x165: {  	v46 =	vsel vm11, v21, v19;
	v47 =	vsel vm11, v20, v17;
	(xrf1) =	vsort.dscd.msk.f32 $0xffff, v18, v22  }
0x166: {  	v19 =	vsel vm11, v19, v21;
	v17 =	vsel vm11, v17, v20;
	(xrf1) =	vsort.dscd.msk.f32 $0xffff, v46, v47  }
0x167: {  	(xrf1) =	vsort.dscd.msk.f32 $0xffff, v19, v17;
	_ =	sdelay $0x6  }
0x168: {  	v17, v18, _ =	vpop (xrf1)  }
0x169: {  	v19, v20, _ =	vpop (xrf1)  }
0x16a: {  	v21, v48, _ =	vpop (xrf1)  }
0x16b: {  	v23, v24, _ =	vpop (xrf1)  }
0x16c: {  	v26, v49, _ =	vpop (xrf1)  }
0x16d: {  	v50, v51, _ =	vpop (xrf1);
	v26 =	vperm.xlane v26, v8;
	v27 =	vperm.xlane v49, v8  }
0x16e: {  	v52, v53, _ =	vpop (xrf1);
	v28 =	vperm.xlane v50, v8;
	v29 =	vperm.xlane v51, v8  }
0x16f: {  	v54, v55, _ =	vpop (xrf1);
	v30 =	vperm.xlane v52, v8;
	v31 =	vperm.xlane v53, v8  }
0x170: {  	vm14 =	vge.f32 v23, v26;
	v32 =	vperm.xlane v54, v8;
	v33 =	vperm.xlane v55, v8  }
0x171: {  	vm13 =	vge.f32 v21, v28;
	v39 =	vsel vm14, v23, v26;
	v41 =	vsel vm14, v24, v27  }
0x172: {  	vm12 =	vge.f32 v19, v30;
	v60 =	vsel vm13, v21, v28;
	vm1 =	vge.f32 v17, v32  }
0x173: {  	v40 =	vsel vm13, v48, v29;
	v58 =	vsel vm12, v19, v30;
	v56 =	vsel vm1, v17, v32  }
0x174: {  	v59 =	vsel vm12, v20, v31;
	vm9 =	vge.f32 v58, v39;
	vm15 =	vge.f32 v56, v60  }
0x175: {  	v57 =	vsel vm1, v18, v33;
	v43 =	vsel vm9, v58, v39;
	v42 =	vsel vm15, v56, v60  }
0x176: {  	v45 =	vsel vm9, v59, v41;
	v44 =	vsel vm15, v57, v40;
	vm10 =	vge.f32 v42, v43  }
0x177: {  	v46 =	vsel vm10, v42, v43;
	v47 =	vsel vm10, v44, v45  }
0x178: {  	(xrf1) =	vsort.dscd.msk.f32 $0xffff, v46, v47;
	_ =	sdelay $0x4  }
0x179: {  	v42 =	vsel vm10, v43, v42;
	v61 =	vsel vm10, v45, v44  }
0x17a: {  	(xrf1) =	vsort.dscd.msk.f32 $0xffff, v42, v61;
	_ =	sdelay $0x2  }
0x17b: {  	v36 =	vsel vm9, v39, v58;
	v34 =	vsel vm15, v60, v56  }
0x17c: {  	v37 =	vsel vm9, v41, v59;
	v35 =	vsel vm15, v40, v57;
	vm11 =	vge.f32 v34, v36  }
0x17d: {  	v38 =	vsel vm11, v34, v36;
	v62 =	vsel vm11, v35, v37  }
0x17e: {  	v63 =	vmov s22;
	(xrf1) =	vsort.dscd.msk.f32 $0xffff, v38, v62  }
0x17f: {  	v49 =	vshll.u32 v63, $0x7;
	v23 =	vsel vm14, v26, v23;
	v24 =	vsel vm14, v27, v24  }
0x180: {  	v21 =	vsel vm13, v28, v21;
	v22 =	vsel vm13, v29, v48;
	v19 =	vsel vm12, v30, v19;
	_, v44, _ =	vpop (xrf1)  }
0x181: {  	v20 =	vsel vm12, v31, v20;
	v46 =	vshll.u32 v63, $0xB;
	v47 =	vshll.u32 v44, $0x3  }
0x182: {  	v45 =	vsel vm11, v36, v34;
	v30 =	vand.u32 $0x4000, v46;
	v31 =	vand.u32 $0xFFFFFC00, v47  }
0x183: {  	v48 =	vsel vm11, v37, v35;
	v28 =	vand.u32 $0x7F, v44;
	v31 =	vadd.s32 v30, v31  }
0x184: {  	v26 =	vand.u32 $0x380, v49;
	v17 =	vsel vm1, v32, v17;
	(xrf1) =	vsort.dscd.msk.f32 $0xffff, v45, v48;
	v50 =	vor.u32 v28, v31  }
0x185: {  	vm13 =	vge.f32 v19, v23;
	vm12 =	vge.f32 v17, v21;
	v29 =	vor.u32 v26, v50  }
0x186: {  	v18 =	vsel vm1, v33, v18;
	v53 =	vsel vm13, v19, v23;
	v52 =	vsel vm12, v17, v21;
	_, v51, _ =	vpop (xrf1)  }
0x187: {  	v54 =	vsel vm12, v18, v22;
	vm14 =	vge.f32 v52, v53;
	v55 =	vshll.u32 v51, $0x3  }
0x188: {  	v56 =	vsel vm13, v20, v24;
	v57 =	vsel vm14, v52, v53;
	v35 =	vand.u32 $0xFFFFFC00, v55  }
0x189: {  	v58 =	vsel vm14, v54, v56;
	v27 =	vand.u32 $0x7F, v51;
	v35 =	vadd.s32 v30, v35  }
0x18a: {  	(xrf1) =	vsort.dscd.msk.f32 $0xffff, v57, v58;
	v59 =	vor.u32 v27, v35;
	v29 =	vld.idx.msk [tilespmem:v29+s4+$0x0], $0xffff  }
0x18b: {  	v37 =	vor.u32 v26, v59  }
0x18c: {  	_, v60, _ =	vpop (xrf1)  }
0x18d: {  	v61 =	vshll.u32 v60, $0x3  }
0x18e: {  	v32 =	vsel vm14, v53, v52;
	v62 =	vand.u32 $0xFFFFFC00, v61  }
0x18f: {  	v34 =	vsel vm14, v56, v54;
	v63 =	vand.u32 $0x7F, v60;
	v33 =	vadd.s32 v30, v62;
	[tilespmem:s21+$0x8000] =	vst v29  }
0x190: {  	(xrf1) =	vsort.dscd.msk.f32 $0xffff, v32, v34;
	v36 =	vld.idx.msk [tilespmem:v37+s4+$0x0], $0xffff;
	v37 =	vor.u32 v63, v33  }
0x191: {  	v34 =	vor.u32 v26, v37  }
0x192: {  	v19 =	vsel vm13, v23, v19;
	v17 =	vsel vm12, v21, v17;
	_, v38, _ =	vpop (xrf1)  }
0x193: {  	v18 =	vsel vm12, v22, v18;
	vm15 =	vge.f32 v17, v19;
	v39 =	vshll.u32 v38, $0x3  }
0x194: {  	v20 =	vsel vm13, v24, v20;
	v23 =	vsel vm15, v17, v19;
	v22 =	vand.u32 $0xFFFFFC00, v39  }
0x195: {  	v24 =	vsel vm15, v18, v20;
	v21 =	vand.u32 $0x7F, v38;
	v32 =	vadd.s32 v30, v22;
	[tilespmem:s21+$0x8010] =	vst v36  }
0x196: {  	(xrf1) =	vsort.dscd.msk.f32 $0xffff, v23, v24;
	v41 =	vor.u32 v21, v32;
	v40 =	vld.idx.msk [tilespmem:v34+s4+$0x0], $0xffff  }
0x197: {  	v23 =	vor.u32 v26, v41  }
0x198: {  	_, v42, _ =	vpop (xrf1)  }
0x199: {  	v43 =	vshll.u32 v42, $0x3  }
0x19a: {  	v17 =	vsel vm15, v19, v17;
	v44 =	vand.u32 $0xFFFFFC00, v43  }
0x19b: {  	v18 =	vsel vm15, v20, v18;
	v45 =	vand.u32 $0x7F, v42;
	v19 =	vadd.s32 v30, v44;
	[tilespmem:s21+$0x8020] =	vst v40  }
0x19c: {  	(xrf1) =	vsort.dscd.msk.f32 $0xffff, v17, v18;
	v47 =	vor.u32 v45, v19;
	v46 =	vld.idx.msk [tilespmem:v23+s4+$0x0], $0xffff  }
0x19d: {  	v18 =	vor.u32 v26, v47  }
0x19e: {  	_, v48, _ =	vpop (xrf1)  }
0x19f: {  	v49 =	vshll.u32 v48, $0x3  }
0x1a0: {  	v23 =	vand.u32 $0xFFFFFC00, v49  }
0x1a1: {  	v50 =	vand.u32 $0x7F, v48;
	v51 =	vadd.s32 v30, v23;
	[tilespmem:s21+$0x8030] =	vst v46  }
0x1a2: {  	v22 =	vor.u32 v50, v51;
	v18 =	vld.idx.msk [tilespmem:v18+s4+$0x0], $0xffff  }
0x1a3: {  	v22 =	vor.u32 v26, v22  }
0x1a4: {  	_, v52, _ =	vpop (xrf1)  }
0x1a5: {  	v53 =	vshll.u32 v52, $0x3  }
0x1a6: {  	v24 =	vand.u32 $0xFFFFFC00, v53  }
0x1a7: {  	v54 =	vand.u32 $0x7F, v52;
	v55 =	vadd.s32 v30, v24;
	[tilespmem:s21+$0x8040] =	vst v18  }
0x1a8: {  	v23 =	vor.u32 v54, v55;
	v22 =	vld.idx.msk [tilespmem:v22+s4+$0x0], $0xffff  }
0x1a9: {  	v23 =	vor.u32 v26, v23  }
0x1aa: {  	_, v56, _ =	vpop (xrf1)  }
0x1ab: {  	v57 =	vshll.u32 v56, $0x3  }
0x1ac: {  	v37 =	vand.u32 $0xFFFFFC00, v57  }
0x1ad: {  	v58 =	vand.u32 $0x7F, v56;
	v30 =	vadd.s32 v30, v37;
	[tilespmem:s21+$0x8050] =	vst v22  }
0x1ae: {  	v59 =	vor.u32 v58, v30;
	v22 =	vld.idx.msk [tilespmem:v23+s4+$0x0], $0xffff  }
0x1af: {  	v23 =	vor.u32 v26, v59;
	_ =	sdelay $0x3  }
0x1b0: {  	v60 =	vor.u32 v26, v31;
	[tilespmem:s21+$0x8060] =	vst v22  }
0x1b1: {  	v24 =	vor.u32 v28, v60;
	v23 =	vld.idx.msk [tilespmem:v23+s4+$0x0], $0xffff  }
0x1b2: {  	v22 =	vadd.s32 $0x400, v24;
	_ =	sdelay $0x3  }
0x1b3: {  	v61 =	vor.u32 v26, v35;
	[tilespmem:s21+$0x8070] =	vst v23  }
0x1b4: {  	v23 =	vor.u32 v27, v61;
	v22 =	vld.idx.msk [tilespmem:v22+s4+$0x0], $0xffff  }
0x1b5: {  	v27 =	vadd.s32 $0x400, v23;
	_ =	sdelay $0x3  }
0x1b6: {  	v62 =	vor.u32 v26, v33;
	[tilespmem:s21+$0x8400] =	vst v22  }
0x1b7: {  	v22 =	vor.u32 v63, v62;
	v27 =	vld.idx.msk [tilespmem:v27+s4+$0x0], $0xffff  }
0x1b8: {  	v63 =	vadd.s32 $0x400, v22;
	_ =	sdelay $0x3  }
0x1b9: {  	v32 =	vor.u32 v26, v32;
	[tilespmem:s21+$0x8410] =	vst v27  }
0x1ba: {  	v21 =	vor.u32 v21, v32;
	v28 =	vld.idx.msk [tilespmem:v63+s4+$0x0], $0xffff  }
0x1bb: {  	v27 =	vadd.s32 $0x400, v21;
	_ =	sdelay $0x3  }
0x1bc: {  	v19 =	vor.u32 v26, v19;
	[tilespmem:s21+$0x8420] =	vst v28  }
0x1bd: {  	v20 =	vor.u32 v45, v19;
	v27 =	vld.idx.msk [tilespmem:v27+s4+$0x0], $0xffff  }
0x1be: {  	v19 =	vadd.s32 $0x400, v20;
	_ =	sdelay $0x3  }
0x1bf: {  	v33 =	vor.u32 v26, v51;
	[tilespmem:s21+$0x8430] =	vst v27  }
0x1c0: {  	v28 =	vld.idx.msk [tilespmem:v19+s4+$0x0], $0xffff;
	v19 =	vor.u32 v50, v33  }
0x1c1: {  	v17 =	vadd.s32 $0x400, v19;
	_ =	sdelay $0x3  }
0x1c2: {  	v34 =	vor.u32 v26, v55;
	[tilespmem:s21+$0x8440] =	vst v28  }
0x1c3: {  	v18 =	vor.u32 v54, v34;
	v17 =	vld.idx.msk [tilespmem:v17+s4+$0x0], $0xffff  }
0x1c4: {  	v27 =	vadd.s32 $0x400, v18;
	_ =	sdelay $0x3  }
0x1c5: {  	v35 =	vor.u32 v26, v30;
	[tilespmem:s21+$0x8450] =	vst v17  }
0x1c6: {  	v17 =	vor.u32 v58, v35;
	v36 =	vld.idx.msk [tilespmem:v27+s4+$0x0], $0xffff  }
0x1c7: {  	v37 =	vadd.s32 $0x400, v17;
	_ =	sdelay $0x3  }
0x1c8: {  	[tilespmem:s21+$0x8460] =	vst v36  }
0x1c9: {  	v26 =	vld.idx.msk [tilespmem:v37+s4+$0x0], $0xffff  }
0x1ca: {  	v38 =	vadd.s32 $0x800, v24;
	_ =	sdelay $0x3  }
0x1cb: {  	[tilespmem:s21+$0x8470] =	vst v26  }
0x1cc: {  	v26 =	vld.idx.msk [tilespmem:v38+s4+$0x0], $0xffff  }
0x1cd: {  	v39 =	vadd.s32 $0x800, v23;
	_ =	sdelay $0x3  }
0x1ce: {  	[tilespmem:s21+$0x8800] =	vst v26  }
0x1cf: {  	v26 =	vld.idx.msk [tilespmem:v39+s4+$0x0], $0xffff  }
0x1d0: {  	v40 =	vadd.s32 $0x800, v22;
	_ =	sdelay $0x3  }
0x1d1: {  	[tilespmem:s21+$0x8810] =	vst v26  }
0x1d2: {  	v26 =	vld.idx.msk [tilespmem:v40+s4+$0x0], $0xffff  }
0x1d3: {  	v41 =	vadd.s32 $0x800, v21;
	_ =	sdelay $0x3  }
0x1d4: {  	[tilespmem:s21+$0x8820] =	vst v26  }
0x1d5: {  	v26 =	vld.idx.msk [tilespmem:v41+s4+$0x0], $0xffff  }
0x1d6: {  	v42 =	vadd.s32 $0x800, v20;
	_ =	sdelay $0x3  }
0x1d7: {  	[tilespmem:s21+$0x8830] =	vst v26  }
0x1d8: {  	v26 =	vld.idx.msk [tilespmem:v42+s4+$0x0], $0xffff  }
0x1d9: {  	v43 =	vadd.s32 $0x800, v19;
	_ =	sdelay $0x3  }
0x1da: {  	[tilespmem:s21+$0x8840] =	vst v26  }
0x1db: {  	v26 =	vld.idx.msk [tilespmem:v43+s4+$0x0], $0xffff  }
0x1dc: {  	v44 =	vadd.s32 $0x800, v18;
	_ =	sdelay $0x3  }
0x1dd: {  	[tilespmem:s21+$0x8850] =	vst v26  }
0x1de: {  	v26 =	vld.idx.msk [tilespmem:v44+s4+$0x0], $0xffff  }
0x1df: {  	v45 =	vadd.s32 $0x800, v17;
	_ =	sdelay $0x3  }
0x1e0: {  	[tilespmem:s21+$0x8860] =	vst v26  }
0x1e1: {  	v26 =	vld.idx.msk [tilespmem:v45+s4+$0x0], $0xffff  }
0x1e2: {  	v46 =	vadd.s32 $0xC00, v24;
	_ =	sdelay $0x3  }
0x1e3: {  	[tilespmem:s21+$0x8870] =	vst v26  }
0x1e4: {  	v26 =	vld.idx.msk [tilespmem:v46+s4+$0x0], $0xffff  }
0x1e5: {  	v47 =	vadd.s32 $0xC00, v23;
	_ =	sdelay $0x3  }
0x1e6: {  	[tilespmem:s21+$0x8C00] =	vst v26  }
0x1e7: {  	v26 =	vld.idx.msk [tilespmem:v47+s4+$0x0], $0xffff  }
0x1e8: {  	v48 =	vadd.s32 $0xC00, v22;
	_ =	sdelay $0x3  }
0x1e9: {  	[tilespmem:s21+$0x8C10] =	vst v26  }
0x1ea: {  	v26 =	vld.idx.msk [tilespmem:v48+s4+$0x0], $0xffff  }
0x1eb: {  	v49 =	vadd.s32 $0xC00, v21;
	_ =	sdelay $0x3  }
0x1ec: {  	[tilespmem:s21+$0x8C20] =	vst v26  }
0x1ed: {  	v26 =	vld.idx.msk [tilespmem:v49+s4+$0x0], $0xffff  }
0x1ee: {  	v50 =	vadd.s32 $0xC00, v20;
	_ =	sdelay $0x3  }
0x1ef: {  	[tilespmem:s21+$0x8C30] =	vst v26  }
0x1f0: {  	v26 =	vld.idx.msk [tilespmem:v50+s4+$0x0], $0xffff  }
0x1f1: {  	v51 =	vadd.s32 $0xC00, v19;
	_ =	sdelay $0x3  }
0x1f2: {  	[tilespmem:s21+$0x8C40] =	vst v26  }
0x1f3: {  	v26 =	vld.idx.msk [tilespmem:v51+s4+$0x0], $0xffff  }
0x1f4: {  	v52 =	vadd.s32 $0xC00, v18;
	_ =	sdelay $0x3  }
0x1f5: {  	[tilespmem:s21+$0x8C50] =	vst v26  }
0x1f6: {  	v26 =	vld.idx.msk [tilespmem:v52+s4+$0x0], $0xffff  }
0x1f7: {  	v53 =	vadd.s32 $0xC00, v17;
	_ =	sdelay $0x3  }
0x1f8: {  	[tilespmem:s21+$0x8C60] =	vst v26  }
0x1f9: {  	v26 =	vld.idx.msk [tilespmem:v53+s4+$0x0], $0xffff  }
0x1fa: {  	v54 =	vadd.s32 $0x1000, v24;
	_ =	sdelay $0x3  }
0x1fb: {  	[tilespmem:s21+$0x8C70] =	vst v26  }
0x1fc: {  	v26 =	vld.idx.msk [tilespmem:v54+s4+$0x0], $0xffff  }
0x1fd: {  	v55 =	vadd.s32 $0x1000, v23;
	_ =	sdelay $0x3  }
0x1fe: {  	[tilespmem:s21+$0x9000] =	vst v26  }
0x1ff: {  	v26 =	vld.idx.msk [tilespmem:v55+s4+$0x0], $0xffff  }
0x200: {  	v56 =	vadd.s32 $0x1000, v22;
	_ =	sdelay $0x3  }
0x201: {  	[tilespmem:s21+$0x9010] =	vst v26  }
0x202: {  	v26 =	vld.idx.msk [tilespmem:v56+s4+$0x0], $0xffff  }
0x203: {  	v57 =	vadd.s32 $0x1000, v21;
	_ =	sdelay $0x3  }
0x204: {  	[tilespmem:s21+$0x9020] =	vst v26  }
0x205: {  	v26 =	vld.idx.msk [tilespmem:v57+s4+$0x0], $0xffff  }
0x206: {  	v58 =	vadd.s32 $0x1000, v20;
	_ =	sdelay $0x3  }
0x207: {  	[tilespmem:s21+$0x9030] =	vst v26  }
0x208: {  	v26 =	vld.idx.msk [tilespmem:v58+s4+$0x0], $0xffff  }
0x209: {  	v59 =	vadd.s32 $0x1000, v19;
	_ =	sdelay $0x3  }
0x20a: {  	[tilespmem:s21+$0x9040] =	vst v26  }
0x20b: {  	v26 =	vld.idx.msk [tilespmem:v59+s4+$0x0], $0xffff  }
0x20c: {  	v60 =	vadd.s32 $0x1000, v18;
	_ =	sdelay $0x3  }
0x20d: {  	[tilespmem:s21+$0x9050] =	vst v26  }
0x20e: {  	v26 =	vld.idx.msk [tilespmem:v60+s4+$0x0], $0xffff  }
0x20f: {  	v61 =	vadd.s32 $0x1000, v17;
	_ =	sdelay $0x3  }
0x210: {  	[tilespmem:s21+$0x9060] =	vst v26  }
0x211: {  	v26 =	vld.idx.msk [tilespmem:v61+s4+$0x0], $0xffff  }
0x212: {  	v62 =	vadd.s32 $0x1400, v24;
	_ =	sdelay $0x3  }
0x213: {  	[tilespmem:s21+$0x9070] =	vst v26  }
0x214: {  	v26 =	vld.idx.msk [tilespmem:v62+s4+$0x0], $0xffff  }
0x215: {  	v63 =	vadd.s32 $0x1400, v23;
	_ =	sdelay $0x3  }
0x216: {  	[tilespmem:s21+$0x9400] =	vst v26  }
0x217: {  	v26 =	vld.idx.msk [tilespmem:v63+s4+$0x0], $0xffff  }
0x218: {  	v30 =	vadd.s32 $0x1400, v22;
	_ =	sdelay $0x3  }
0x219: {  	[tilespmem:s21+$0x9410] =	vst v26  }
0x21a: {  	v26 =	vld.idx.msk [tilespmem:v30+s4+$0x0], $0xffff  }
0x21b: {  	v31 =	vadd.s32 $0x1400, v21;
	_ =	sdelay $0x3  }
0x21c: {  	[tilespmem:s21+$0x9420] =	vst v26  }
0x21d: {  	v26 =	vld.idx.msk [tilespmem:v31+s4+$0x0], $0xffff  }
0x21e: {  	v32 =	vadd.s32 $0x1400, v20;
	_ =	sdelay $0x3  }
0x21f: {  	[tilespmem:s21+$0x9430] =	vst v26  }
0x220: {  	v26 =	vld.idx.msk [tilespmem:v32+s4+$0x0], $0xffff  }
0x221: {  	v33 =	vadd.s32 $0x1400, v19;
	_ =	sdelay $0x3  }
0x222: {  	[tilespmem:s21+$0x9440] =	vst v26  }
0x223: {  	v26 =	vld.idx.msk [tilespmem:v33+s4+$0x0], $0xffff  }
0x224: {  	v34 =	vadd.s32 $0x1400, v18;
	_ =	sdelay $0x3  }
0x225: {  	[tilespmem:s21+$0x9450] =	vst v26  }
0x226: {  	v35 =	vadd.s32 $0x1400, v9;
	v27 =	vld.idx.msk [tilespmem:v34+s4+$0x0], $0xffff  }
0x227: {  	v36 =	vadd.s32 $0x1400, v17;
	_ =	sdelay $0x2  }
0x228: {  	[tilespmem:s18+$0x9460] =	vst v25  }
0x229: {  	v25 =	vld.idx.msk [tilespmem:v35+s4+$0x0], $0xffff;
	[tilespmem:s21+$0x9460] =	vst v27  }
0x22a: {  	v37 =	vadd.s32 $0x1800, v16;
	v27 =	vld.idx.msk [tilespmem:v36+s4+$0x0], $0xffff  }
0x22b: {  	v38 =	vadd.s32 $0x1800, v24;
	_ =	sdelay $0x2  }
0x22c: {  	[tilespmem:s18+$0x9470] =	vst v25  }
0x22d: {  	v25 =	vld.idx.msk [tilespmem:v37+s4+$0x0], $0xffff;
	[tilespmem:s21+$0x9470] =	vst v27  }
0x22e: {  	v39 =	vadd.s32 $0x1800, v15;
	v27 =	vld.idx.msk [tilespmem:v38+s4+$0x0], $0xffff  }
0x22f: {  	v40 =	vadd.s32 $0x1800, v23;
	_ =	sdelay $0x2  }
0x230: {  	[tilespmem:s18+$0x9800] =	vst v25  }
0x231: {  	v25 =	vld.idx.msk [tilespmem:v39+s4+$0x0], $0xffff;
	[tilespmem:s21+$0x9800] =	vst v27  }
0x232: {  	v41 =	vadd.s32 $0x1800, v14;
	v27 =	vld.idx.msk [tilespmem:v40+s4+$0x0], $0xffff  }
0x233: {  	v42 =	vadd.s32 $0x1800, v22;
	_ =	sdelay $0x2  }
0x234: {  	[tilespmem:s18+$0x9810] =	vst v25  }
0x235: {  	v25 =	vld.idx.msk [tilespmem:v41+s4+$0x0], $0xffff;
	[tilespmem:s21+$0x9810] =	vst v27  }
0x236: {  	v43 =	vadd.s32 $0x1800, v13;
	v27 =	vld.idx.msk [tilespmem:v42+s4+$0x0], $0xffff  }
0x237: {  	v44 =	vadd.s32 $0x1800, v21;
	_ =	sdelay $0x2  }
0x238: {  	[tilespmem:s18+$0x9820] =	vst v25  }
0x239: {  	v25 =	vld.idx.msk [tilespmem:v43+s4+$0x0], $0xffff;
	[tilespmem:s21+$0x9820] =	vst v27  }
0x23a: {  	v45 =	vadd.s32 $0x1800, v12;
	v27 =	vld.idx.msk [tilespmem:v44+s4+$0x0], $0xffff  }
0x23b: {  	v46 =	vadd.s32 $0x1800, v20;
	_ =	sdelay $0x2  }
0x23c: {  	[tilespmem:s18+$0x9830] =	vst v25  }
0x23d: {  	v25 =	vld.idx.msk [tilespmem:v45+s4+$0x0], $0xffff;
	[tilespmem:s21+$0x9830] =	vst v27  }
0x23e: {  	v47 =	vadd.s32 $0x1800, v11;
	v27 =	vld.idx.msk [tilespmem:v46+s4+$0x0], $0xffff  }
0x23f: {  	v48 =	vadd.s32 $0x1800, v19;
	_ =	sdelay $0x2  }
0x240: {  	[tilespmem:s18+$0x9840] =	vst v25  }
0x241: {  	v25 =	vld.idx.msk [tilespmem:v47+s4+$0x0], $0xffff;
	[tilespmem:s21+$0x9840] =	vst v27  }
0x242: {  	v49 =	vadd.s32 $0x1800, v10;
	v27 =	vld.idx.msk [tilespmem:v48+s4+$0x0], $0xffff  }
0x243: {  	v50 =	vadd.s32 $0x1800, v18;
	_ =	sdelay $0x2  }
0x244: {  	[tilespmem:s18+$0x9850] =	vst v25  }
0x245: {  	v25 =	vld.idx.msk [tilespmem:v49+s4+$0x0], $0xffff;
	[tilespmem:s21+$0x9850] =	vst v27  }
0x246: {  	v51 =	vadd.s32 $0x1800, v9;
	v27 =	vld.idx.msk [tilespmem:v50+s4+$0x0], $0xffff  }
0x247: {  	v52 =	vadd.s32 $0x1800, v17;
	_ =	sdelay $0x2  }
0x248: {  	[tilespmem:s18+$0x9860] =	vst v25  }
0x249: {  	v25 =	vld.idx.msk [tilespmem:v51+s4+$0x0], $0xffff;
	[tilespmem:s21+$0x9860] =	vst v27  }
0x24a: {  	v53 =	vadd.s32 $0x1C00, v16;
	v27 =	vld.idx.msk [tilespmem:v52+s4+$0x0], $0xffff  }
0x24b: {  	v54 =	vadd.s32 $0x1C00, v24;
	_ =	sdelay $0x2  }
0x24c: {  	[tilespmem:s18+$0x9870] =	vst v25  }
0x24d: {  	v25 =	vld.idx.msk [tilespmem:v53+s4+$0x0], $0xffff;
	[tilespmem:s21+$0x9870] =	vst v27  }
0x24e: {  	v55 =	vadd.s32 $0x1C00, v15;
	v27 =	vld.idx.msk [tilespmem:v54+s4+$0x0], $0xffff  }
0x24f: {  	v56 =	vadd.s32 $0x1C00, v23;
	_ =	sdelay $0x2  }
0x250: {  	[tilespmem:s18+$0x9C00] =	vst v25  }
0x251: {  	v25 =	vld.idx.msk [tilespmem:v55+s4+$0x0], $0xffff;
	[tilespmem:s21+$0x9C00] =	vst v27  }
0x252: {  	v57 =	vadd.s32 $0x1C00, v14;
	v27 =	vld.idx.msk [tilespmem:v56+s4+$0x0], $0xffff  }
0x253: {  	v58 =	vadd.s32 $0x1C00, v22;
	_ =	sdelay $0x2  }
0x254: {  	[tilespmem:s18+$0x9C10] =	vst v25  }
0x255: {  	v25 =	vld.idx.msk [tilespmem:v57+s4+$0x0], $0xffff;
	[tilespmem:s21+$0x9C10] =	vst v27  }
0x256: {  	v59 =	vadd.s32 $0x1C00, v13;
	v27 =	vld.idx.msk [tilespmem:v58+s4+$0x0], $0xffff  }
0x257: {  	v60 =	vadd.s32 $0x1C00, v21;
	_ =	sdelay $0x2  }
0x258: {  	[tilespmem:s18+$0x9C20] =	vst v25  }
0x259: {  	v25 =	vld.idx.msk [tilespmem:v59+s4+$0x0], $0xffff;
	[tilespmem:s21+$0x9C20] =	vst v27  }
0x25a: {  	v61 =	vadd.s32 $0x1C00, v12;
	v27 =	vld.idx.msk [tilespmem:v60+s4+$0x0], $0xffff  }
0x25b: {  	v62 =	vadd.s32 $0x1C00, v20;
	_ =	sdelay $0x2  }
0x25c: {  	[tilespmem:s18+$0x9C30] =	vst v25  }
0x25d: {  	v25 =	vld.idx.msk [tilespmem:v61+s4+$0x0], $0xffff;
	[tilespmem:s21+$0x9C30] =	vst v27  }
0x25e: {  	v63 =	vadd.s32 $0x1C00, v11;
	v27 =	vld.idx.msk [tilespmem:v62+s4+$0x0], $0xffff  }
0x25f: {  	v32 =	vadd.s32 $0x1C00, v19;
	_ =	sdelay $0x2  }
0x260: {  	[tilespmem:s18+$0x9C40] =	vst v25  }
0x261: {  	v25 =	vld.idx.msk [tilespmem:v63+s4+$0x0], $0xffff;
	[tilespmem:s21+$0x9C40] =	vst v27  }
0x262: {  	v33 =	vadd.s32 $0x1C00, v10;
	v27 =	vld.idx.msk [tilespmem:v32+s4+$0x0], $0xffff  }
0x263: {  	v34 =	vadd.s32 $0x1C00, v18;
	_ =	sdelay $0x2  }
0x264: {  	[tilespmem:s18+$0x9C50] =	vst v25  }
0x265: {  	v25 =	vld.idx.msk [tilespmem:v33+s4+$0x0], $0xffff;
	[tilespmem:s21+$0x9C50] =	vst v27  }
0x266: {  	v35 =	vadd.s32 $0x1C00, v9;
	v27 =	vld.idx.msk [tilespmem:v34+s4+$0x0], $0xffff  }
0x267: {  	v36 =	vadd.s32 $0x1C00, v17;
	_ =	sdelay $0x2  }
0x268: {  	[tilespmem:s18+$0x9C60] =	vst v25  }
0x269: {  	v25 =	vld.idx.msk [tilespmem:v35+s4+$0x0], $0xffff;
	[tilespmem:s21+$0x9C60] =	vst v27  }
0x26a: {  	v37 =	vadd.s32 $0x2000, v16;
	v27 =	vld.idx.msk [tilespmem:v36+s4+$0x0], $0xffff  }
0x26b: {  	v38 =	vadd.s32 $0x2000, v24;
	_ =	sdelay $0x2  }
0x26c: {  	[tilespmem:s18+$0x9C70] =	vst v25  }
0x26d: {  	v25 =	vld.idx.msk [tilespmem:v37+s4+$0x0], $0xffff;
	[tilespmem:s21+$0x9C70] =	vst v27  }
0x26e: {  	v39 =	vadd.s32 $0x2000, v15;
	v27 =	vld.idx.msk [tilespmem:v38+s4+$0x0], $0xffff  }
0x26f: {  	v40 =	vadd.s32 $0x2000, v23;
	_ =	sdelay $0x2  }
0x270: {  	[tilespmem:s18+$0xA000] =	vst v25  }
0x271: {  	v25 =	vld.idx.msk [tilespmem:v39+s4+$0x0], $0xffff;
	[tilespmem:s21+$0xA000] =	vst v27  }
0x272: {  	v41 =	vadd.s32 $0x2000, v14;
	v27 =	vld.idx.msk [tilespmem:v40+s4+$0x0], $0xffff  }
0x273: {  	v42 =	vadd.s32 $0x2000, v22;
	_ =	sdelay $0x2  }
0x274: {  	[tilespmem:s18+$0xA010] =	vst v25  }
0x275: {  	v25 =	vld.idx.msk [tilespmem:v41+s4+$0x0], $0xffff;
	[tilespmem:s21+$0xA010] =	vst v27  }
0x276: {  	v43 =	vadd.s32 $0x2000, v13;
	v27 =	vld.idx.msk [tilespmem:v42+s4+$0x0], $0xffff  }
0x277: {  	v44 =	vadd.s32 $0x2000, v21;
	_ =	sdelay $0x2  }
0x278: {  	[tilespmem:s18+$0xA020] =	vst v25  }
0x279: {  	v25 =	vld.idx.msk [tilespmem:v43+s4+$0x0], $0xffff;
	[tilespmem:s21+$0xA020] =	vst v27  }
0x27a: {  	v45 =	vadd.s32 $0x2000, v12;
	v27 =	vld.idx.msk [tilespmem:v44+s4+$0x0], $0xffff  }
0x27b: {  	v46 =	vadd.s32 $0x2000, v20;
	_ =	sdelay $0x2  }
0x27c: {  	[tilespmem:s18+$0xA030] =	vst v25  }
0x27d: {  	v25 =	vld.idx.msk [tilespmem:v45+s4+$0x0], $0xffff;
	[tilespmem:s21+$0xA030] =	vst v27  }
0x27e: {  	v47 =	vadd.s32 $0x2000, v11;
	v27 =	vld.idx.msk [tilespmem:v46+s4+$0x0], $0xffff  }
0x27f: {  	v48 =	vadd.s32 $0x2000, v19;
	_ =	sdelay $0x2  }
0x280: {  	[tilespmem:s18+$0xA040] =	vst v25  }
0x281: {  	v25 =	vld.idx.msk [tilespmem:v47+s4+$0x0], $0xffff;
	[tilespmem:s21+$0xA040] =	vst v27  }
0x282: {  	v49 =	vadd.s32 $0x2000, v10;
	v27 =	vld.idx.msk [tilespmem:v48+s4+$0x0], $0xffff  }
0x283: {  	v50 =	vadd.s32 $0x2000, v18;
	_ =	sdelay $0x2  }
0x284: {  	[tilespmem:s18+$0xA050] =	vst v25  }
0x285: {  	v25 =	vld.idx.msk [tilespmem:v49+s4+$0x0], $0xffff;
	[tilespmem:s21+$0xA050] =	vst v27  }
0x286: {  	v51 =	vadd.s32 $0x2000, v9;
	v27 =	vld.idx.msk [tilespmem:v50+s4+$0x0], $0xffff  }
0x287: {  	v52 =	vadd.s32 $0x2000, v17;
	_ =	sdelay $0x2  }
0x288: {  	[tilespmem:s18+$0xA060] =	vst v25  }
0x289: {  	v25 =	vld.idx.msk [tilespmem:v51+s4+$0x0], $0xffff;
	[tilespmem:s21+$0xA060] =	vst v27  }
0x28a: {  	v53 =	vadd.s32 $0x2400, v16;
	v27 =	vld.idx.msk [tilespmem:v52+s4+$0x0], $0xffff  }
0x28b: {  	v54 =	vadd.s32 $0x2400, v24;
	_ =	sdelay $0x2  }
0x28c: {  	[tilespmem:s18+$0xA070] =	vst v25  }
0x28d: {  	v25 =	vld.idx.msk [tilespmem:v53+s4+$0x0], $0xffff;
	[tilespmem:s21+$0xA070] =	vst v27  }
0x28e: {  	v55 =	vadd.s32 $0x2400, v15;
	v27 =	vld.idx.msk [tilespmem:v54+s4+$0x0], $0xffff  }
0x28f: {  	v56 =	vadd.s32 $0x2400, v23;
	_ =	sdelay $0x2  }
0x290: {  	[tilespmem:s18+$0xA400] =	vst v25  }
0x291: {  	v25 =	vld.idx.msk [tilespmem:v55+s4+$0x0], $0xffff;
	[tilespmem:s21+$0xA400] =	vst v27  }
0x292: {  	v57 =	vadd.s32 $0x2400, v14;
	v27 =	vld.idx.msk [tilespmem:v56+s4+$0x0], $0xffff  }
0x293: {  	v58 =	vadd.s32 $0x2400, v22;
	_ =	sdelay $0x2  }
0x294: {  	[tilespmem:s18+$0xA410] =	vst v25  }
0x295: {  	v25 =	vld.idx.msk [tilespmem:v57+s4+$0x0], $0xffff;
	[tilespmem:s21+$0xA410] =	vst v27  }
0x296: {  	v59 =	vadd.s32 $0x2400, v13;
	v27 =	vld.idx.msk [tilespmem:v58+s4+$0x0], $0xffff  }
0x297: {  	v60 =	vadd.s32 $0x2400, v21;
	_ =	sdelay $0x2  }
0x298: {  	[tilespmem:s18+$0xA420] =	vst v25  }
0x299: {  	v25 =	vld.idx.msk [tilespmem:v59+s4+$0x0], $0xffff;
	[tilespmem:s21+$0xA420] =	vst v27  }
0x29a: {  	v61 =	vadd.s32 $0x2400, v12;
	v27 =	vld.idx.msk [tilespmem:v60+s4+$0x0], $0xffff  }
0x29b: {  	v62 =	vadd.s32 $0x2400, v20;
	_ =	sdelay $0x2  }
0x29c: {  	[tilespmem:s18+$0xA430] =	vst v25  }
0x29d: {  	v25 =	vld.idx.msk [tilespmem:v61+s4+$0x0], $0xffff;
	[tilespmem:s21+$0xA430] =	vst v27  }
0x29e: {  	v63 =	vadd.s32 $0x2400, v11;
	v27 =	vld.idx.msk [tilespmem:v62+s4+$0x0], $0xffff  }
0x29f: {  	v32 =	vadd.s32 $0x2400, v19;
	_ =	sdelay $0x2  }
0x2a0: {  	[tilespmem:s18+$0xA440] =	vst v25  }
0x2a1: {  	v25 =	vld.idx.msk [tilespmem:v63+s4+$0x0], $0xffff;
	[tilespmem:s21+$0xA440] =	vst v27  }
0x2a2: {  	v33 =	vadd.s32 $0x2400, v10;
	v27 =	vld.idx.msk [tilespmem:v32+s4+$0x0], $0xffff  }
0x2a3: {  	v34 =	vadd.s32 $0x2400, v18;
	_ =	sdelay $0x2  }
0x2a4: {  	[tilespmem:s18+$0xA450] =	vst v25  }
0x2a5: {  	v25 =	vld.idx.msk [tilespmem:v33+s4+$0x0], $0xffff;
	[tilespmem:s21+$0xA450] =	vst v27  }
0x2a6: {  	v35 =	vadd.s32 $0x2400, v9;
	v27 =	vld.idx.msk [tilespmem:v34+s4+$0x0], $0xffff  }
0x2a7: {  	v36 =	vadd.s32 $0x2400, v17;
	_ =	sdelay $0x2  }
0x2a8: {  	[tilespmem:s18+$0xA460] =	vst v25  }
0x2a9: {  	v25 =	vld.idx.msk [tilespmem:v35+s4+$0x0], $0xffff;
	[tilespmem:s21+$0xA460] =	vst v27  }
0x2aa: {  	v37 =	vadd.s32 $0x2800, v16;
	v27 =	vld.idx.msk [tilespmem:v36+s4+$0x0], $0xffff  }
0x2ab: {  	v38 =	vadd.s32 $0x2800, v24;
	_ =	sdelay $0x2  }
0x2ac: {  	[tilespmem:s18+$0xA470] =	vst v25  }
0x2ad: {  	v25 =	vld.idx.msk [tilespmem:v37+s4+$0x0], $0xffff;
	[tilespmem:s21+$0xA470] =	vst v27  }
0x2ae: {  	v39 =	vadd.s32 $0x2800, v15;
	v27 =	vld.idx.msk [tilespmem:v38+s4+$0x0], $0xffff  }
0x2af: {  	v40 =	vadd.s32 $0x2800, v23;
	_ =	sdelay $0x2  }
0x2b0: {  	[tilespmem:s18+$0xA800] =	vst v25  }
0x2b1: {  	v25 =	vld.idx.msk [tilespmem:v39+s4+$0x0], $0xffff;
	[tilespmem:s21+$0xA800] =	vst v27  }
0x2b2: {  	v41 =	vadd.s32 $0x2800, v14;
	v27 =	vld.idx.msk [tilespmem:v40+s4+$0x0], $0xffff  }
0x2b3: {  	v42 =	vadd.s32 $0x2800, v22;
	_ =	sdelay $0x2  }
0x2b4: {  	[tilespmem:s18+$0xA810] =	vst v25  }
0x2b5: {  	v25 =	vld.idx.msk [tilespmem:v41+s4+$0x0], $0xffff;
	[tilespmem:s21+$0xA810] =	vst v27  }
0x2b6: {  	v43 =	vadd.s32 $0x2800, v13;
	v27 =	vld.idx.msk [tilespmem:v42+s4+$0x0], $0xffff  }
0x2b7: {  	v44 =	vadd.s32 $0x2800, v21;
	_ =	sdelay $0x2  }
0x2b8: {  	[tilespmem:s18+$0xA820] =	vst v25  }
0x2b9: {  	v25 =	vld.idx.msk [tilespmem:v43+s4+$0x0], $0xffff;
	[tilespmem:s21+$0xA820] =	vst v27  }
0x2ba: {  	v45 =	vadd.s32 $0x2800, v12;
	v27 =	vld.idx.msk [tilespmem:v44+s4+$0x0], $0xffff  }
0x2bb: {  	v46 =	vadd.s32 $0x2800, v20;
	_ =	sdelay $0x2  }
0x2bc: {  	[tilespmem:s18+$0xA830] =	vst v25  }
0x2bd: {  	v25 =	vld.idx.msk [tilespmem:v45+s4+$0x0], $0xffff;
	[tilespmem:s21+$0xA830] =	vst v27  }
0x2be: {  	v47 =	vadd.s32 $0x2800, v11;
	v27 =	vld.idx.msk [tilespmem:v46+s4+$0x0], $0xffff  }
0x2bf: {  	v48 =	vadd.s32 $0x2800, v19;
	_ =	sdelay $0x2  }
0x2c0: {  	[tilespmem:s18+$0xA840] =	vst v25  }
0x2c1: {  	v25 =	vld.idx.msk [tilespmem:v47+s4+$0x0], $0xffff;
	[tilespmem:s21+$0xA840] =	vst v27  }
0x2c2: {  	v49 =	vadd.s32 $0x2800, v10;
	v27 =	vld.idx.msk [tilespmem:v48+s4+$0x0], $0xffff  }
0x2c3: {  	v50 =	vadd.s32 $0x2800, v18;
	_ =	sdelay $0x2  }
0x2c4: {  	[tilespmem:s18+$0xA850] =	vst v25  }
0x2c5: {  	v25 =	vld.idx.msk [tilespmem:v49+s4+$0x0], $0xffff;
	[tilespmem:s21+$0xA850] =	vst v27  }
0x2c6: {  	v51 =	vadd.s32 $0x2800, v9;
	v27 =	vld.idx.msk [tilespmem:v50+s4+$0x0], $0xffff  }
0x2c7: {  	v52 =	vadd.s32 $0x2800, v17;
	_ =	sdelay $0x2  }
0x2c8: {  	[tilespmem:s18+$0xA860] =	vst v25  }
0x2c9: {  	v25 =	vld.idx.msk [tilespmem:v51+s4+$0x0], $0xffff;
	[tilespmem:s21+$0xA860] =	vst v27  }
0x2ca: {  	v53 =	vadd.s32 $0x2C00, v16;
	v27 =	vld.idx.msk [tilespmem:v52+s4+$0x0], $0xffff  }
0x2cb: {  	v54 =	vadd.s32 $0x2C00, v24;
	_ =	sdelay $0x2  }
0x2cc: {  	[tilespmem:s18+$0xA870] =	vst v25  }
0x2cd: {  	v25 =	vld.idx.msk [tilespmem:v53+s4+$0x0], $0xffff;
	[tilespmem:s21+$0xA870] =	vst v27  }
0x2ce: {  	v55 =	vadd.s32 $0x2C00, v15;
	v27 =	vld.idx.msk [tilespmem:v54+s4+$0x0], $0xffff  }
0x2cf: {  	v56 =	vadd.s32 $0x2C00, v23;
	_ =	sdelay $0x2  }
0x2d0: {  	[tilespmem:s18+$0xAC00] =	vst v25  }
0x2d1: {  	v25 =	vld.idx.msk [tilespmem:v55+s4+$0x0], $0xffff;
	[tilespmem:s21+$0xAC00] =	vst v27  }
0x2d2: {  	v57 =	vadd.s32 $0x2C00, v14;
	v27 =	vld.idx.msk [tilespmem:v56+s4+$0x0], $0xffff  }
0x2d3: {  	v58 =	vadd.s32 $0x2C00, v22;
	_ =	sdelay $0x2  }
0x2d4: {  	[tilespmem:s18+$0xAC10] =	vst v25  }
0x2d5: {  	v25 =	vld.idx.msk [tilespmem:v57+s4+$0x0], $0xffff;
	[tilespmem:s21+$0xAC10] =	vst v27  }
0x2d6: {  	v59 =	vadd.s32 $0x2C00, v13;
	v27 =	vld.idx.msk [tilespmem:v58+s4+$0x0], $0xffff  }
0x2d7: {  	v60 =	vadd.s32 $0x2C00, v21;
	_ =	sdelay $0x2  }
0x2d8: {  	[tilespmem:s18+$0xAC20] =	vst v25  }
0x2d9: {  	v25 =	vld.idx.msk [tilespmem:v59+s4+$0x0], $0xffff;
	[tilespmem:s21+$0xAC20] =	vst v27  }
0x2da: {  	v61 =	vadd.s32 $0x2C00, v12;
	v27 =	vld.idx.msk [tilespmem:v60+s4+$0x0], $0xffff  }
0x2db: {  	v62 =	vadd.s32 $0x2C00, v20;
	_ =	sdelay $0x2  }
0x2dc: {  	[tilespmem:s18+$0xAC30] =	vst v25  }
0x2dd: {  	v25 =	vld.idx.msk [tilespmem:v61+s4+$0x0], $0xffff;
	[tilespmem:s21+$0xAC30] =	vst v27  }
0x2de: {  	v63 =	vadd.s32 $0x2C00, v11;
	v27 =	vld.idx.msk [tilespmem:v62+s4+$0x0], $0xffff  }
0x2df: {  	v32 =	vadd.s32 $0x2C00, v19;
	_ =	sdelay $0x2  }
0x2e0: {  	[tilespmem:s18+$0xAC40] =	vst v25  }
0x2e1: {  	v25 =	vld.idx.msk [tilespmem:v63+s4+$0x0], $0xffff;
	[tilespmem:s21+$0xAC40] =	vst v27  }
0x2e2: {  	v33 =	vadd.s32 $0x2C00, v10;
	v27 =	vld.idx.msk [tilespmem:v32+s4+$0x0], $0xffff  }
0x2e3: {  	v34 =	vadd.s32 $0x2C00, v18;
	_ =	sdelay $0x2  }
0x2e4: {  	[tilespmem:s18+$0xAC50] =	vst v25  }
0x2e5: {  	v25 =	vld.idx.msk [tilespmem:v33+s4+$0x0], $0xffff;
	[tilespmem:s21+$0xAC50] =	vst v27  }
0x2e6: {  	v35 =	vadd.s32 $0x2C00, v9;
	v27 =	vld.idx.msk [tilespmem:v34+s4+$0x0], $0xffff  }
0x2e7: {  	v36 =	vadd.s32 $0x2C00, v17;
	_ =	sdelay $0x2  }
0x2e8: {  	[tilespmem:s18+$0xAC60] =	vst v25  }
0x2e9: {  	v25 =	vld.idx.msk [tilespmem:v35+s4+$0x0], $0xffff;
	[tilespmem:s21+$0xAC60] =	vst v27  }
0x2ea: {  	v37 =	vadd.s32 $0x3000, v16;
	v27 =	vld.idx.msk [tilespmem:v36+s4+$0x0], $0xffff  }
0x2eb: {  	v38 =	vadd.s32 $0x3000, v24;
	_ =	sdelay $0x2  }
0x2ec: {  	[tilespmem:s18+$0xAC70] =	vst v25  }
0x2ed: {  	v25 =	vld.idx.msk [tilespmem:v37+s4+$0x0], $0xffff;
	[tilespmem:s21+$0xAC70] =	vst v27  }
0x2ee: {  	v39 =	vadd.s32 $0x3000, v15;
	v27 =	vld.idx.msk [tilespmem:v38+s4+$0x0], $0xffff  }
0x2ef: {  	v40 =	vadd.s32 $0x3000, v23  }
0x2f0: {  	s16 =	sor.u32 s17, s16  }
0x2f1: {  	s17 =	sor.u32 $0x3000, s16  }
0x2f2: {  	[tilespmem:s17+$0x8000] =	vst v25  }
0x2f3: {  	v25 =	vld.idx.msk [tilespmem:v39+s4+$0x0], $0xffff;
	[tilespmem:s21+$0xB000] =	vst v27  }
0x2f4: {  	v41 =	vadd.s32 $0x3000, v14;
	v27 =	vld.idx.msk [tilespmem:v40+s4+$0x0], $0xffff  }
0x2f5: {  	v42 =	vadd.s32 $0x3000, v22;
	_ =	sdelay $0x1  }
0x2f6: {  	s29 =	sor.u32 $0x3010, s16  }
0x2f7: {  	[tilespmem:s29+$0x8000] =	vst v25  }
0x2f8: {  	v25 =	vld.idx.msk [tilespmem:v41+s4+$0x0], $0xffff;
	[tilespmem:s21+$0xB010] =	vst v27  }
0x2f9: {  	v43 =	vadd.s32 $0x3000, v13;
	v27 =	vld.idx.msk [tilespmem:v42+s4+$0x0], $0xffff  }
0x2fa: {  	v44 =	vadd.s32 $0x3000, v21;
	_ =	sdelay $0x1  }
0x2fb: {  	s30 =	sor.u32 $0x3020, s16  }
0x2fc: {  	[tilespmem:s30+$0x8000] =	vst v25  }
0x2fd: {  	v25 =	vld.idx.msk [tilespmem:v43+s4+$0x0], $0xffff;
	[tilespmem:s21+$0xB020] =	vst v27  }
0x2fe: {  	v45 =	vadd.s32 $0x3000, v12;
	v27 =	vld.idx.msk [tilespmem:v44+s4+$0x0], $0xffff  }
0x2ff: {  	v46 =	vadd.s32 $0x3000, v20;
	_ =	sdelay $0x1  }
0x300: {  	s31 =	sor.u32 $0x3030, s16  }
0x301: {  	[tilespmem:s31+$0x8000] =	vst v25  }
0x302: {  	v25 =	vld.idx.msk [tilespmem:v45+s4+$0x0], $0xffff;
	[tilespmem:s21+$0xB030] =	vst v27  }
0x303: {  	v47 =	vadd.s32 $0x3000, v11;
	v27 =	vld.idx.msk [tilespmem:v46+s4+$0x0], $0xffff  }
0x304: {  	v48 =	vadd.s32 $0x3000, v19;
	_ =	sdelay $0x1  }
0x305: {  	s18 =	sor.u32 $0x3040, s16  }
0x306: {  	[tilespmem:s18+$0x8000] =	vst v25  }
0x307: {  	v25 =	vld.idx.msk [tilespmem:v47+s4+$0x0], $0xffff;
	[tilespmem:s21+$0xB040] =	vst v27  }
0x308: {  	v49 =	vadd.s32 $0x3000, v10;
	v27 =	vld.idx.msk [tilespmem:v48+s4+$0x0], $0xffff  }
0x309: {  	v50 =	vadd.s32 $0x3000, v18;
	_ =	sdelay $0x1  }
0x30a: {  	s22 =	sor.u32 $0x3050, s16  }
0x30b: {  	[tilespmem:s22+$0x8000] =	vst v25  }
0x30c: {  	v25 =	vld.idx.msk [tilespmem:v49+s4+$0x0], $0xffff;
	[tilespmem:s21+$0xB050] =	vst v27  }
0x30d: {  	v51 =	vadd.s32 $0x3000, v9;
	v27 =	vld.idx.msk [tilespmem:v50+s4+$0x0], $0xffff  }
0x30e: {  	v52 =	vadd.s32 $0x3000, v17;
	_ =	sdelay $0x1  }
0x30f: {  	s23 =	sor.u32 $0x3060, s16  }
0x310: {  	[tilespmem:s23+$0x8000] =	vst v25  }
0x311: {  	v25 =	vld.idx.msk [tilespmem:v51+s4+$0x0], $0xffff;
	[tilespmem:s21+$0xB060] =	vst v27  }
0x312: {  	v53 =	vadd.s32 $0x3400, v16;
	v27 =	vld.idx.msk [tilespmem:v52+s4+$0x0], $0xffff  }
0x313: {  	v54 =	vadd.s32 $0x3400, v24;
	_ =	sdelay $0x1  }
0x314: {  	s24 =	sor.u32 $0x3070, s16  }
0x315: {  	[tilespmem:s24+$0x8000] =	vst v25  }
0x316: {  	v25 =	vld.idx.msk [tilespmem:v53+s4+$0x0], $0xffff;
	[tilespmem:s21+$0xB070] =	vst v27  }
0x317: {  	v55 =	vadd.s32 $0x3400, v15;
	v27 =	vld.idx.msk [tilespmem:v54+s4+$0x0], $0xffff  }
0x318: {  	v56 =	vadd.s32 $0x3400, v23;
	_ =	sdelay $0x1  }
0x319: {  	s25 =	sor.u32 $0x3400, s16  }
0x31a: {  	[tilespmem:s25+$0x8000] =	vst v25  }
0x31b: {  	v25 =	vld.idx.msk [tilespmem:v55+s4+$0x0], $0xffff;
	[tilespmem:s21+$0xB400] =	vst v27  }
0x31c: {  	v57 =	vadd.s32 $0x3400, v14;
	v27 =	vld.idx.msk [tilespmem:v56+s4+$0x0], $0xffff  }
0x31d: {  	v58 =	vadd.s32 $0x3400, v22;
	_ =	sdelay $0x1  }
0x31e: {  	s26 =	sor.u32 $0x3410, s16  }
0x31f: {  	[tilespmem:s26+$0x8000] =	vst v25  }
0x320: {  	v25 =	vld.idx.msk [tilespmem:v57+s4+$0x0], $0xffff;
	[tilespmem:s21+$0xB410] =	vst v27  }
0x321: {  	v59 =	vadd.s32 $0x3400, v13;
	v27 =	vld.idx.msk [tilespmem:v58+s4+$0x0], $0xffff  }
0x322: {  	v60 =	vadd.s32 $0x3400, v21;
	_ =	sdelay $0x1  }
0x323: {  	s28 =	sor.u32 $0x3420, s16  }
0x324: {  	[tilespmem:s28+$0x8000] =	vst v25  }
0x325: {  	v25 =	vld.idx.msk [tilespmem:v59+s4+$0x0], $0xffff;
	[tilespmem:s21+$0xB420] =	vst v27  }
0x326: {  	v61 =	vadd.s32 $0x3400, v12;
	v27 =	vld.idx.msk [tilespmem:v60+s4+$0x0], $0xffff  }
0x327: {  	v62 =	vadd.s32 $0x3400, v20;
	_ =	sdelay $0x1  }
0x328: {  	s29 =	sor.u32 $0x3430, s16  }
0x329: {  	[tilespmem:s29+$0x8000] =	vst v25  }
0x32a: {  	v25 =	vld.idx.msk [tilespmem:v61+s4+$0x0], $0xffff;
	[tilespmem:s21+$0xB430] =	vst v27  }
0x32b: {  	v63 =	vadd.s32 $0x3400, v11;
	v27 =	vld.idx.msk [tilespmem:v62+s4+$0x0], $0xffff  }
0x32c: {  	v32 =	vadd.s32 $0x3400, v19;
	_ =	sdelay $0x1  }
0x32d: {  	s30 =	sor.u32 $0x3440, s16  }
0x32e: {  	[tilespmem:s30+$0x8000] =	vst v25  }
0x32f: {  	v25 =	vld.idx.msk [tilespmem:v63+s4+$0x0], $0xffff;
	[tilespmem:s21+$0xB440] =	vst v27  }
0x330: {  	v33 =	vadd.s32 $0x3400, v10;
	v27 =	vld.idx.msk [tilespmem:v32+s4+$0x0], $0xffff  }
0x331: {  	v34 =	vadd.s32 $0x3400, v18;
	_ =	sdelay $0x1  }
0x332: {  	s31 =	sor.u32 $0x3450, s16  }
0x333: {  	[tilespmem:s31+$0x8000] =	vst v25  }
0x334: {  	v25 =	vld.idx.msk [tilespmem:v33+s4+$0x0], $0xffff;
	[tilespmem:s21+$0xB450] =	vst v27  }
0x335: {  	v35 =	vadd.s32 $0x3400, v9;
	v27 =	vld.idx.msk [tilespmem:v34+s4+$0x0], $0xffff  }
0x336: {  	v36 =	vadd.s32 $0x3400, v17;
	_ =	sdelay $0x1  }
0x337: {  	s18 =	sor.u32 $0x3460, s16  }
0x338: {  	[tilespmem:s18+$0x8000] =	vst v25  }
0x339: {  	v25 =	vld.idx.msk [tilespmem:v35+s4+$0x0], $0xffff;
	[tilespmem:s21+$0xB460] =	vst v27  }
0x33a: {  	v37 =	vadd.s32 $0x3800, v16;
	v27 =	vld.idx.msk [tilespmem:v36+s4+$0x0], $0xffff  }
0x33b: {  	v38 =	vadd.s32 $0x3800, v24;
	_ =	sdelay $0x1  }
0x33c: {  	s22 =	sor.u32 $0x3470, s16  }
0x33d: {  	[tilespmem:s22+$0x8000] =	vst v25  }
0x33e: {  	v25 =	vld.idx.msk [tilespmem:v37+s4+$0x0], $0xffff;
	[tilespmem:s21+$0xB470] =	vst v27  }
0x33f: {  	v39 =	vadd.s32 $0x3800, v15;
	v27 =	vld.idx.msk [tilespmem:v38+s4+$0x0], $0xffff  }
0x340: {  	v40 =	vadd.s32 $0x3800, v23;
	_ =	sdelay $0x1  }
0x341: {  	s17 =	sor.u32 s20, s19;
	s23 =	sor.u32 $0x3800, s16  }
0x342: {  	s24 =	sor.u32 $0x3800, s17;
	[tilespmem:s23+$0x8000] =	vst v25  }
0x343: {  	v25 =	vld.idx.msk [tilespmem:v39+s4+$0x0], $0xffff;
	[tilespmem:s24+$0x8000] =	vst v27  }
0x344: {  	v41 =	vadd.s32 $0x3800, v14;
	v27 =	vld.idx.msk [tilespmem:v40+s4+$0x0], $0xffff  }
0x345: {  	v42 =	vadd.s32 $0x3800, v22;
	_ =	sdelay $0x1  }
0x346: {  	s25 =	sor.u32 $0x3810, s16  }
0x347: {  	s26 =	sor.u32 $0x3810, s17;
	[tilespmem:s25+$0x8000] =	vst v25  }
0x348: {  	v25 =	vld.idx.msk [tilespmem:v41+s4+$0x0], $0xffff;
	[tilespmem:s26+$0x8000] =	vst v27  }
0x349: {  	v43 =	vadd.s32 $0x3800, v13;
	v27 =	vld.idx.msk [tilespmem:v42+s4+$0x0], $0xffff  }
0x34a: {  	v44 =	vadd.s32 $0x3800, v21;
	_ =	sdelay $0x1  }
0x34b: {  	s28 =	sor.u32 $0x3820, s16  }
0x34c: {  	s29 =	sor.u32 $0x3820, s17;
	[tilespmem:s28+$0x8000] =	vst v25  }
0x34d: {  	v25 =	vld.idx.msk [tilespmem:v43+s4+$0x0], $0xffff;
	[tilespmem:s29+$0x8000] =	vst v27  }
0x34e: {  	v45 =	vadd.s32 $0x3800, v12;
	v27 =	vld.idx.msk [tilespmem:v44+s4+$0x0], $0xffff  }
0x34f: {  	v46 =	vadd.s32 $0x3800, v20;
	_ =	sdelay $0x1  }
0x350: {  	s30 =	sor.u32 $0x3830, s16  }
0x351: {  	s31 =	sor.u32 $0x3830, s17;
	[tilespmem:s30+$0x8000] =	vst v25  }
0x352: {  	v25 =	vld.idx.msk [tilespmem:v45+s4+$0x0], $0xffff;
	[tilespmem:s31+$0x8000] =	vst v27  }
0x353: {  	v47 =	vadd.s32 $0x3800, v11;
	v27 =	vld.idx.msk [tilespmem:v46+s4+$0x0], $0xffff  }
0x354: {  	v48 =	vadd.s32 $0x3800, v19;
	_ =	sdelay $0x1  }
0x355: {  	s19 =	sor.u32 $0x3840, s16  }
0x356: {  	s20 =	sor.u32 $0x3840, s17;
	[tilespmem:s19+$0x8000] =	vst v25  }
0x357: {  	v25 =	vld.idx.msk [tilespmem:v47+s4+$0x0], $0xffff;
	[tilespmem:s20+$0x8000] =	vst v27  }
0x358: {  	v49 =	vadd.s32 $0x3800, v10;
	v27 =	vld.idx.msk [tilespmem:v48+s4+$0x0], $0xffff  }
0x359: {  	v50 =	vadd.s32 $0x3800, v18;
	_ =	sdelay $0x1  }
0x35a: {  	s21 =	sor.u32 $0x3850, s16  }
0x35b: {  	s22 =	sor.u32 $0x3850, s17;
	[tilespmem:s21+$0x8000] =	vst v25  }
0x35c: {  	v25 =	vld.idx.msk [tilespmem:v49+s4+$0x0], $0xffff;
	[tilespmem:s22+$0x8000] =	vst v27  }
0x35d: {  	v51 =	vadd.s32 $0x3800, v9;
	v27 =	vld.idx.msk [tilespmem:v50+s4+$0x0], $0xffff  }
0x35e: {  	v52 =	vadd.s32 $0x3800, v17;
	_ =	sdelay $0x1  }
0x35f: {  	s23 =	sor.u32 $0x3860, s16  }
0x360: {  	s24 =	sor.u32 $0x3860, s17;
	[tilespmem:s23+$0x8000] =	vst v25  }
0x361: {  	v25 =	vld.idx.msk [tilespmem:v51+s4+$0x0], $0xffff;
	[tilespmem:s24+$0x8000] =	vst v27  }
0x362: {  	v16 =	vadd.s32 $0x3C00, v16;
	v53 =	vld.idx.msk [tilespmem:v52+s4+$0x0], $0xffff  }
0x363: {  	v24 =	vadd.s32 $0x3C00, v24;
	_ =	sdelay $0x1  }
0x364: {  	s25 =	sor.u32 $0x3870, s16  }
0x365: {  	s26 =	sor.u32 $0x3870, s17;
	[tilespmem:s25+$0x8000] =	vst v25  }
0x366: {  	v16 =	vld.idx.msk [tilespmem:v16+s4+$0x0], $0xffff;
	[tilespmem:s26+$0x8000] =	vst v53  }
0x367: {  	v15 =	vadd.s32 $0x3C00, v15;
	v24 =	vld.idx.msk [tilespmem:v24+s4+$0x0], $0xffff  }
0x368: {  	v23 =	vadd.s32 $0x3C00, v23;
	_ =	sdelay $0x1  }
0x369: {  	s28 =	sor.u32 $0x3C00, s16  }
0x36a: {  	s29 =	sor.u32 $0x3C00, s17;
	[tilespmem:s28+$0x8000] =	vst v16  }
0x36b: {  	v15 =	vld.idx.msk [tilespmem:v15+s4+$0x0], $0xffff;
	[tilespmem:s29+$0x8000] =	vst v24  }
0x36c: {  	v14 =	vadd.s32 $0x3C00, v14;
	v54 =	vld.idx.msk [tilespmem:v23+s4+$0x0], $0xffff  }
0x36d: {  	v22 =	vadd.s32 $0x3C00, v22;
	_ =	sdelay $0x1  }
0x36e: {  	s30 =	sor.u32 $0x3C10, s16  }
0x36f: {  	s31 =	sor.u32 $0x3C10, s17;
	[tilespmem:s30+$0x8000] =	vst v15  }
0x370: {  	v14 =	vld.idx.msk [tilespmem:v14+s4+$0x0], $0xffff;
	[tilespmem:s31+$0x8000] =	vst v54  }
0x371: {  	v13 =	vadd.s32 $0x3C00, v13;
	v55 =	vld.idx.msk [tilespmem:v22+s4+$0x0], $0xffff  }
0x372: {  	v56 =	vadd.s32 $0x3C00, v21;
	_ =	sdelay $0x1  }
0x373: {  	s19 =	sor.u32 $0x3C20, s16  }
0x374: {  	s20 =	sor.u32 $0x3C20, s17;
	[tilespmem:s19+$0x8000] =	vst v14  }
0x375: {  	v13 =	vld.idx.msk [tilespmem:v13+s4+$0x0], $0xffff;
	[tilespmem:s20+$0x8000] =	vst v55  }
0x376: {  	v12 =	vadd.s32 $0x3C00, v12;
	v57 =	vld.idx.msk [tilespmem:v56+s4+$0x0], $0xffff  }
0x377: {  	v58 =	vadd.s32 $0x3C00, v20;
	_ =	sdelay $0x1  }
0x378: {  	s21 =	sor.u32 $0x3C30, s16  }
0x379: {  	s22 =	sor.u32 $0x3C30, s17;
	[tilespmem:s21+$0x8000] =	vst v13  }
0x37a: {  	v12 =	vld.idx.msk [tilespmem:v12+s4+$0x0], $0xffff;
	[tilespmem:s22+$0x8000] =	vst v57  }
0x37b: {  	v11 =	vadd.s32 $0x3C00, v11;
	v59 =	vld.idx.msk [tilespmem:v58+s4+$0x0], $0xffff  }
0x37c: {  	v60 =	vadd.s32 $0x3C00, v19;
	_ =	sdelay $0x1  }
0x37d: {  	s23 =	sor.u32 $0x3C40, s16  }
0x37e: {  	s24 =	sor.u32 $0x3C40, s17;
	[tilespmem:s23+$0x8000] =	vst v12  }
0x37f: {  	v11 =	vld.idx.msk [tilespmem:v11+s4+$0x0], $0xffff;
	[tilespmem:s24+$0x8000] =	vst v59  }
0x380: {  	v10 =	vadd.s32 $0x3C00, v10;
	v61 =	vld.idx.msk [tilespmem:v60+s4+$0x0], $0xffff  }
0x381: {  	v62 =	vadd.s32 $0x3C00, v18;
	_ =	sdelay $0x1  }
0x382: {  	s25 =	sor.u32 $0x3C50, s16  }
0x383: {  	s26 =	sor.u32 $0x3C50, s17;
	[tilespmem:s25+$0x8000] =	vst v11  }
0x384: {  	v10 =	vld.idx.msk [tilespmem:v10+s4+$0x0], $0xffff;
	[tilespmem:s26+$0x8000] =	vst v61  }
0x385: {  	v9 =	vadd.s32 $0x3C00, v9;
	v11 =	vld.idx.msk [tilespmem:v62+s4+$0x0], $0xffff  }
0x386: {  	v63 =	vadd.s32 $0x3C00, v17;
	_ =	sdelay $0x1  }
0x387: {  	s28 =	sor.u32 $0x3C60, s16  }
0x388: {  	s29 =	sor.u32 $0x3C60, s17;
	[tilespmem:s28+$0x8000] =	vst v10  }
0x389: {  	v9 =	vld.idx.msk [tilespmem:v9+s4+$0x0], $0xffff;
	[tilespmem:s29+$0x8000] =	vst v11  }
0x38a: {  	p0 =	slt.u32 s15, $0x6;
	v10 =	vld.idx.msk [tilespmem:v63+s4+$0x0], $0xffff  }
.Ltmp0:
0x38b: {  	_ = 	snop;
	(pc) =	sbr.rel @p0 .LBB2_3-.Ltmp0, $4  }
0x38c: {  	_ = 	snop  }
0x38d: {  	s16 =	sor.u32 $0x3C70, s16  }
0x38e: {  	s30 =	sor.u32 $0x3C70, s17;
	s31 =	sadd.s32 $0x2, s15;
	[tilespmem:s16+$0x8000] =	vst v9  }
0x38f: {  	s15 =	smov.u32 s31;
	[tilespmem:s30+$0x8000] =	vst v10  }
0x390: {  	p0 =	sne.s32 s11, $0x40  }
.Ltmp1:
0x391: {  	s12 =	sadd.s32 s6, s12;
	(pc) =	sbr.rel @p0 .LBB2_2-.Ltmp1, $4  }
0x392: {  	s14 =	sshll.u32 s13, $0xE;
	s12 =	sshll.u32 s12, $0xB  }
0x393: {  	s31 =	sadd.s32 $0x3, s13;
	s14 =	sor.u32 $0x8000, s14;
	s12 =	sadd.s32 s3, s12  }
0x394: {  	[hbm4b:s12+s4] =	stream.linear.scatter [tilespmem:s14], [sflag:s31], $0x4000, $0x38;
	[tilespmem:$0x10000] =	vst v63  }
0x395: {  	s12 =	smov.u32 s11  }
0x396: {  	s10 =	sadd.s32 $0x1, s10  }
0x397: {  	_ =	swait.ge [sflag:s8], $0x4000;
	p0 =	sne.s32 s10, s7  }
.Ltmp2:
0x398: {  	[sflag:s8] =	ssyncset.done $0x0;
	(pc) =	sbr.rel @p0 .LBB2_1-.Ltmp2, $4  }
0x399: {  	[sflag:s8] =	ssyncadd.s32 $0xFFFFC000  }
0x39a: {  	_ =	swait.ge [sflag:s9], $0x4000  }
0x39b: {  	[sflag:s9] =	ssyncset.done $0x0  }
0x39c: {  	[sflag:s9] =	ssyncadd.s32 $0xFFFFC000  }
0x39d: {  	_ =	sfence.sel $0x180000  }
0x39e: {  	[bflag:$0x0] =	sbarrier.arrive $0xFFFF  }
0x39f: {  	p0 =	sne.s32 s2, $0x0;
	_ =	strace $0x90000047  }
0x3a0: {  	s0 =	sadd.s32 @!p0 $0x100000, s0;
	[bflag:$0x2] =	sbarrier.arrive $0xFFFF  }
0x3a1: {  	[sflag:s0] =	ssyncadd.tile.s32 @!p0 $0x1;
	_ =	shalt  }
.Lfunc_end2:
_tile_overlayer_lowered:
.L_overlay_start_2:
0x3a2: {  	(tag) =	ssettag $0x2  }
0x3a3: {  	s0 =	rddreg [dreg:$0x0];
	s2 =	stileid.u32  }
0x3a4: {  	s1 =	rddreg [dreg:$0x1];
	p0 =	sne.s32 s2, $0x0  }
0x3a5: {  	s3 =	rddreg [dreg:$0x2];
	[bflag:$0x3] =	sbarrier.arrive $0xFFFF;
	s2 =	simm.s32 @!p0 $0x1C05  }
0x3a6: {  	[timem:s3], [sflag:s2] =	dma.local @!p0 [hbm:s0], s1  }
0x3a7: {  	s0 =	simm.s32 @!p0 $0x5  }
0x3a8: {  	_ =	swait.ge @!p0 [sflag:s0], s1  }
0x3a9: {  	s1 =	ssub.s32 @!p0 $0x0, s1;
	[sflag:s0] =	ssyncset.done @!p0 $0x0  }
0x3aa: {  	[sflag:s0] =	ssyncadd.s32 @!p0 s1  }
0x3ab: {  	[bflag:$0x3] =	sbarrier.arrive $0xFFFF  }
0x3ac: {  	_ =	shalt  }

</sc_bundles>
